<compile_context>
chip_gen: v7x
topology: tpu7x:2x2x1
jax: 0.10.2.dev20260603
libtpu: 0.0.44.dev20260713+nightly
codegen_flags: <defaults>
</compile_context>

<pallas_src>
import jax
import jax.numpy as jnp
from jax import lax
from jax.experimental import pallas as pl
from jax.experimental.pallas import tpu as pltpu
from jax.experimental.pallas import tpu_sc as plsc

DIM = 128
B = 16384
NCOMB = 4096

NC = 2
NS = 16
NW = NC * NS
L = 16
BPW = B // NW
CH = 128
NCHUNK = BPW // CH

_HI = lax.Precision.HIGHEST


def _tables_body(p_t, a_t, o_t, g_t, ws, wc, bs, bc, tr_ref, ti_ref, s_ref, c_ref):
    def dot(x, y):
        return jnp.dot(x, y, preferred_element_type=jnp.float32, precision=_HI)
    kk = lax.broadcasted_iota(jnp.int32, (NCOMB, 1), 0)
    ohp = (kk // 2048 == lax.broadcasted_iota(jnp.int32, (NCOMB, 2), 1)).astype(jnp.float32)
    oha = ((kk // 256) % 8 == lax.broadcasted_iota(jnp.int32, (NCOMB, 8), 1)).astype(jnp.float32)
    oho = ((kk // 16) % 16 == lax.broadcasted_iota(jnp.int32, (NCOMB, 16), 1)).astype(jnp.float32)
    ohg = (kk % 16 == lax.broadcasted_iota(jnp.int32, (NCOMB, 16), 1)).astype(jnp.float32)
    o_ = o_t[...]
    g_ = g_t[...]
    tr = dot(ohp, p_t[...]) + dot(oho, o_[:, :DIM]) + dot(ohg, g_[:, :DIM])
    ti = dot(oha, a_t[...]) + dot(oho, o_[:, DIM:]) + dot(ohg, g_[:, DIM:])
    tr_ref[...] = tr
    ti_ref[...] = ti
    w_s = ws[...]
    w_c = wc[...]
    s = dot(tr, w_s[:DIM]) + dot(ti, w_s[DIM:]) + bs[...]
    c = dot(tr, w_c[:DIM]) + dot(ti, w_c[DIM:]) + bc[...]
    s_ref[...] = s.reshape(NCOMB // 128, 128)
    c_ref[...] = c.reshape(NCOMB // 128, 128)


def _build_tables(p_t, a_t, o_t, g_t, ws, wc, bs, bc):
    return pl.pallas_call(
        _tables_body,
        out_shape=[
            jax.ShapeDtypeStruct((NCOMB, DIM), jnp.float32),
            jax.ShapeDtypeStruct((NCOMB, DIM), jnp.float32),
            jax.ShapeDtypeStruct((NCOMB // 128, 128), jnp.float32),
            jax.ShapeDtypeStruct((NCOMB // 128, 128), jnp.float32),
        ],
    )(p_t, a_t, o_t, g_t, ws, wc, bs, bc)


def _sc_body(tr_h, ti_h, s_h, c_h, p_h, a_h, o_h, g_h, nz_h,
             re_h, im_h, sal_h, conf_h,
             kidx, pv, av, ov, gv, nzv, sv, cv, salv, confv,
             bufr0, bufr1, bufi0, bufi1,
             grs0, grs1, gis0, gis1, ors0, ors1, ois0, ois1):
    wid = lax.axis_index("s") * NC + lax.axis_index("c")
    base = wid * BPW
    sl_in = pl.ds(base, BPW)
    idx_cp = [
        pltpu.async_copy(p_h.at[sl_in], pv, grs0),
        pltpu.async_copy(a_h.at[sl_in], av, grs0),
        pltpu.async_copy(o_h.at[sl_in], ov, grs0),
        pltpu.async_copy(g_h.at[sl_in], gv, grs0),
    ]
    aux_cp = [
        pltpu.async_copy(nz_h.at[sl_in], nzv, gis0),
        pltpu.async_copy(s_h, sv, gis0),
        pltpu.async_copy(c_h, cv, gis0),
    ]
    for h in idx_cp:
        h.wait()

    bufr = (bufr0, bufr1)
    bufi = (bufi0, bufi1)
    grs = (grs0, grs1)
    gis = (gis0, gis1)
    ors = (ors0, ors1)
    ois = (ois0, ois1)
    ghr = [None, None]
    ghi = [None, None]
    ohr = [None, None]
    ohi = [None, None]
    for c in range(NCHUNK):
        for j in range(CH // L):
            sl = pl.ds(c * CH + j * L, L)
            kv = ((pv[sl] * 8 + av[sl]) * 16 + ov[sl]) * 16 + gv[sl]
            kidx[c, pl.ds(j * L, L)] = kv
        slot = c % 2
        if ohr[slot] is not None:
            ohr[slot].wait()
            ohi[slot].wait()
        ghr[slot] = pltpu.async_copy(tr_h.at[kidx.at[c]], bufr[slot], grs[slot])
        ghi[slot] = pltpu.async_copy(ti_h.at[kidx.at[c]], bufi[slot], gis[slot])
        if c >= 1:
            prev = (c - 1) % 2
            dst = pl.ds(base + (c - 1) * CH, CH)
            ghr[prev].wait()
            ohr[prev] = pltpu.async_copy(bufr[prev], re_h.at[dst], ors[prev])
            ghi[prev].wait()
            ohi[prev] = pltpu.async_copy(bufi[prev], im_h.at[dst], ois[prev])
    last = (NCHUNK - 1) % 2
    dst = pl.ds(base + (NCHUNK - 1) * CH, CH)
    ghr[last].wait()
    ohr[last] = pltpu.async_copy(bufr[last], re_h.at[dst], ors[last])
    ghi[last].wait()
    ohi[last] = pltpu.async_copy(bufi[last], im_h.at[dst], ois[last])
    for h in aux_cp:
        h.wait()
    for c in range(NCHUNK):
        for j in range(CH // L):
            sl = pl.ds(c * CH + j * L, L)
            kv = kidx[c, pl.ds(j * L, L)]
            krow = lax.shift_right_logical(kv, 7)
            kcol = jnp.bitwise_and(kv, 127)
            salv[sl] = plsc.load_gather(sv, [krow, kcol]) + nzv[sl]
            cl = plsc.load_gather(cv, [krow, kcol])
            confv[sl] = 1.0 / (1.0 + jnp.exp(-cl))
    pltpu.sync_copy(salv, sal_h.at[pl.ds(base, BPW)])
    pltpu.sync_copy(confv, conf_h.at[pl.ds(base, BPW)])
    for h in ohr + ohi:
        if h is not None:
            h.wait()


def _sc_lookup(*args):
    return pl.kernel(
        _sc_body,
        out_type=[
            jax.ShapeDtypeStruct((B, DIM), jnp.float32),
            jax.ShapeDtypeStruct((B, DIM), jnp.float32),
            jax.ShapeDtypeStruct((B,), jnp.float32),
            jax.ShapeDtypeStruct((B,), jnp.float32),
        ],
        mesh=plsc.VectorSubcoreMesh(
            core_axis_name="c", subcore_axis_name="s",
            num_cores=NC, num_subcores=NS),
        compiler_params=pltpu.CompilerParams(needs_layout_passes=False),
        scratch_types=[
            pltpu.VMEM((NCHUNK, CH), jnp.int32),
            pltpu.VMEM((BPW,), jnp.int32),
            pltpu.VMEM((BPW,), jnp.int32),
            pltpu.VMEM((BPW,), jnp.int32),
            pltpu.VMEM((BPW,), jnp.int32),
            pltpu.VMEM((BPW,), jnp.float32),
            pltpu.VMEM((NCOMB // 128, 128), jnp.float32),
            pltpu.VMEM((NCOMB // 128, 128), jnp.float32),
            pltpu.VMEM((BPW,), jnp.float32),
            pltpu.VMEM((BPW,), jnp.float32),
            pltpu.VMEM((CH, DIM), jnp.float32),
            pltpu.VMEM((CH, DIM), jnp.float32),
            pltpu.VMEM((CH, DIM), jnp.float32),
            pltpu.VMEM((CH, DIM), jnp.float32),
            pltpu.SemaphoreType.DMA,
            pltpu.SemaphoreType.DMA,
            pltpu.SemaphoreType.DMA,
            pltpu.SemaphoreType.DMA,
            pltpu.SemaphoreType.DMA,
            pltpu.SemaphoreType.DMA,
            pltpu.SemaphoreType.DMA,
            pltpu.SemaphoreType.DMA,
        ],
    )(*args)


def kernel(p_idx, a_idx, o_idx, g_idx, noise, perspective_emb, audio_dir_emb,
           olfactory_loc_emb, gustatory_loc_emb, W_sal, b_sal, W_conf, b_conf):
    f32 = jnp.float32
    bs = b_sal.reshape(1, 1).astype(f32)
    bc = b_conf.reshape(1, 1).astype(f32)

    tr, ti, s, c = _build_tables(
        perspective_emb.astype(f32), audio_dir_emb.astype(f32),
        olfactory_loc_emb.astype(f32), gustatory_loc_emb.astype(f32),
        W_sal.astype(f32), W_conf.astype(f32), bs, bc)

    re, im, sal, conf = _sc_lookup(
        tr, ti, s, c,
        p_idx.astype(jnp.int32), a_idx.astype(jnp.int32),
        o_idx.astype(jnp.int32), g_idx.astype(jnp.int32),
        noise.astype(f32).reshape(B))

    proposal = lax.complex(re, im)
    return proposal, sal.reshape(B, 1), conf.reshape(B, 1)

# --- scband reference (transcript-rebuilt; emitter-appended) ---
"""Pipeline reference for scband-sensory-module-27650999452287 (READ-ONLY COPY).

The authoritative reference and input builder live on the scoring server;
editing this copy changes nothing except your own understanding.
"""

import jax, jax.numpy as jnp
import numpy as np

DIM = 128
B = 16384
N_PERSPECTIVES = 2
N_AUDIO_LOCS = 8
N_CHEM_LOCS = 16


def setup_inputs(seed: int = 0) -> dict:
    key = jax.random.key(seed)
    ks = jax.random.split(key, 13)
    return {
        "p_idx": jax.random.randint(ks[0], (B,), 0, N_PERSPECTIVES),
        "a_idx": jax.random.randint(ks[1], (B,), 0, N_AUDIO_LOCS),
        "o_idx": jax.random.randint(ks[2], (B,), 0, N_CHEM_LOCS),
        "g_idx": jax.random.randint(ks[3], (B,), 0, N_CHEM_LOCS),
        "noise": jax.random.normal(ks[4], (B, 1), dtype=jnp.float32),
        "perspective_emb": jax.random.normal(ks[5], (N_PERSPECTIVES, DIM), dtype=jnp.float32),
        "audio_dir_emb": jax.random.normal(ks[6], (N_AUDIO_LOCS, DIM), dtype=jnp.float32),
        "olfactory_loc_emb": jax.random.normal(ks[7], (N_CHEM_LOCS, 2 * DIM), dtype=jnp.float32),
        "gustatory_loc_emb": jax.random.normal(ks[8], (N_CHEM_LOCS, 2 * DIM), dtype=jnp.float32),
        "W_sal": jax.random.normal(ks[9], (2 * DIM, 1), dtype=jnp.float32) * (1.0 / np.sqrt(2 * DIM)),
        "b_sal": jnp.zeros((1,), dtype=jnp.float32),
        "W_conf": jax.random.normal(ks[10], (2 * DIM, 1), dtype=jnp.float32) * (1.0 / np.sqrt(2 * DIM)),
        "b_conf": jnp.zeros((1,), dtype=jnp.float32),
    }


def reference(p_idx, a_idx, o_idx, g_idx, noise, perspective_emb, audio_dir_emb,
              olfactory_loc_emb, gustatory_loc_emb, W_sal, b_sal, W_conf, b_conf):
    # embedding lookups (gathers)
    p_emb = jnp.take(perspective_emb, p_idx, axis=0)
    a_emb = jnp.take(audio_dir_emb, a_idx, axis=0)
    chem_vec = jnp.take(olfactory_loc_emb, o_idx, axis=0) + jnp.take(gustatory_loc_emb, g_idx, axis=0)
    chem_real = chem_vec[:, :DIM]
    chem_imag = chem_vec[:, DIM:]
    combined_real = p_emb + chem_real
    combined_imag = a_emb + chem_imag
    proposal = jax.lax.complex(combined_real, combined_imag)
    flat = jnp.concatenate([combined_real, combined_imag], axis=-1)
    salience = flat @ W_sal + b_sal + noise
    confidence = jax.nn.sigmoid(flat @ W_conf + b_conf)
    return (proposal, salience, confidence)

if __name__ == "__main__":
    import jax
    _d = setup_inputs()
    print(jax.jit(kernel)(*tuple(_d.values())))

</pallas_src>

<mosaic_0001>
#map = affine_map<(d0, d1) -> (0, 0)>
#map1 = affine_map<(d0, d1) -> (0)>
module attributes {stable_mosaic.version = 14 : i64} {
  func.func @_sc_body(%arg0: i32, %arg1: i32, %arg2: memref<4096x128xf32, #tpu.memory_space<hbm>>, %arg3: memref<4096x128xf32, #tpu.memory_space<hbm>>, %arg4: memref<32x128xf32, #tpu.memory_space<hbm>>, %arg5: memref<32x128xf32, #tpu.memory_space<hbm>>, %arg6: memref<16384xi32, #tpu.memory_space<hbm>>, %arg7: memref<16384xi32, #tpu.memory_space<hbm>>, %arg8: memref<16384xi32, #tpu.memory_space<hbm>>, %arg9: memref<16384xi32, #tpu.memory_space<hbm>>, %arg10: memref<16384xf32, #tpu.memory_space<hbm>>, %arg11: memref<16384x128xf32, #tpu.memory_space<hbm>>, %arg12: memref<16384x128xf32, #tpu.memory_space<hbm>>, %arg13: memref<16384xf32, #tpu.memory_space<hbm>>, %arg14: memref<16384xf32, #tpu.memory_space<hbm>>, %arg15: memref<4x128xi32, #tpu.memory_space<vmem>>, %arg16: memref<512xi32, #tpu.memory_space<vmem>>, %arg17: memref<512xi32, #tpu.memory_space<vmem>>, %arg18: memref<512xi32, #tpu.memory_space<vmem>>, %arg19: memref<512xi32, #tpu.memory_space<vmem>>, %arg20: memref<512xf32, #tpu.memory_space<vmem>>, %arg21: memref<32x128xf32, #tpu.memory_space<vmem>>, %arg22: memref<32x128xf32, #tpu.memory_space<vmem>>, %arg23: memref<512xf32, #tpu.memory_space<vmem>>, %arg24: memref<512xf32, #tpu.memory_space<vmem>>, %arg25: memref<128x128xf32, #tpu.memory_space<vmem>>, %arg26: memref<128x128xf32, #tpu.memory_space<vmem>>, %arg27: memref<128x128xf32, #tpu.memory_space<vmem>>, %arg28: memref<128x128xf32, #tpu.memory_space<vmem>>, %arg29: memref<!tpu.dma_semaphore, #tpu.memory_space<semaphore_mem>>, %arg30: memref<!tpu.dma_semaphore, #tpu.memory_space<semaphore_mem>>, %arg31: memref<!tpu.dma_semaphore, #tpu.memory_space<semaphore_mem>>, %arg32: memref<!tpu.dma_semaphore, #tpu.memory_space<semaphore_mem>>, %arg33: memref<!tpu.dma_semaphore, #tpu.memory_space<semaphore_mem>>, %arg34: memref<!tpu.dma_semaphore, #tpu.memory_space<semaphore_mem>>, %arg35: memref<!tpu.dma_semaphore, #tpu.memory_space<semaphore_mem>>, %arg36: memref<!tpu.dma_semaphore, #tpu.memory_space<semaphore_mem>>) attributes {dimension_semantics = [#tpu.dimension_semantics<core_parallel>, #tpu.dimension_semantics<subcore_parallel>], iteration_bounds = array<i64: 2, 16>, scalar_prefetch = 0 : i64, scratch_operands = 22 : i64, tpu.core_type = #tpu.core_type<sc_vector_subcore>, window_params = [{transform_indices = #map}, {transform_indices = #map}, {transform_indices = #map}, {transform_indices = #map}, {transform_indices = #map1}, {transform_indices = #map1}, {transform_indices = #map1}, {transform_indices = #map1}, {transform_indices = #map1}, {transform_indices = #map}, {transform_indices = #map}, {transform_indices = #map1}, {transform_indices = #map1}]} {
    %mul3A = arith.constant 2 : i32
    %mul3A_0 = arith.muli %arg1, %mul3A : i32
    %add3A = arith.addi %mul3A_0, %arg0 : i32
    %mul3A_1 = arith.constant 512 : i32
    %mul3A_2 = arith.muli %add3A, %mul3A_1 : i32
    %dma_start3A = tpu.memref_slice %arg6[%mul3A_2] : memref<16384xi32, #tpu.memory_space<hbm>> -> memref<512xi32, #tpu.memory_space<hbm>>
    %dma_start3A_3 = tpu.memref_slice %arg6[%mul3A_2] : memref<16384xi32, #tpu.memory_space<hbm>> -> memref<512xi32, #tpu.memory_space<hbm>>
    tpu.enqueue_dma source(%dma_start3A_3 : memref<512xi32, #tpu.memory_space<hbm>>) target(%arg16 : memref<512xi32, #tpu.memory_space<vmem>>) target_semaphore(%arg29 : memref<!tpu.dma_semaphore, #tpu.memory_space<semaphore_mem>>)
    %dma_start3A_4 = tpu.memref_slice %arg7[%mul3A_2] : memref<16384xi32, #tpu.memory_space<hbm>> -> memref<512xi32, #tpu.memory_space<hbm>>
    %dma_start3A_5 = tpu.memref_slice %arg7[%mul3A_2] : memref<16384xi32, #tpu.memory_space<hbm>> -> memref<512xi32, #tpu.memory_space<hbm>>
    tpu.enqueue_dma source(%dma_start3A_5 : memref<512xi32, #tpu.memory_space<hbm>>) target(%arg17 : memref<512xi32, #tpu.memory_space<vmem>>) target_semaphore(%arg29 : memref<!tpu.dma_semaphore, #tpu.memory_space<semaphore_mem>>)
    %dma_start3A_6 = tpu.memref_slice %arg8[%mul3A_2] : memref<16384xi32, #tpu.memory_space<hbm>> -> memref<512xi32, #tpu.memory_space<hbm>>
    %dma_start3A_7 = tpu.memref_slice %arg8[%mul3A_2] : memref<16384xi32, #tpu.memory_space<hbm>> -> memref<512xi32, #tpu.memory_space<hbm>>
    tpu.enqueue_dma source(%dma_start3A_7 : memref<512xi32, #tpu.memory_space<hbm>>) target(%arg18 : memref<512xi32, #tpu.memory_space<vmem>>) target_semaphore(%arg29 : memref<!tpu.dma_semaphore, #tpu.memory_space<semaphore_mem>>)
    %dma_start3A_8 = tpu.memref_slice %arg9[%mul3A_2] : memref<16384xi32, #tpu.memory_space<hbm>> -> memref<512xi32, #tpu.memory_space<hbm>>
    %dma_start3A_9 = tpu.memref_slice %arg9[%mul3A_2] : memref<16384xi32, #tpu.memory_space<hbm>> -> memref<512xi32, #tpu.memory_space<hbm>>
    tpu.enqueue_dma source(%dma_start3A_9 : memref<512xi32, #tpu.memory_space<hbm>>) target(%arg19 : memref<512xi32, #tpu.memory_space<vmem>>) target_semaphore(%arg29 : memref<!tpu.dma_semaphore, #tpu.memory_space<semaphore_mem>>)
    %dma_start3A_10 = tpu.memref_slice %arg10[%mul3A_2] : memref<16384xf32, #tpu.memory_space<hbm>> -> memref<512xf32, #tpu.memory_space<hbm>>
    %dma_start3A_11 = tpu.memref_slice %arg10[%mul3A_2] : memref<16384xf32, #tpu.memory_space<hbm>> -> memref<512xf32, #tpu.memory_space<hbm>>
    tpu.enqueue_dma source(%dma_start3A_11 : memref<512xf32, #tpu.memory_space<hbm>>) target(%arg20 : memref<512xf32, #tpu.memory_space<vmem>>) target_semaphore(%arg31 : memref<!tpu.dma_semaphore, #tpu.memory_space<semaphore_mem>>)
    tpu.enqueue_dma source(%arg4 : memref<32x128xf32, #tpu.memory_space<hbm>>) target(%arg21 : memref<32x128xf32, #tpu.memory_space<vmem>>) target_semaphore(%arg31 : memref<!tpu.dma_semaphore, #tpu.memory_space<semaphore_mem>>)
    tpu.enqueue_dma source(%arg5 : memref<32x128xf32, #tpu.memory_space<hbm>>) target(%arg22 : memref<32x128xf32, #tpu.memory_space<vmem>>) target_semaphore(%arg31 : memref<!tpu.dma_semaphore, #tpu.memory_space<semaphore_mem>>)
    %dma_wait3A = tpu.memref_slice %arg6[%mul3A_2] : memref<16384xi32, #tpu.memory_space<hbm>> -> memref<512xi32, #tpu.memory_space<hbm>>
    %dma_wait3A_12 = tpu.memref_slice %arg6[%mul3A_2] : memref<16384xi32, #tpu.memory_space<hbm>> -> memref<512xi32, #tpu.memory_space<hbm>>
    tpu.wait_dma2 semaphore(%arg29 : memref<!tpu.dma_semaphore, #tpu.memory_space<semaphore_mem>>) src(%dma_wait3A_12 : memref<512xi32, #tpu.memory_space<hbm>>) dst(%arg16 : memref<512xi32, #tpu.memory_space<vmem>>)
    %dma_wait3A_13 = tpu.memref_slice %arg7[%mul3A_2] : memref<16384xi32, #tpu.memory_space<hbm>> -> memref<512xi32, #tpu.memory_space<hbm>>
    %dma_wait3A_14 = tpu.memref_slice %arg7[%mul3A_2] : memref<16384xi32, #tpu.memory_space<hbm>> -> memref<512xi32, #tpu.memory_space<hbm>>
    tpu.wait_dma2 semaphore(%arg29 : memref<!tpu.dma_semaphore, #tpu.memory_space<semaphore_mem>>) src(%dma_wait3A_14 : memref<512xi32, #tpu.memory_space<hbm>>) dst(%arg17 : memref<512xi32, #tpu.memory_space<vmem>>)
    %dma_wait3A_15 = tpu.memref_slice %arg8[%mul3A_2] : memref<16384xi32, #tpu.memory_space<hbm>> -> memref<512xi32, #tpu.memory_space<hbm>>
    %dma_wait3A_16 = tpu.memref_slice %arg8[%mul3A_2] : memref<16384xi32, #tpu.memory_space<hbm>> -> memref<512xi32, #tpu.memory_space<hbm>>
    tpu.wait_dma2 semaphore(%arg29 : memref<!tpu.dma_semaphore, #tpu.memory_space<semaphore_mem>>) src(%dma_wait3A_16 : memref<512xi32, #tpu.memory_space<hbm>>) dst(%arg18 : memref<512xi32, #tpu.memory_space<vmem>>)
    %dma_wait3A_17 = tpu.memref_slice %arg9[%mul3A_2] : memref<16384xi32, #tpu.memory_space<hbm>> -> memref<512xi32, #tpu.memory_space<hbm>>
    %dma_wait3A_18 = tpu.memref_slice %arg9[%mul3A_2] : memref<16384xi32, #tpu.memory_space<hbm>> -> memref<512xi32, #tpu.memory_space<hbm>>
    tpu.wait_dma2 semaphore(%arg29 : memref<!tpu.dma_semaphore, #tpu.memory_space<semaphore_mem>>) src(%dma_wait3A_18 : memref<512xi32, #tpu.memory_space<hbm>>) dst(%arg19 : memref<512xi32, #tpu.memory_space<vmem>>)
    %get3A = arith.constant 0 : index
    %get3A_19 = tpu.vector_load %arg16[%get3A] {strides = array<i32>} : memref<512xi32, #tpu.memory_space<vmem>>, vector<16xi32>,
    %mul3A_20 = arith.constant 8 : i32
    %mul3A_21 = vector.broadcast %mul3A_20 : i32 to vector<16xi32>
    %mul3A_22 = arith.muli %get3A_19, %mul3A_21 : vector<16xi32>
    %get3A_23 = arith.constant 0 : index
    %get3A_24 = tpu.vector_load %arg17[%get3A_23] {strides = array<i32>} : memref<512xi32, #tpu.memory_space<vmem>>, vector<16xi32>,
    %add3A_25 = arith.addi %mul3A_22, %get3A_24 : vector<16xi32>
    %mul3A_26 = arith.constant 16 : i32
    %mul3A_27 = vector.broadcast %mul3A_26 : i32 to vector<16xi32>
    %mul3A_28 = arith.muli %add3A_25, %mul3A_27 : vector<16xi32>
    %get3A_29 = arith.constant 0 : index
    %get3A_30 = tpu.vector_load %arg18[%get3A_29] {strides = array<i32>} : memref<512xi32, #tpu.memory_space<vmem>>, vector<16xi32>,
    %add3A_31 = arith.addi %mul3A_28, %get3A_30 : vector<16xi32>
    %mul3A_32 = arith.constant 16 : i32
    %mul3A_33 = vector.broadcast %mul3A_32 : i32 to vector<16xi32>
    %mul3A_34 = arith.muli %add3A_31, %mul3A_33 : vector<16xi32>
    %get3A_35 = arith.constant 0 : index
    %get3A_36 = tpu.vector_load %arg19[%get3A_35] {strides = array<i32>} : memref<512xi32, #tpu.memory_space<vmem>>, vector<16xi32>,
    %add3A_37 = arith.addi %mul3A_34, %get3A_36 : vector<16xi32>
    %swap3A = arith.constant 0 : i32
    %swap3A_38 = arith.index_cast %swap3A : i32 to index
    %swap3A_39 = arith.constant 0 : index
    %swap3A_40 = tpu.vector_load %arg15[%swap3A_38, %swap3A_39] {strides = array<i32>} : memref<4x128xi32, #tpu.memory_space<vmem>>, vector<16xi32>,
    tpu.vector_store %arg15[%swap3A_38, %swap3A_39], %add3A_37 {strides = array<i32>} : memref<4x128xi32, #tpu.memory_space<vmem>>, vector<16xi32>,
    %get3A_41 = arith.constant 16 : index
    %get3A_42 = tpu.vector_load %arg16[%get3A_41] {strides = array<i32>} : memref<512xi32, #tpu.memory_space<vmem>>, vector<16xi32>,
    %mul3A_43 = arith.constant 8 : i32
    %mul3A_44 = vector.broadcast %mul3A_43 : i32 to vector<16xi32>
    %mul3A_45 = arith.muli %get3A_42, %mul3A_44 : vector<16xi32>
    %get3A_46 = arith.constant 16 : index
    %get3A_47 = tpu.vector_load %arg17[%get3A_46] {strides = array<i32>} : memref<512xi32, #tpu.memory_space<vmem>>, vector<16xi32>,
    %add3A_48 = arith.addi %mul3A_45, %get3A_47 : vector<16xi32>
    %mul3A_49 = arith.constant 16 : i32
    %mul3A_50 = vector.broadcast %mul3A_49 : i32 to vector<16xi32>
    %mul3A_51 = arith.muli %add3A_48, %mul3A_50 : vector<16xi32>
    %get3A_52 = arith.constant 16 : index
    %get3A_53 = tpu.vector_load %arg18[%get3A_52] {strides = array<i32>} : memref<512xi32, #tpu.memory_space<vmem>>, vector<16xi32>,
    %add3A_54 = arith.addi %mul3A_51, %get3A_53 : vector<16xi32>
    %mul3A_55 = arith.constant 16 : i32
    %mul3A_56 = vector.broadcast %mul3A_55 : i32 to vector<16xi32>
    %mul3A_57 = arith.muli %add3A_54, %mul3A_56 : vector<16xi32>
    %get3A_58 = arith.constant 16 : index
    %get3A_59 = tpu.vector_load %arg19[%get3A_58] {strides = array<i32>} : memref<512xi32, #tpu.memory_space<vmem>>, vector<16xi32>,
    %add3A_60 = arith.addi %mul3A_57, %get3A_59 : vector<16xi32>
    %swap3A_61 = arith.constant 0 : i32
    %swap3A_62 = arith.index_cast %swap3A_61 : i32 to index
    %swap3A_63 = arith.constant 16 : index
    %swap3A_64 = tpu.vector_load %arg15[%swap3A_62, %swap3A_63] {strides = array<i32>} : memref<4x128xi32, #tpu.memory_space<vmem>>, vector<16xi32>,
    tpu.vector_store %arg15[%swap3A_62, %swap3A_63], %add3A_60 {strides = array<i32>} : memref<4x128xi32, #tpu.memory_space<vmem>>, vector<16xi32>,
    %get3A_65 = arith.constant 32 : index
    %get3A_66 = tpu.vector_load %arg16[%get3A_65] {strides = array<i32>} : memref<512xi32, #tpu.memory_space<vmem>>, vector<16xi32>,
    %mul3A_67 = arith.constant 8 : i32
    %mul3A_68 = vector.broadcast %mul3A_67 : i32 to vector<16xi32>
    %mul3A_69 = arith.muli %get3A_66, %mul3A_68 : vector<16xi32>
    %get3A_70 = arith.constant 32 : index
    %get3A_71 = tpu.vector_load %arg17[%get3A_70] {strides = array<i32>} : memref<512xi32, #tpu.memory_space<vmem>>, vector<16xi32>,
    %add3A_72 = arith.addi %mul3A_69, %get3A_71 : vector<16xi32>
    %mul3A_73 = arith.constant 16 : i32
    %mul3A_74 = vector.broadcast %mul3A_73 : i32 to vector<16xi32>
    %mul3A_75 = arith.muli %add3A_72, %mul3A_74 : vector<16xi32>
    %get3A_76 = arith.constant 32 : index
    %get3A_77 = tpu.vector_load %arg18[%get3A_76] {strides = array<i32>} : memref<512xi32, #tpu.memory_space<vmem>>, vector<16xi32>,
    %add3A_78 = arith.addi %mul3A_75, %get3A_77 : vector<16xi32>
    %mul3A_79 = arith.constant 16 : i32
    %mul3A_80 = vector.broadcast %mul3A_79 : i32 to vector<16xi32>
    %mul3A_81 = arith.muli %add3A_78, %mul3A_80 : vector<16xi32>
    %get3A_82 = arith.constant 32 : index
    %get3A_83 = tpu.vector_load %arg19[%get3A_82] {strides = array<i32>} : memref<512xi32, #tpu.memory_space<vmem>>, vector<16xi32>,
    %add3A_84 = arith.addi %mul3A_81, %get3A_83 : vector<16xi32>
    %swap3A_85 = arith.constant 0 : i32
    %swap3A_86 = arith.index_cast %swap3A_85 : i32 to index
    %swap3A_87 = arith.constant 32 : index
    %swap3A_88 = tpu.vector_load %arg15[%swap3A_86, %swap3A_87] {strides = array<i32>} : memref<4x128xi32, #tpu.memory_space<vmem>>, vector<16xi32>,
    tpu.vector_store %arg15[%swap3A_86, %swap3A_87], %add3A_84 {strides = array<i32>} : memref<4x128xi32, #tpu.memory_space<vmem>>, vector<16xi32>,
    %get3A_89 = arith.constant 48 : index
    %get3A_90 = tpu.vector_load %arg16[%get3A_89] {strides = array<i32>} : memref<512xi32, #tpu.memory_space<vmem>>, vector<16xi32>,
    %mul3A_91 = arith.constant 8 : i32
    %mul3A_92 = vector.broadcast %mul3A_91 : i32 to vector<16xi32>
    %mul3A_93 = arith.muli %get3A_90, %mul3A_92 : vector<16xi32>
    %get3A_94 = arith.constant 48 : index
    %get3A_95 = tpu.vector_load %arg17[%get3A_94] {strides = array<i32>} : memref<512xi32, #tpu.memory_space<vmem>>, vector<16xi32>,
    %add3A_96 = arith.addi %mul3A_93, %get3A_95 : vector<16xi32>
    %mul3A_97 = arith.constant 16 : i32
    %mul3A_98 = vector.broadcast %mul3A_97 : i32 to vector<16xi32>
    %mul3A_99 = arith.muli %add3A_96, %mul3A_98 : vector<16xi32>
    %get3A_100 = arith.constant 48 : index
    %get3A_101 = tpu.vector_load %arg18[%get3A_100] {strides = array<i32>} : memref<512xi32, #tpu.memory_space<vmem>>, vector<16xi32>,
    %add3A_102 = arith.addi %mul3A_99, %get3A_101 : vector<16xi32>
    %mul3A_103 = arith.constant 16 : i32
    %mul3A_104 = vector.broadcast %mul3A_103 : i32 to vector<16xi32>
    %mul3A_105 = arith.muli %add3A_102, %mul3A_104 : vector<16xi32>
    %get3A_106 = arith.constant 48 : index
    %get3A_107 = tpu.vector_load %arg19[%get3A_106] {strides = array<i32>} : memref<512xi32, #tpu.memory_space<vmem>>, vector<16xi32>,
    %add3A_108 = arith.addi %mul3A_105, %get3A_107 : vector<16xi32>
    %swap3A_109 = arith.constant 0 : i32
    %swap3A_110 = arith.index_cast %swap3A_109 : i32 to index
    %swap3A_111 = arith.constant 48 : index
    %swap3A_112 = tpu.vector_load %arg15[%swap3A_110, %swap3A_111] {strides = array<i32>} : memref<4x128xi32, #tpu.memory_space<vmem>>, vector<16xi32>,
    tpu.vector_store %arg15[%swap3A_110, %swap3A_111], %add3A_108 {strides = array<i32>} : memref<4x128xi32, #tpu.memory_space<vmem>>, vector<16xi32>,
    %get3A_113 = arith.constant 64 : index
    %get3A_114 = tpu.vector_load %arg16[%get3A_113] {strides = array<i32>} : memref<512xi32, #tpu.memory_space<vmem>>, vector<16xi32>,
    %mul3A_115 = arith.constant 8 : i32
    %mul3A_116 = vector.broadcast %mul3A_115 : i32 to vector<16xi32>
    %mul3A_117 = arith.muli %get3A_114, %mul3A_116 : vector<16xi32>
    %get3A_118 = arith.constant 64 : index
    %get3A_119 = tpu.vector_load %arg17[%get3A_118] {strides = array<i32>} : memref<512xi32, #tpu.memory_space<vmem>>, vector<16xi32>,
    %add3A_120 = arith.addi %mul3A_117, %get3A_119 : vector<16xi32>
    %mul3A_121 = arith.constant 16 : i32
    %mul3A_122 = vector.broadcast %mul3A_121 : i32 to vector<16xi32>
    %mul3A_123 = arith.muli %add3A_120, %mul3A_122 : vector<16xi32>
    %get3A_124 = arith.constant 64 : index
    %get3A_125 = tpu.vector_load %arg18[%get3A_124] {strides = array<i32>} : memref<512xi32, #tpu.memory_space<vmem>>, vector<16xi32>,
    %add3A_126 = arith.addi %mul3A_123, %get3A_125 : vector<16xi32>
    %mul3A_127 = arith.constant 16 : i32
    %mul3A_128 = vector.broadcast %mul3A_127 : i32 to vector<16xi32>
    %mul3A_129 = arith.muli %add3A_126, %mul3A_128 : vector<16xi32>
    %get3A_130 = arith.constant 64 : index
    %get3A_131 = tpu.vector_load %arg19[%get3A_130] {strides = array<i32>} : memref<512xi32, #tpu.memory_space<vmem>>, vector<16xi32>,
    %add3A_132 = arith.addi %mul3A_129, %get3A_131 : vector<16xi32>
    %swap3A_133 = arith.constant 0 : i32
    %swap3A_134 = arith.index_cast %swap3A_133 : i32 to index
    %swap3A_135 = arith.constant 64 : index
    %swap3A_136 = tpu.vector_load %arg15[%swap3A_134, %swap3A_135] {strides = array<i32>} : memref<4x128xi32, #tpu.memory_space<vmem>>, vector<16xi32>,
    tpu.vector_store %arg15[%swap3A_134, %swap3A_135], %add3A_132 {strides = array<i32>} : memref<4x128xi32, #tpu.memory_space<vmem>>, vector<16xi32>,
    %get3A_137 = arith.constant 80 : index
    %get3A_138 = tpu.vector_load %arg16[%get3A_137] {strides = array<i32>} : memref<512xi32, #tpu.memory_space<vmem>>, vector<16xi32>,
    %mul3A_139 = arith.constant 8 : i32
    %mul3A_140 = vector.broadcast %mul3A_139 : i32 to vector<16xi32>
    %mul3A_141 = arith.muli %get3A_138, %mul3A_140 : vector<16xi32>
    %get3A_142 = arith.constant 80 : index
    %get3A_143 = tpu.vector_load %arg17[%get3A_142] {strides = array<i32>} : memref<512xi32, #tpu.memory_space<vmem>>, vector<16xi32>,
    %add3A_144 = arith.addi %mul3A_141, %get3A_143 : vector<16xi32>
    %mul3A_145 = arith.constant 16 : i32
    %mul3A_146 = vector.broadcast %mul3A_145 : i32 to vector<16xi32>
    %mul3A_147 = arith.muli %add3A_144, %mul3A_146 : vector<16xi32>
    %get3A_148 = arith.constant 80 : index
    %get3A_149 = tpu.vector_load %arg18[%get3A_148] {strides = array<i32>} : memref<512xi32, #tpu.memory_space<vmem>>, vector<16xi32>,
    %add3A_150 = arith.addi %mul3A_147, %get3A_149 : vector<16xi32>
    %mul3A_151 = arith.constant 16 : i32
    %mul3A_152 = vector.broadcast %mul3A_151 : i32 to vector<16xi32>
    %mul3A_153 = arith.muli %add3A_150, %mul3A_152 : vector<16xi32>
    %get3A_154 = arith.constant 80 : index
    %get3A_155 = tpu.vector_load %arg19[%get3A_154] {strides = array<i32>} : memref<512xi32, #tpu.memory_space<vmem>>, vector<16xi32>,
    %add3A_156 = arith.addi %mul3A_153, %get3A_155 : vector<16xi32>
    %swap3A_157 = arith.constant 0 : i32
    %swap3A_158 = arith.index_cast %swap3A_157 : i32 to index
    %swap3A_159 = arith.constant 80 : index
    %swap3A_160 = tpu.vector_load %arg15[%swap3A_158, %swap3A_159] {strides = array<i32>} : memref<4x128xi32, #tpu.memory_space<vmem>>, vector<16xi32>,
    tpu.vector_store %arg15[%swap3A_158, %swap3A_159], %add3A_156 {strides = array<i32>} : memref<4x128xi32, #tpu.memory_space<vmem>>, vector<16xi32>,
    %get3A_161 = arith.constant 96 : index
    %get3A_162 = tpu.vector_load %arg16[%get3A_161] {strides = array<i32>} : memref<512xi32, #tpu.memory_space<vmem>>, vector<16xi32>,
    %mul3A_163 = arith.constant 8 : i32
    %mul3A_164 = vector.broadcast %mul3A_163 : i32 to vector<16xi32>
    %mul3A_165 = arith.muli %get3A_162, %mul3A_164 : vector<16xi32>
    %get3A_166 = arith.constant 96 : index
    %get3A_167 = tpu.vector_load %arg17[%get3A_166] {strides = array<i32>} : memref<512xi32, #tpu.memory_space<vmem>>, vector<16xi32>,
    %add3A_168 = arith.addi %mul3A_165, %get3A_167 : vector<16xi32>
    %mul3A_169 = arith.constant 16 : i32
    %mul3A_170 = vector.broadcast %mul3A_169 : i32 to vector<16xi32>
    %mul3A_171 = arith.muli %add3A_168, %mul3A_170 : vector<16xi32>
    %get3A_172 = arith.constant 96 : index
    %get3A_173 = tpu.vector_load %arg18[%get3A_172] {strides = array<i32>} : memref<512xi32, #tpu.memory_space<vmem>>, vector<16xi32>,
    %add3A_174 = arith.addi %mul3A_171, %get3A_173 : vector<16xi32>
    %mul3A_175 = arith.constant 16 : i32
    %mul3A_176 = vector.broadcast %mul3A_175 : i32 to vector<16xi32>
    %mul3A_177 = arith.muli %add3A_174, %mul3A_176 : vector<16xi32>
    %get3A_178 = arith.constant 96 : index
    %get3A_179 = tpu.vector_load %arg19[%get3A_178] {strides = array<i32>} : memref<512xi32, #tpu.memory_space<vmem>>, vector<16xi32>,
    %add3A_180 = arith.addi %mul3A_177, %get3A_179 : vector<16xi32>
    %swap3A_181 = arith.constant 0 : i32
    %swap3A_182 = arith.index_cast %swap3A_181 : i32 to index
    %swap3A_183 = arith.constant 96 : index
    %swap3A_184 = tpu.vector_load %arg15[%swap3A_182, %swap3A_183] {strides = array<i32>} : memref<4x128xi32, #tpu.memory_space<vmem>>, vector<16xi32>,
    tpu.vector_store %arg15[%swap3A_182, %swap3A_183], %add3A_180 {strides = array<i32>} : memref<4x128xi32, #tpu.memory_space<vmem>>, vector<16xi32>,
    %get3A_185 = arith.constant 112 : index
    %get3A_186 = tpu.vector_load %arg16[%get3A_185] {strides = array<i32>} : memref<512xi32, #tpu.memory_space<vmem>>, vector<16xi32>,
    %mul3A_187 = arith.constant 8 : i32
    %mul3A_188 = vector.broadcast %mul3A_187 : i32 to vector<16xi32>
    %mul3A_189 = arith.muli %get3A_186, %mul3A_188 : vector<16xi32>
    %get3A_190 = arith.constant 112 : index
    %get3A_191 = tpu.vector_load %arg17[%get3A_190] {strides = array<i32>} : memref<512xi32, #tpu.memory_space<vmem>>, vector<16xi32>,
    %add3A_192 = arith.addi %mul3A_189, %get3A_191 : vector<16xi32>
    %mul3A_193 = arith.constant 16 : i32
    %mul3A_194 = vector.broadcast %mul3A_193 : i32 to vector<16xi32>
    %mul3A_195 = arith.muli %add3A_192, %mul3A_194 : vector<16xi32>
    %get3A_196 = arith.constant 112 : index
    %get3A_197 = tpu.vector_load %arg18[%get3A_196] {strides = array<i32>} : memref<512xi32, #tpu.memory_space<vmem>>, vector<16xi32>,
    %add3A_198 = arith.addi %mul3A_195, %get3A_197 : vector<16xi32>
    %mul3A_199 = arith.constant 16 : i32
    %mul3A_200 = vector.broadcast %mul3A_199 : i32 to vector<16xi32>
    %mul3A_201 = arith.muli %add3A_198, %mul3A_200 : vector<16xi32>
    %get3A_202 = arith.constant 112 : index
    %get3A_203 = tpu.vector_load %arg19[%get3A_202] {strides = array<i32>} : memref<512xi32, #tpu.memory_space<vmem>>, vector<16xi32>,
    %add3A_204 = arith.addi %mul3A_201, %get3A_203 : vector<16xi32>
    %swap3A_205 = arith.constant 0 : i32
    %swap3A_206 = arith.index_cast %swap3A_205 : i32 to index
    %swap3A_207 = arith.constant 112 : index
    %swap3A_208 = tpu.vector_load %arg15[%swap3A_206, %swap3A_207] {strides = array<i32>} : memref<4x128xi32, #tpu.memory_space<vmem>>, vector<16xi32>,
    tpu.vector_store %arg15[%swap3A_206, %swap3A_207], %add3A_204 {strides = array<i32>} : memref<4x128xi32, #tpu.memory_space<vmem>>, vector<16xi32>,
    %dma_start3A_209 = arith.constant 0 : i32
    %dma_start3A_210 = arith.constant 0 : i32
    %dma_start3A_211 = tpu.memref_slice %arg15[%dma_start3A_209, %dma_start3A_210] : memref<4x128xi32, #tpu.memory_space<vmem>> -> memref<1x128xi32, #tpu.memory_space<vmem>>
    %dma_start3A_212 = tpu.memref_squeeze %dma_start3A_211 : memref<1x128xi32, #tpu.memory_space<vmem>> -> memref<128xi32, #tpu.memory_space<vmem>>
    %dma_start3A_213 = arith.constant 0 : i32
    %dma_start3A_214 = arith.constant 0 : i32
    %dma_start3A_215 = tpu.memref_slice %arg2[%dma_start3A_213, %dma_start3A_214] : memref<4096x128xf32, #tpu.memory_space<hbm>> -> memref<4096x128xf32, #tpu.memory_space<hbm>>
    tpu.enqueue_indirect_dma source(%dma_start3A_215 : memref<4096x128xf32, #tpu.memory_space<hbm>>) target(%arg25 : memref<128x128xf32, #tpu.memory_space<vmem>>) offsets(%dma_start3A_212 : memref<128xi32, #tpu.memory_space<vmem>>) semaphore(%arg29 : memref<!tpu.dma_semaphore, #tpu.memory_space<semaphore_mem>>)
    %dma_start3A_216 = arith.constant 0 : i32
    %dma_start3A_217 = arith.constant 0 : i32
    %dma_start3A_218 = tpu.memref_slice %arg15[%dma_start3A_216, %dma_start3A_217] : memref<4x128xi32, #tpu.memory_space<vmem>> -> memref<1x128xi32, #tpu.memory_space<vmem>>
    %dma_start3A_219 = tpu.memref_squeeze %dma_start3A_218 : memref<1x128xi32, #tpu.memory_space<vmem>> -> memref<128xi32, #tpu.memory_space<vmem>>
    %dma_start3A_220 = arith.constant 0 : i32
    %dma_start3A_221 = arith.constant 0 : i32
    %dma_start3A_222 = tpu.memref_slice %arg3[%dma_start3A_220, %dma_start3A_221] : memref<4096x128xf32, #tpu.memory_space<hbm>> -> memref<4096x128xf32, #tpu.memory_space<hbm>>
    tpu.enqueue_indirect_dma source(%dma_start3A_222 : memref<4096x128xf32, #tpu.memory_space<hbm>>) target(%arg27 : memref<128x128xf32, #tpu.memory_space<vmem>>) offsets(%dma_start3A_219 : memref<128xi32, #tpu.memory_space<vmem>>) semaphore(%arg31 : memref<!tpu.dma_semaphore, #tpu.memory_space<semaphore_mem>>)
    %get3A_223 = arith.constant 128 : index
    %get3A_224 = tpu.vector_load %arg16[%get3A_223] {strides = array<i32>} : memref<512xi32, #tpu.memory_space<vmem>>, vector<16xi32>,
    %mul3A_225 = arith.constant 8 : i32
    %mul3A_226 = vector.broadcast %mul3A_225 : i32 to vector<16xi32>
    %mul3A_227 = arith.muli %get3A_224, %mul3A_226 : vector<16xi32>
    %get3A_228 = arith.constant 128 : index
    %get3A_229 = tpu.vector_load %arg17[%get3A_228] {strides = array<i32>} : memref<512xi32, #tpu.memory_space<vmem>>, vector<16xi32>,
    %add3A_230 = arith.addi %mul3A_227, %get3A_229 : vector<16xi32>
    %mul3A_231 = arith.constant 16 : i32
    %mul3A_232 = vector.broadcast %mul3A_231 : i32 to vector<16xi32>
    %mul3A_233 = arith.muli %add3A_230, %mul3A_232 : vector<16xi32>
    %get3A_234 = arith.constant 128 : index
    %get3A_235 = tpu.vector_load %arg18[%get3A_234] {strides = array<i32>} : memref<512xi32, #tpu.memory_space<vmem>>, vector<16xi32>,
    %add3A_236 = arith.addi %mul3A_233, %get3A_235 : vector<16xi32>
    %mul3A_237 = arith.constant 16 : i32
    %mul3A_238 = vector.broadcast %mul3A_237 : i32 to vector<16xi32>
    %mul3A_239 = arith.muli %add3A_236, %mul3A_238 : vector<16xi32>
    %get3A_240 = arith.constant 128 : index
    %get3A_241 = tpu.vector_load %arg19[%get3A_240] {strides = array<i32>} : memref<512xi32, #tpu.memory_space<vmem>>, vector<16xi32>,
    %add3A_242 = arith.addi %mul3A_239, %get3A_241 : vector<16xi32>
    %swap3A_243 = arith.constant 1 : i32
    %swap3A_244 = arith.index_cast %swap3A_243 : i32 to index
    %swap3A_245 = arith.constant 0 : index
    %swap3A_246 = tpu.vector_load %arg15[%swap3A_244, %swap3A_245] {strides = array<i32>} : memref<4x128xi32, #tpu.memory_space<vmem>>, vector<16xi32>,
    tpu.vector_store %arg15[%swap3A_244, %swap3A_245], %add3A_242 {strides = array<i32>} : memref<4x128xi32, #tpu.memory_space<vmem>>, vector<16xi32>,
    %get3A_247 = arith.constant 144 : index
    %get3A_248 = tpu.vector_load %arg16[%get3A_247] {strides = array<i32>} : memref<512xi32, #tpu.memory_space<vmem>>, vector<16xi32>,
    %mul3A_249 = arith.constant 8 : i32
    %mul3A_250 = vector.broadcast %mul3A_249 : i32 to vector<16xi32>
    %mul3A_251 = arith.muli %get3A_248, %mul3A_250 : vector<16xi32>
    %get3A_252 = arith.constant 144 : index
    %get3A_253 = tpu.vector_load %arg17[%get3A_252] {strides = array<i32>} : memref<512xi32, #tpu.memory_space<vmem>>, vector<16xi32>,
    %add3A_254 = arith.addi %mul3A_251, %get3A_253 : vector<16xi32>
    %mul3A_255 = arith.constant 16 : i32
    %mul3A_256 = vector.broadcast %mul3A_255 : i32 to vector<16xi32>
    %mul3A_257 = arith.muli %add3A_254, %mul3A_256 : vector<16xi32>
    %get3A_258 = arith.constant 144 : index
    %get3A_259 = tpu.vector_load %arg18[%get3A_258] {strides = array<i32>} : memref<512xi32, #tpu.memory_space<vmem>>, vector<16xi32>,
    %add3A_260 = arith.addi %mul3A_257, %get3A_259 : vector<16xi32>
    %mul3A_261 = arith.constant 16 : i32
    %mul3A_262 = vector.broadcast %mul3A_261 : i32 to vector<16xi32>
    %mul3A_263 = arith.muli %add3A_260, %mul3A_262 : vector<16xi32>
    %get3A_264 = arith.constant 144 : index
    %get3A_265 = tpu.vector_load %arg19[%get3A_264] {strides = array<i32>} : memref<512xi32, #tpu.memory_space<vmem>>, vector<16xi32>,
    %add3A_266 = arith.addi %mul3A_263, %get3A_265 : vector<16xi32>
    %swap3A_267 = arith.constant 1 : i32
    %swap3A_268 = arith.index_cast %swap3A_267 : i32 to index
    %swap3A_269 = arith.constant 16 : index
    %swap3A_270 = tpu.vector_load %arg15[%swap3A_268, %swap3A_269] {strides = array<i32>} : memref<4x128xi32, #tpu.memory_space<vmem>>, vector<16xi32>,
    tpu.vector_store %arg15[%swap3A_268, %swap3A_269], %add3A_266 {strides = array<i32>} : memref<4x128xi32, #tpu.memory_space<vmem>>, vector<16xi32>,
    %get3A_271 = arith.constant 160 : index
    %get3A_272 = tpu.vector_load %arg16[%get3A_271] {strides = array<i32>} : memref<512xi32, #tpu.memory_space<vmem>>, vector<16xi32>,
    %mul3A_273 = arith.constant 8 : i32
    %mul3A_274 = vector.broadcast %mul3A_273 : i32 to vector<16xi32>
    %mul3A_275 = arith.muli %get3A_272, %mul3A_274 : vector<16xi32>
    %get3A_276 = arith.constant 160 : index
    %get3A_277 = tpu.vector_load %arg17[%get3A_276] {strides = array<i32>} : memref<512xi32, #tpu.memory_space<vmem>>, vector<16xi32>,
    %add3A_278 = arith.addi %mul3A_275, %get3A_277 : vector<16xi32>
    %mul3A_279 = arith.constant 16 : i32
    %mul3A_280 = vector.broadcast %mul3A_279 : i32 to vector<16xi32>
    %mul3A_281 = arith.muli %add3A_278, %mul3A_280 : vector<16xi32>
    %get3A_282 = arith.constant 160 : index
    %get3A_283 = tpu.vector_load %arg18[%get3A_282] {strides = array<i32>} : memref<512xi32, #tpu.memory_space<vmem>>, vector<16xi32>,
    %add3A_284 = arith.addi %mul3A_281, %get3A_283 : vector<16xi32>
    %mul3A_285 = arith.constant 16 : i32
    %mul3A_286 = vector.broadcast %mul3A_285 : i32 to vector<16xi32>
    %mul3A_287 = arith.muli %add3A_284, %mul3A_286 : vector<16xi32>
    %get3A_288 = arith.constant 160 : index
    %get3A_289 = tpu.vector_load %arg19[%get3A_288] {strides = array<i32>} : memref<512xi32, #tpu.memory_space<vmem>>, vector<16xi32>,
    %add3A_290 = arith.addi %mul3A_287, %get3A_289 : vector<16xi32>
    %swap3A_291 = arith.constant 1 : i32
    %swap3A_292 = arith.index_cast %swap3A_291 : i32 to index
    %swap3A_293 = arith.constant 32 : index
    %swap3A_294 = tpu.vector_load %arg15[%swap3A_292, %swap3A_293] {strides = array<i32>} : memref<4x128xi32, #tpu.memory_space<vmem>>, vector<16xi32>,
    tpu.vector_store %arg15[%swap3A_292, %swap3A_293], %add3A_290 {strides = array<i32>} : memref<4x128xi32, #tpu.memory_space<vmem>>, vector<16xi32>,
    %get3A_295 = arith.constant 176 : index
    %get3A_296 = tpu.vector_load %arg16[%get3A_295] {strides = array<i32>} : memref<512xi32, #tpu.memory_space<vmem>>, vector<16xi32>,
    %mul3A_297 = arith.constant 8 : i32
    %mul3A_298 = vector.broadcast %mul3A_297 : i32 to vector<16xi32>
    %mul3A_299 = arith.muli %get3A_296, %mul3A_298 : vector<16xi32>
    %get3A_300 = arith.constant 176 : index
    %get3A_301 = tpu.vector_load %arg17[%get3A_300] {strides = array<i32>} : memref<512xi32, #tpu.memory_space<vmem>>, vector<16xi32>,
    %add3A_302 = arith.addi %mul3A_299, %get3A_301 : vector<16xi32>
    %mul3A_303 = arith.constant 16 : i32
    %mul3A_304 = vector.broadcast %mul3A_303 : i32 to vector<16xi32>
    %mul3A_305 = arith.muli %add3A_302, %mul3A_304 : vector<16xi32>
    %get3A_306 = arith.constant 176 : index
    %get3A_307 = tpu.vector_load %arg18[%get3A_306] {strides = array<i32>} : memref<512xi32, #tpu.memory_space<vmem>>, vector<16xi32>,
    %add3A_308 = arith.addi %mul3A_305, %get3A_307 : vector<16xi32>
    %mul3A_309 = arith.constant 16 : i32
    %mul3A_310 = vector.broadcast %mul3A_309 : i32 to vector<16xi32>
    %mul3A_311 = arith.muli %add3A_308, %mul3A_310 : vector<16xi32>
    %get3A_312 = arith.constant 176 : index
    %get3A_313 = tpu.vector_load %arg19[%get3A_312] {strides = array<i32>} : memref<512xi32, #tpu.memory_space<vmem>>, vector<16xi32>,
    %add3A_314 = arith.addi %mul3A_311, %get3A_313 : vector<16xi32>
    %swap3A_315 = arith.constant 1 : i32
    %swap3A_316 = arith.index_cast %swap3A_315 : i32 to index
    %swap3A_317 = arith.constant 48 : index
    %swap3A_318 = tpu.vector_load %arg15[%swap3A_316, %swap3A_317] {strides = array<i32>} : memref<4x128xi32, #tpu.memory_space<vmem>>, vector<16xi32>,
    tpu.vector_store %arg15[%swap3A_316, %swap3A_317], %add3A_314 {strides = array<i32>} : memref<4x128xi32, #tpu.memory_space<vmem>>, vector<16xi32>,
    %get3A_319 = arith.constant 192 : index
    %get3A_320 = tpu.vector_load %arg16[%get3A_319] {strides = array<i32>} : memref<512xi32, #tpu.memory_space<vmem>>, vector<16xi32>,
    %mul3A_321 = arith.constant 8 : i32
    %mul3A_322 = vector.broadcast %mul3A_321 : i32 to vector<16xi32>
    %mul3A_323 = arith.muli %get3A_320, %mul3A_322 : vector<16xi32>
    %get3A_324 = arith.constant 192 : index
    %get3A_325 = tpu.vector_load %arg17[%get3A_324] {strides = array<i32>} : memref<512xi32, #tpu.memory_space<vmem>>, vector<16xi32>,
    %add3A_326 = arith.addi %mul3A_323, %get3A_325 : vector<16xi32>
    %mul3A_327 = arith.constant 16 : i32
    %mul3A_328 = vector.broadcast %mul3A_327 : i32 to vector<16xi32>
    %mul3A_329 = arith.muli %add3A_326, %mul3A_328 : vector<16xi32>
    %get3A_330 = arith.constant 192 : index
    %get3A_331 = tpu.vector_load %arg18[%get3A_330] {strides = array<i32>} : memref<512xi32, #tpu.memory_space<vmem>>, vector<16xi32>,
    %add3A_332 = arith.addi %mul3A_329, %get3A_331 : vector<16xi32>
    %mul3A_333 = arith.constant 16 : i32
    %mul3A_334 = vector.broadcast %mul3A_333 : i32 to vector<16xi32>
    %mul3A_335 = arith.muli %add3A_332, %mul3A_334 : vector<16xi32>
    %get3A_336 = arith.constant 192 : index
    %get3A_337 = tpu.vector_load %arg19[%get3A_336] {strides = array<i32>} : memref<512xi32, #tpu.memory_space<vmem>>, vector<16xi32>,
    %add3A_338 = arith.addi %mul3A_335, %get3A_337 : vector<16xi32>
    %swap3A_339 = arith.constant 1 : i32
    %swap3A_340 = arith.index_cast %swap3A_339 : i32 to index
    %swap3A_341 = arith.constant 64 : index
    %swap3A_342 = tpu.vector_load %arg15[%swap3A_340, %swap3A_341] {strides = array<i32>} : memref<4x128xi32, #tpu.memory_space<vmem>>, vector<16xi32>,
    tpu.vector_store %arg15[%swap3A_340, %swap3A_341], %add3A_338 {strides = array<i32>} : memref<4x128xi32, #tpu.memory_space<vmem>>, vector<16xi32>,
    %get3A_343 = arith.constant 208 : index
    %get3A_344 = tpu.vector_load %arg16[%get3A_343] {strides = array<i32>} : memref<512xi32, #tpu.memory_space<vmem>>, vector<16xi32>,
    %mul3A_345 = arith.constant 8 : i32
    %mul3A_346 = vector.broadcast %mul3A_345 : i32 to vector<16xi32>
    %mul3A_347 = arith.muli %get3A_344, %mul3A_346 : vector<16xi32>
    %get3A_348 = arith.constant 208 : index
    %get3A_349 = tpu.vector_load %arg17[%get3A_348] {strides = array<i32>} : memref<512xi32, #tpu.memory_space<vmem>>, vector<16xi32>,
    %add3A_350 = arith.addi %mul3A_347, %get3A_349 : vector<16xi32>
    %mul3A_351 = arith.constant 16 : i32
    %mul3A_352 = vector.broadcast %mul3A_351 : i32 to vector<16xi32>
    %mul3A_353 = arith.muli %add3A_350, %mul3A_352 : vector<16xi32>
    %get3A_354 = arith.constant 208 : index
    %get3A_355 = tpu.vector_load %arg18[%get3A_354] {strides = array<i32>} : memref<512xi32, #tpu.memory_space<vmem>>, vector<16xi32>,
    %add3A_356 = arith.addi %mul3A_353, %get3A_355 : vector<16xi32>
    %mul3A_357 = arith.constant 16 : i32
    %mul3A_358 = vector.broadcast %mul3A_357 : i32 to vector<16xi32>
    %mul3A_359 = arith.muli %add3A_356, %mul3A_358 : vector<16xi32>
    %get3A_360 = arith.constant 208 : index
    %get3A_361 = tpu.vector_load %arg19[%get3A_360] {strides = array<i32>} : memref<512xi32, #tpu.memory_space<vmem>>, vector<16xi32>,
    %add3A_362 = arith.addi %mul3A_359, %get3A_361 : vector<16xi32>
    %swap3A_363 = arith.constant 1 : i32
    %swap3A_364 = arith.index_cast %swap3A_363 : i32 to index
    %swap3A_365 = arith.constant 80 : index
    %swap3A_366 = tpu.vector_load %arg15[%swap3A_364, %swap3A_365] {strides = array<i32>} : memref<4x128xi32, #tpu.memory_space<vmem>>, vector<16xi32>,
    tpu.vector_store %arg15[%swap3A_364, %swap3A_365], %add3A_362 {strides = array<i32>} : memref<4x128xi32, #tpu.memory_space<vmem>>, vector<16xi32>,
    %get3A_367 = arith.constant 224 : index
    %get3A_368 = tpu.vector_load %arg16[%get3A_367] {strides = array<i32>} : memref<512xi32, #tpu.memory_space<vmem>>, vector<16xi32>,
    %mul3A_369 = arith.constant 8 : i32
    %mul3A_370 = vector.broadcast %mul3A_369 : i32 to vector<16xi32>
    %mul3A_371 = arith.muli %get3A_368, %mul3A_370 : vector<16xi32>
    %get3A_372 = arith.constant 224 : index
    %get3A_373 = tpu.vector_load %arg17[%get3A_372] {strides = array<i32>} : memref<512xi32, #tpu.memory_space<vmem>>, vector<16xi32>,
    %add3A_374 = arith.addi %mul3A_371, %get3A_373 : vector<16xi32>
    %mul3A_375 = arith.constant 16 : i32
    %mul3A_376 = vector.broadcast %mul3A_375 : i32 to vector<16xi32>
    %mul3A_377 = arith.muli %add3A_374, %mul3A_376 : vector<16xi32>
    %get3A_378 = arith.constant 224 : index
    %get3A_379 = tpu.vector_load %arg18[%get3A_378] {strides = array<i32>} : memref<512xi32, #tpu.memory_space<vmem>>, vector<16xi32>,
    %add3A_380 = arith.addi %mul3A_377, %get3A_379 : vector<16xi32>
    %mul3A_381 = arith.constant 16 : i32
    %mul3A_382 = vector.broadcast %mul3A_381 : i32 to vector<16xi32>
    %mul3A_383 = arith.muli %add3A_380, %mul3A_382 : vector<16xi32>
    %get3A_384 = arith.constant 224 : index
    %get3A_385 = tpu.vector_load %arg19[%get3A_384] {strides = array<i32>} : memref<512xi32, #tpu.memory_space<vmem>>, vector<16xi32>,
    %add3A_386 = arith.addi %mul3A_383, %get3A_385 : vector<16xi32>
    %swap3A_387 = arith.constant 1 : i32
    %swap3A_388 = arith.index_cast %swap3A_387 : i32 to index
    %swap3A_389 = arith.constant 96 : index
    %swap3A_390 = tpu.vector_load %arg15[%swap3A_388, %swap3A_389] {strides = array<i32>} : memref<4x128xi32, #tpu.memory_space<vmem>>, vector<16xi32>,
    tpu.vector_store %arg15[%swap3A_388, %swap3A_389], %add3A_386 {strides = array<i32>} : memref<4x128xi32, #tpu.memory_space<vmem>>, vector<16xi32>,
    %get3A_391 = arith.constant 240 : index
    %get3A_392 = tpu.vector_load %arg16[%get3A_391] {strides = array<i32>} : memref<512xi32, #tpu.memory_space<vmem>>, vector<16xi32>,
    %mul3A_393 = arith.constant 8 : i32
    %mul3A_394 = vector.broadcast %mul3A_393 : i32 to vector<16xi32>
    %mul3A_395 = arith.muli %get3A_392, %mul3A_394 : vector<16xi32>
    %get3A_396 = arith.constant 240 : index
    %get3A_397 = tpu.vector_load %arg17[%get3A_396] {strides = array<i32>} : memref<512xi32, #tpu.memory_space<vmem>>, vector<16xi32>,
    %add3A_398 = arith.addi %mul3A_395, %get3A_397 : vector<16xi32>
    %mul3A_399 = arith.constant 16 : i32
    %mul3A_400 = vector.broadcast %mul3A_399 : i32 to vector<16xi32>
    %mul3A_401 = arith.muli %add3A_398, %mul3A_400 : vector<16xi32>
    %get3A_402 = arith.constant 240 : index
    %get3A_403 = tpu.vector_load %arg18[%get3A_402] {strides = array<i32>} : memref<512xi32, #tpu.memory_space<vmem>>, vector<16xi32>,
    %add3A_404 = arith.addi %mul3A_401, %get3A_403 : vector<16xi32>
    %mul3A_405 = arith.constant 16 : i32
    %mul3A_406 = vector.broadcast %mul3A_405 : i32 to vector<16xi32>
    %mul3A_407 = arith.muli %add3A_404, %mul3A_406 : vector<16xi32>
    %get3A_408 = arith.constant 240 : index
    %get3A_409 = tpu.vector_load %arg19[%get3A_408] {strides = array<i32>} : memref<512xi32, #tpu.memory_space<vmem>>, vector<16xi32>,
    %add3A_410 = arith.addi %mul3A_407, %get3A_409 : vector<16xi32>
    %swap3A_411 = arith.constant 1 : i32
    %swap3A_412 = arith.index_cast %swap3A_411 : i32 to index
    %swap3A_413 = arith.constant 112 : index
    %swap3A_414 = tpu.vector_load %arg15[%swap3A_412, %swap3A_413] {strides = array<i32>} : memref<4x128xi32, #tpu.memory_space<vmem>>, vector<16xi32>,
    tpu.vector_store %arg15[%swap3A_412, %swap3A_413], %add3A_410 {strides = array<i32>} : memref<4x128xi32, #tpu.memory_space<vmem>>, vector<16xi32>,
    %dma_start3A_415 = arith.constant 1 : i32
    %dma_start3A_416 = arith.constant 0 : i32
    %dma_start3A_417 = tpu.memref_slice %arg15[%dma_start3A_415, %dma_start3A_416] : memref<4x128xi32, #tpu.memory_space<vmem>> -> memref<1x128xi32, #tpu.memory_space<vmem>>
    %dma_start3A_418 = tpu.memref_squeeze %dma_start3A_417 : memref<1x128xi32, #tpu.memory_space<vmem>> -> memref<128xi32, #tpu.memory_space<vmem>>
    %dma_start3A_419 = arith.constant 0 : i32
    %dma_start3A_420 = arith.constant 0 : i32
    %dma_start3A_421 = tpu.memref_slice %arg2[%dma_start3A_419, %dma_start3A_420] : memref<4096x128xf32, #tpu.memory_space<hbm>> -> memref<4096x128xf32, #tpu.memory_space<hbm>>
    tpu.enqueue_indirect_dma source(%dma_start3A_421 : memref<4096x128xf32, #tpu.memory_space<hbm>>) target(%arg26 : memref<128x128xf32, #tpu.memory_space<vmem>>) offsets(%dma_start3A_418 : memref<128xi32, #tpu.memory_space<vmem>>) semaphore(%arg30 : memref<!tpu.dma_semaphore, #tpu.memory_space<semaphore_mem>>)
    %dma_start3A_422 = arith.constant 1 : i32
    %dma_start3A_423 = arith.constant 0 : i32
    %dma_start3A_424 = tpu.memref_slice %arg15[%dma_start3A_422, %dma_start3A_423] : memref<4x128xi32, #tpu.memory_space<vmem>> -> memref<1x128xi32, #tpu.memory_space<vmem>>
    %dma_start3A_425 = tpu.memref_squeeze %dma_start3A_424 : memref<1x128xi32, #tpu.memory_space<vmem>> -> memref<128xi32, #tpu.memory_space<vmem>>
    %dma_start3A_426 = arith.constant 0 : i32
    %dma_start3A_427 = arith.constant 0 : i32
    %dma_start3A_428 = tpu.memref_slice %arg3[%dma_start3A_426, %dma_start3A_427] : memref<4096x128xf32, #tpu.memory_space<hbm>> -> memref<4096x128xf32, #tpu.memory_space<hbm>>
    tpu.enqueue_indirect_dma source(%dma_start3A_428 : memref<4096x128xf32, #tpu.memory_space<hbm>>) target(%arg28 : memref<128x128xf32, #tpu.memory_space<vmem>>) offsets(%dma_start3A_425 : memref<128xi32, #tpu.memory_space<vmem>>) semaphore(%arg32 : memref<!tpu.dma_semaphore, #tpu.memory_space<semaphore_mem>>)
    %add3A_429 = arith.constant 0 : i32
    %add3A_430 = arith.addi %mul3A_2, %add3A_429 : i32
    %dma_wait3A_431 = arith.constant 0 : i32
    %dma_wait3A_432 = arith.constant 0 : i32
    %dma_wait3A_433 = tpu.memref_slice %arg15[%dma_wait3A_431, %dma_wait3A_432] : memref<4x128xi32, #tpu.memory_space<vmem>> -> memref<1x128xi32, #tpu.memory_space<vmem>>
    %dma_wait3A_434 = tpu.memref_squeeze %dma_wait3A_433 : memref<1x128xi32, #tpu.memory_space<vmem>> -> memref<128xi32, #tpu.memory_space<vmem>>
    %dma_wait3A_435 = arith.constant 0 : i32
    %dma_wait3A_436 = arith.constant 0 : i32
    %dma_wait3A_437 = tpu.memref_slice %arg2[%dma_wait3A_435, %dma_wait3A_436] : memref<4096x128xf32, #tpu.memory_space<hbm>> -> memref<4096x128xf32, #tpu.memory_space<hbm>>
    tpu.wait_indirect_dma semaphore(%arg29 : memref<!tpu.dma_semaphore, #tpu.memory_space<semaphore_mem>>) src(%dma_wait3A_437 : memref<4096x128xf32, #tpu.memory_space<hbm>>) dst(%arg25 : memref<128x128xf32, #tpu.memory_space<vmem>>)
    %dma_start3A_438 = arith.constant 0 : i32
    %dma_start3A_439 = tpu.memref_slice %arg11[%add3A_430, %dma_start3A_438] : memref<16384x128xf32, #tpu.memory_space<hbm>> -> memref<128x128xf32, #tpu.memory_space<hbm>>
    %dma_start3A_440 = arith.constant 0 : i32
    %dma_start3A_441 = tpu.memref_slice %arg11[%add3A_430, %dma_start3A_440] : memref<16384x128xf32, #tpu.memory_space<hbm>> -> memref<128x128xf32, #tpu.memory_space<hbm>>
    tpu.enqueue_dma source(%arg25 : memref<128x128xf32, #tpu.memory_space<vmem>>) target(%dma_start3A_441 : memref<128x128xf32, #tpu.memory_space<hbm>>) target_semaphore(%arg33 : memref<!tpu.dma_semaphore, #tpu.memory_space<semaphore_mem>>)
    %dma_wait3A_442 = arith.constant 0 : i32
    %dma_wait3A_443 = arith.constant 0 : i32
    %dma_wait3A_444 = tpu.memref_slice %arg15[%dma_wait3A_442, %dma_wait3A_443] : memref<4x128xi32, #tpu.memory_space<vmem>> -> memref<1x128xi32, #tpu.memory_space<vmem>>
    %dma_wait3A_445 = tpu.memref_squeeze %dma_wait3A_444 : memref<1x128xi32, #tpu.memory_space<vmem>> -> memref<128xi32, #tpu.memory_space<vmem>>
    %dma_wait3A_446 = arith.constant 0 : i32
    %dma_wait3A_447 = arith.constant 0 : i32
    %dma_wait3A_448 = tpu.memref_slice %arg3[%dma_wait3A_446, %dma_wait3A_447] : memref<4096x128xf32, #tpu.memory_space<hbm>> -> memref<4096x128xf32, #tpu.memory_space<hbm>>
    tpu.wait_indirect_dma semaphore(%arg31 : memref<!tpu.dma_semaphore, #tpu.memory_space<semaphore_mem>>) src(%dma_wait3A_448 : memref<4096x128xf32, #tpu.memory_space<hbm>>) dst(%arg27 : memref<128x128xf32, #tpu.memory_space<vmem>>)
    %dma_start3A_449 = arith.constant 0 : i32
    %dma_start3A_450 = tpu.memref_slice %arg12[%add3A_430, %dma_start3A_449] : memref<16384x128xf32, #tpu.memory_space<hbm>> -> memref<128x128xf32, #tpu.memory_space<hbm>>
    %dma_start3A_451 = arith.constant 0 : i32
    %dma_start3A_452 = tpu.memref_slice %arg12[%add3A_430, %dma_start3A_451] : memref<16384x128xf32, #tpu.memory_space<hbm>> -> memref<128x128xf32, #tpu.memory_space<hbm>>
    tpu.enqueue_dma source(%arg27 : memref<128x128xf32, #tpu.memory_space<vmem>>) target(%dma_start3A_452 : memref<128x128xf32, #tpu.memory_space<hbm>>) target_semaphore(%arg35 : memref<!tpu.dma_semaphore, #tpu.memory_space<semaphore_mem>>)
    %get3A_453 = arith.constant 256 : index
    %get3A_454 = tpu.vector_load %arg16[%get3A_453] {strides = array<i32>} : memref<512xi32, #tpu.memory_space<vmem>>, vector<16xi32>,
    %mul3A_455 = arith.constant 8 : i32
    %mul3A_456 = vector.broadcast %mul3A_455 : i32 to vector<16xi32>
    %mul3A_457 = arith.muli %get3A_454, %mul3A_456 : vector<16xi32>
    %get3A_458 = arith.constant 256 : index
    %get3A_459 = tpu.vector_load %arg17[%get3A_458] {strides = array<i32>} : memref<512xi32, #tpu.memory_space<vmem>>, vector<16xi32>,
    %add3A_460 = arith.addi %mul3A_457, %get3A_459 : vector<16xi32>
    %mul3A_461 = arith.constant 16 : i32
    %mul3A_462 = vector.broadcast %mul3A_461 : i32 to vector<16xi32>
    %mul3A_463 = arith.muli %add3A_460, %mul3A_462 : vector<16xi32>
    %get3A_464 = arith.constant 256 : index
    %get3A_465 = tpu.vector_load %arg18[%get3A_464] {strides = array<i32>} : memref<512xi32, #tpu.memory_space<vmem>>, vector<16xi32>,
    %add3A_466 = arith.addi %mul3A_463, %get3A_465 : vector<16xi32>
    %mul3A_467 = arith.constant 16 : i32
    %mul3A_468 = vector.broadcast %mul3A_467 : i32 to vector<16xi32>
    %mul3A_469 = arith.muli %add3A_466, %mul3A_468 : vector<16xi32>
    %get3A_470 = arith.constant 256 : index
    %get3A_471 = tpu.vector_load %arg19[%get3A_470] {strides = array<i32>} : memref<512xi32, #tpu.memory_space<vmem>>, vector<16xi32>,
    %add3A_472 = arith.addi %mul3A_469, %get3A_471 : vector<16xi32>
    %swap3A_473 = arith.constant 2 : i32
    %swap3A_474 = arith.index_cast %swap3A_473 : i32 to index
    %swap3A_475 = arith.constant 0 : index
    %swap3A_476 = tpu.vector_load %arg15[%swap3A_474, %swap3A_475] {strides = array<i32>} : memref<4x128xi32, #tpu.memory_space<vmem>>, vector<16xi32>,
    tpu.vector_store %arg15[%swap3A_474, %swap3A_475], %add3A_472 {strides = array<i32>} : memref<4x128xi32, #tpu.memory_space<vmem>>, vector<16xi32>,
    %get3A_477 = arith.constant 272 : index
    %get3A_478 = tpu.vector_load %arg16[%get3A_477] {strides = array<i32>} : memref<512xi32, #tpu.memory_space<vmem>>, vector<16xi32>,
    %mul3A_479 = arith.constant 8 : i32
    %mul3A_480 = vector.broadcast %mul3A_479 : i32 to vector<16xi32>
    %mul3A_481 = arith.muli %get3A_478, %mul3A_480 : vector<16xi32>
    %get3A_482 = arith.constant 272 : index
    %get3A_483 = tpu.vector_load %arg17[%get3A_482] {strides = array<i32>} : memref<512xi32, #tpu.memory_space<vmem>>, vector<16xi32>,
    %add3A_484 = arith.addi %mul3A_481, %get3A_483 : vector<16xi32>
    %mul3A_485 = arith.constant 16 : i32
    %mul3A_486 = vector.broadcast %mul3A_485 : i32 to vector<16xi32>
    %mul3A_487 = arith.muli %add3A_484, %mul3A_486 : vector<16xi32>
    %get3A_488 = arith.constant 272 : index
    %get3A_489 = tpu.vector_load %arg18[%get3A_488] {strides = array<i32>} : memref<512xi32, #tpu.memory_space<vmem>>, vector<16xi32>,
    %add3A_490 = arith.addi %mul3A_487, %get3A_489 : vector<16xi32>
    %mul3A_491 = arith.constant 16 : i32
    %mul3A_492 = vector.broadcast %mul3A_491 : i32 to vector<16xi32>
    %mul3A_493 = arith.muli %add3A_490, %mul3A_492 : vector<16xi32>
    %get3A_494 = arith.constant 272 : index
    %get3A_495 = tpu.vector_load %arg19[%get3A_494] {strides = array<i32>} : memref<512xi32, #tpu.memory_space<vmem>>, vector<16xi32>,
    %add3A_496 = arith.addi %mul3A_493, %get3A_495 : vector<16xi32>
    %swap3A_497 = arith.constant 2 : i32
    %swap3A_498 = arith.index_cast %swap3A_497 : i32 to index
    %swap3A_499 = arith.constant 16 : index
    %swap3A_500 = tpu.vector_load %arg15[%swap3A_498, %swap3A_499] {strides = array<i32>} : memref<4x128xi32, #tpu.memory_space<vmem>>, vector<16xi32>,
    tpu.vector_store %arg15[%swap3A_498, %swap3A_499], %add3A_496 {strides = array<i32>} : memref<4x128xi32, #tpu.memory_space<vmem>>, vector<16xi32>,
    %get3A_501 = arith.constant 288 : index
    %get3A_502 = tpu.vector_load %arg16[%get3A_501] {strides = array<i32>} : memref<512xi32, #tpu.memory_space<vmem>>, vector<16xi32>,
    %mul3A_503 = arith.constant 8 : i32
    %mul3A_504 = vector.broadcast %mul3A_503 : i32 to vector<16xi32>
    %mul3A_505 = arith.muli %get3A_502, %mul3A_504 : vector<16xi32>
    %get3A_506 = arith.constant 288 : index
    %get3A_507 = tpu.vector_load %arg17[%get3A_506] {strides = array<i32>} : memref<512xi32, #tpu.memory_space<vmem>>, vector<16xi32>,
    %add3A_508 = arith.addi %mul3A_505, %get3A_507 : vector<16xi32>
    %mul3A_509 = arith.constant 16 : i32
    %mul3A_510 = vector.broadcast %mul3A_509 : i32 to vector<16xi32>
    %mul3A_511 = arith.muli %add3A_508, %mul3A_510 : vector<16xi32>
    %get3A_512 = arith.constant 288 : index
    %get3A_513 = tpu.vector_load %arg18[%get3A_512] {strides = array<i32>} : memref<512xi32, #tpu.memory_space<vmem>>, vector<16xi32>,
    %add3A_514 = arith.addi %mul3A_511, %get3A_513 : vector<16xi32>
    %mul3A_515 = arith.constant 16 : i32
    %mul3A_516 = vector.broadcast %mul3A_515 : i32 to vector<16xi32>
    %mul3A_517 = arith.muli %add3A_514, %mul3A_516 : vector<16xi32>
    %get3A_518 = arith.constant 288 : index
    %get3A_519 = tpu.vector_load %arg19[%get3A_518] {strides = array<i32>} : memref<512xi32, #tpu.memory_space<vmem>>, vector<16xi32>,
    %add3A_520 = arith.addi %mul3A_517, %get3A_519 : vector<16xi32>
    %swap3A_521 = arith.constant 2 : i32
    %swap3A_522 = arith.index_cast %swap3A_521 : i32 to index
    %swap3A_523 = arith.constant 32 : index
    %swap3A_524 = tpu.vector_load %arg15[%swap3A_522, %swap3A_523] {strides = array<i32>} : memref<4x128xi32, #tpu.memory_space<vmem>>, vector<16xi32>,
    tpu.vector_store %arg15[%swap3A_522, %swap3A_523], %add3A_520 {strides = array<i32>} : memref<4x128xi32, #tpu.memory_space<vmem>>, vector<16xi32>,
    %get3A_525 = arith.constant 304 : index
    %get3A_526 = tpu.vector_load %arg16[%get3A_525] {strides = array<i32>} : memref<512xi32, #tpu.memory_space<vmem>>, vector<16xi32>,
    %mul3A_527 = arith.constant 8 : i32
    %mul3A_528 = vector.broadcast %mul3A_527 : i32 to vector<16xi32>
    %mul3A_529 = arith.muli %get3A_526, %mul3A_528 : vector<16xi32>
    %get3A_530 = arith.constant 304 : index
    %get3A_531 = tpu.vector_load %arg17[%get3A_530] {strides = array<i32>} : memref<512xi32, #tpu.memory_space<vmem>>, vector<16xi32>,
    %add3A_532 = arith.addi %mul3A_529, %get3A_531 : vector<16xi32>
    %mul3A_533 = arith.constant 16 : i32
    %mul3A_534 = vector.broadcast %mul3A_533 : i32 to vector<16xi32>
    %mul3A_535 = arith.muli %add3A_532, %mul3A_534 : vector<16xi32>
    %get3A_536 = arith.constant 304 : index
    %get3A_537 = tpu.vector_load %arg18[%get3A_536] {strides = array<i32>} : memref<512xi32, #tpu.memory_space<vmem>>, vector<16xi32>,
    %add3A_538 = arith.addi %mul3A_535, %get3A_537 : vector<16xi32>
    %mul3A_539 = arith.constant 16 : i32
    %mul3A_540 = vector.broadcast %mul3A_539 : i32 to vector<16xi32>
    %mul3A_541 = arith.muli %add3A_538, %mul3A_540 : vector<16xi32>
    %get3A_542 = arith.constant 304 : index
    %get3A_543 = tpu.vector_load %arg19[%get3A_542] {strides = array<i32>} : memref<512xi32, #tpu.memory_space<vmem>>, vector<16xi32>,
    %add3A_544 = arith.addi %mul3A_541, %get3A_543 : vector<16xi32>
    %swap3A_545 = arith.constant 2 : i32
    %swap3A_546 = arith.index_cast %swap3A_545 : i32 to index
    %swap3A_547 = arith.constant 48 : index
    %swap3A_548 = tpu.vector_load %arg15[%swap3A_546, %swap3A_547] {strides = array<i32>} : memref<4x128xi32, #tpu.memory_space<vmem>>, vector<16xi32>,
    tpu.vector_store %arg15[%swap3A_546, %swap3A_547], %add3A_544 {strides = array<i32>} : memref<4x128xi32, #tpu.memory_space<vmem>>, vector<16xi32>,
    %get3A_549 = arith.constant 320 : index
    %get3A_550 = tpu.vector_load %arg16[%get3A_549] {strides = array<i32>} : memref<512xi32, #tpu.memory_space<vmem>>, vector<16xi32>,
    %mul3A_551 = arith.constant 8 : i32
    %mul3A_552 = vector.broadcast %mul3A_551 : i32 to vector<16xi32>
    %mul3A_553 = arith.muli %get3A_550, %mul3A_552 : vector<16xi32>
    %get3A_554 = arith.constant 320 : index
    %get3A_555 = tpu.vector_load %arg17[%get3A_554] {strides = array<i32>} : memref<512xi32, #tpu.memory_space<vmem>>, vector<16xi32>,
    %add3A_556 = arith.addi %mul3A_553, %get3A_555 : vector<16xi32>
    %mul3A_557 = arith.constant 16 : i32
    %mul3A_558 = vector.broadcast %mul3A_557 : i32 to vector<16xi32>
    %mul3A_559 = arith.muli %add3A_556, %mul3A_558 : vector<16xi32>
    %get3A_560 = arith.constant 320 : index
    %get3A_561 = tpu.vector_load %arg18[%get3A_560] {strides = array<i32>} : memref<512xi32, #tpu.memory_space<vmem>>, vector<16xi32>,
    %add3A_562 = arith.addi %mul3A_559, %get3A_561 : vector<16xi32>
    %mul3A_563 = arith.constant 16 : i32
    %mul3A_564 = vector.broadcast %mul3A_563 : i32 to vector<16xi32>
    %mul3A_565 = arith.muli %add3A_562, %mul3A_564 : vector<16xi32>
    %get3A_566 = arith.constant 320 : index
    %get3A_567 = tpu.vector_load %arg19[%get3A_566] {strides = array<i32>} : memref<512xi32, #tpu.memory_space<vmem>>, vector<16xi32>,
    %add3A_568 = arith.addi %mul3A_565, %get3A_567 : vector<16xi32>
    %swap3A_569 = arith.constant 2 : i32
    %swap3A_570 = arith.index_cast %swap3A_569 : i32 to index
    %swap3A_571 = arith.constant 64 : index
    %swap3A_572 = tpu.vector_load %arg15[%swap3A_570, %swap3A_571] {strides = array<i32>} : memref<4x128xi32, #tpu.memory_space<vmem>>, vector<16xi32>,
    tpu.vector_store %arg15[%swap3A_570, %swap3A_571], %add3A_568 {strides = array<i32>} : memref<4x128xi32, #tpu.memory_space<vmem>>, vector<16xi32>,
    %get3A_573 = arith.constant 336 : index
    %get3A_574 = tpu.vector_load %arg16[%get3A_573] {strides = array<i32>} : memref<512xi32, #tpu.memory_space<vmem>>, vector<16xi32>,
    %mul3A_575 = arith.constant 8 : i32
    %mul3A_576 = vector.broadcast %mul3A_575 : i32 to vector<16xi32>
    %mul3A_577 = arith.muli %get3A_574, %mul3A_576 : vector<16xi32>
    %get3A_578 = arith.constant 336 : index
    %get3A_579 = tpu.vector_load %arg17[%get3A_578] {strides = array<i32>} : memref<512xi32, #tpu.memory_space<vmem>>, vector<16xi32>,
    %add3A_580 = arith.addi %mul3A_577, %get3A_579 : vector<16xi32>
    %mul3A_581 = arith.constant 16 : i32
    %mul3A_582 = vector.broadcast %mul3A_581 : i32 to vector<16xi32>
    %mul3A_583 = arith.muli %add3A_580, %mul3A_582 : vector<16xi32>
    %get3A_584 = arith.constant 336 : index
    %get3A_585 = tpu.vector_load %arg18[%get3A_584] {strides = array<i32>} : memref<512xi32, #tpu.memory_space<vmem>>, vector<16xi32>,
    %add3A_586 = arith.addi %mul3A_583, %get3A_585 : vector<16xi32>
    %mul3A_587 = arith.constant 16 : i32
    %mul3A_588 = vector.broadcast %mul3A_587 : i32 to vector<16xi32>
    %mul3A_589 = arith.muli %add3A_586, %mul3A_588 : vector<16xi32>
    %get3A_590 = arith.constant 336 : index
    %get3A_591 = tpu.vector_load %arg19[%get3A_590] {strides = array<i32>} : memref<512xi32, #tpu.memory_space<vmem>>, vector<16xi32>,
    %add3A_592 = arith.addi %mul3A_589, %get3A_591 : vector<16xi32>
    %swap3A_593 = arith.constant 2 : i32
    %swap3A_594 = arith.index_cast %swap3A_593 : i32 to index
    %swap3A_595 = arith.constant 80 : index
    %swap3A_596 = tpu.vector_load %arg15[%swap3A_594, %swap3A_595] {strides = array<i32>} : memref<4x128xi32, #tpu.memory_space<vmem>>, vector<16xi32>,
    tpu.vector_store %arg15[%swap3A_594, %swap3A_595], %add3A_592 {strides = array<i32>} : memref<4x128xi32, #tpu.memory_space<vmem>>, vector<16xi32>,
    %get3A_597 = arith.constant 352 : index
    %get3A_598 = tpu.vector_load %arg16[%get3A_597] {strides = array<i32>} : memref<512xi32, #tpu.memory_space<vmem>>, vector<16xi32>,
    %mul3A_599 = arith.constant 8 : i32
    %mul3A_600 = vector.broadcast %mul3A_599 : i32 to vector<16xi32>
    %mul3A_601 = arith.muli %get3A_598, %mul3A_600 : vector<16xi32>
    %get3A_602 = arith.constant 352 : index
    %get3A_603 = tpu.vector_load %arg17[%get3A_602] {strides = array<i32>} : memref<512xi32, #tpu.memory_space<vmem>>, vector<16xi32>,
    %add3A_604 = arith.addi %mul3A_601, %get3A_603 : vector<16xi32>
    %mul3A_605 = arith.constant 16 : i32
    %mul3A_606 = vector.broadcast %mul3A_605 : i32 to vector<16xi32>
    %mul3A_607 = arith.muli %add3A_604, %mul3A_606 : vector<16xi32>
    %get3A_608 = arith.constant 352 : index
    %get3A_609 = tpu.vector_load %arg18[%get3A_608] {strides = array<i32>} : memref<512xi32, #tpu.memory_space<vmem>>, vector<16xi32>,
    %add3A_610 = arith.addi %mul3A_607, %get3A_609 : vector<16xi32>
    %mul3A_611 = arith.constant 16 : i32
    %mul3A_612 = vector.broadcast %mul3A_611 : i32 to vector<16xi32>
    %mul3A_613 = arith.muli %add3A_610, %mul3A_612 : vector<16xi32>
    %get3A_614 = arith.constant 352 : index
    %get3A_615 = tpu.vector_load %arg19[%get3A_614] {strides = array<i32>} : memref<512xi32, #tpu.memory_space<vmem>>, vector<16xi32>,
    %add3A_616 = arith.addi %mul3A_613, %get3A_615 : vector<16xi32>
    %swap3A_617 = arith.constant 2 : i32
    %swap3A_618 = arith.index_cast %swap3A_617 : i32 to index
    %swap3A_619 = arith.constant 96 : index
    %swap3A_620 = tpu.vector_load %arg15[%swap3A_618, %swap3A_619] {strides = array<i32>} : memref<4x128xi32, #tpu.memory_space<vmem>>, vector<16xi32>,
    tpu.vector_store %arg15[%swap3A_618, %swap3A_619], %add3A_616 {strides = array<i32>} : memref<4x128xi32, #tpu.memory_space<vmem>>, vector<16xi32>,
    %get3A_621 = arith.constant 368 : index
    %get3A_622 = tpu.vector_load %arg16[%get3A_621] {strides = array<i32>} : memref<512xi32, #tpu.memory_space<vmem>>, vector<16xi32>,
    %mul3A_623 = arith.constant 8 : i32
    %mul3A_624 = vector.broadcast %mul3A_623 : i32 to vector<16xi32>
    %mul3A_625 = arith.muli %get3A_622, %mul3A_624 : vector<16xi32>
    %get3A_626 = arith.constant 368 : index
    %get3A_627 = tpu.vector_load %arg17[%get3A_626] {strides = array<i32>} : memref<512xi32, #tpu.memory_space<vmem>>, vector<16xi32>,
    %add3A_628 = arith.addi %mul3A_625, %get3A_627 : vector<16xi32>
    %mul3A_629 = arith.constant 16 : i32
    %mul3A_630 = vector.broadcast %mul3A_629 : i32 to vector<16xi32>
    %mul3A_631 = arith.muli %add3A_628, %mul3A_630 : vector<16xi32>
    %get3A_632 = arith.constant 368 : index
    %get3A_633 = tpu.vector_load %arg18[%get3A_632] {strides = array<i32>} : memref<512xi32, #tpu.memory_space<vmem>>, vector<16xi32>,
    %add3A_634 = arith.addi %mul3A_631, %get3A_633 : vector<16xi32>
    %mul3A_635 = arith.constant 16 : i32
    %mul3A_636 = vector.broadcast %mul3A_635 : i32 to vector<16xi32>
    %mul3A_637 = arith.muli %add3A_634, %mul3A_636 : vector<16xi32>
    %get3A_638 = arith.constant 368 : index
    %get3A_639 = tpu.vector_load %arg19[%get3A_638] {strides = array<i32>} : memref<512xi32, #tpu.memory_space<vmem>>, vector<16xi32>,
    %add3A_640 = arith.addi %mul3A_637, %get3A_639 : vector<16xi32>
    %swap3A_641 = arith.constant 2 : i32
    %swap3A_642 = arith.index_cast %swap3A_641 : i32 to index
    %swap3A_643 = arith.constant 112 : index
    %swap3A_644 = tpu.vector_load %arg15[%swap3A_642, %swap3A_643] {strides = array<i32>} : memref<4x128xi32, #tpu.memory_space<vmem>>, vector<16xi32>,
    tpu.vector_store %arg15[%swap3A_642, %swap3A_643], %add3A_640 {strides = array<i32>} : memref<4x128xi32, #tpu.memory_space<vmem>>, vector<16xi32>,
    %dma_wait3A_645 = arith.constant 0 : i32
    %dma_wait3A_646 = tpu.memref_slice %arg11[%add3A_430, %dma_wait3A_645] : memref<16384x128xf32, #tpu.memory_space<hbm>> -> memref<128x128xf32, #tpu.memory_space<hbm>>
    %dma_wait3A_647 = arith.constant 0 : i32
    %dma_wait3A_648 = tpu.memref_slice %arg11[%add3A_430, %dma_wait3A_647] : memref<16384x128xf32, #tpu.memory_space<hbm>> -> memref<128x128xf32, #tpu.memory_space<hbm>>
    tpu.wait_dma2 semaphore(%arg33 : memref<!tpu.dma_semaphore, #tpu.memory_space<semaphore_mem>>) src(%arg25 : memref<128x128xf32, #tpu.memory_space<vmem>>) dst(%dma_wait3A_648 : memref<128x128xf32, #tpu.memory_space<hbm>>)
    %dma_wait3A_649 = arith.constant 0 : i32
    %dma_wait3A_650 = tpu.memref_slice %arg12[%add3A_430, %dma_wait3A_649] : memref<16384x128xf32, #tpu.memory_space<hbm>> -> memref<128x128xf32, #tpu.memory_space<hbm>>
    %dma_wait3A_651 = arith.constant 0 : i32
    %dma_wait3A_652 = tpu.memref_slice %arg12[%add3A_430, %dma_wait3A_651] : memref<16384x128xf32, #tpu.memory_space<hbm>> -> memref<128x128xf32, #tpu.memory_space<hbm>>
    tpu.wait_dma2 semaphore(%arg35 : memref<!tpu.dma_semaphore, #tpu.memory_space<semaphore_mem>>) src(%arg27 : memref<128x128xf32, #tpu.memory_space<vmem>>) dst(%dma_wait3A_652 : memref<128x128xf32, #tpu.memory_space<hbm>>)
    %dma_start3A_653 = arith.constant 2 : i32
    %dma_start3A_654 = arith.constant 0 : i32
    %dma_start3A_655 = tpu.memref_slice %arg15[%dma_start3A_653, %dma_start3A_654] : memref<4x128xi32, #tpu.memory_space<vmem>> -> memref<1x128xi32, #tpu.memory_space<vmem>>
    %dma_start3A_656 = tpu.memref_squeeze %dma_start3A_655 : memref<1x128xi32, #tpu.memory_space<vmem>> -> memref<128xi32, #tpu.memory_space<vmem>>
    %dma_start3A_657 = arith.constant 0 : i32
    %dma_start3A_658 = arith.constant 0 : i32
    %dma_start3A_659 = tpu.memref_slice %arg2[%dma_start3A_657, %dma_start3A_658] : memref<4096x128xf32, #tpu.memory_space<hbm>> -> memref<4096x128xf32, #tpu.memory_space<hbm>>
    tpu.enqueue_indirect_dma source(%dma_start3A_659 : memref<4096x128xf32, #tpu.memory_space<hbm>>) target(%arg25 : memref<128x128xf32, #tpu.memory_space<vmem>>) offsets(%dma_start3A_656 : memref<128xi32, #tpu.memory_space<vmem>>) semaphore(%arg29 : memref<!tpu.dma_semaphore, #tpu.memory_space<semaphore_mem>>)
    %dma_start3A_660 = arith.constant 2 : i32
    %dma_start3A_661 = arith.constant 0 : i32
    %dma_start3A_662 = tpu.memref_slice %arg15[%dma_start3A_660, %dma_start3A_661] : memref<4x128xi32, #tpu.memory_space<vmem>> -> memref<1x128xi32, #tpu.memory_space<vmem>>
    %dma_start3A_663 = tpu.memref_squeeze %dma_start3A_662 : memref<1x128xi32, #tpu.memory_space<vmem>> -> memref<128xi32, #tpu.memory_space<vmem>>
    %dma_start3A_664 = arith.constant 0 : i32
    %dma_start3A_665 = arith.constant 0 : i32
    %dma_start3A_666 = tpu.memref_slice %arg3[%dma_start3A_664, %dma_start3A_665] : memref<4096x128xf32, #tpu.memory_space<hbm>> -> memref<4096x128xf32, #tpu.memory_space<hbm>>
    tpu.enqueue_indirect_dma source(%dma_start3A_666 : memref<4096x128xf32, #tpu.memory_space<hbm>>) target(%arg27 : memref<128x128xf32, #tpu.memory_space<vmem>>) offsets(%dma_start3A_663 : memref<128xi32, #tpu.memory_space<vmem>>) semaphore(%arg31 : memref<!tpu.dma_semaphore, #tpu.memory_space<semaphore_mem>>)
    %add3A_667 = arith.constant 128 : i32
    %add3A_668 = arith.addi %mul3A_2, %add3A_667 : i32
    %dma_wait3A_669 = arith.constant 1 : i32
    %dma_wait3A_670 = arith.constant 0 : i32
    %dma_wait3A_671 = tpu.memref_slice %arg15[%dma_wait3A_669, %dma_wait3A_670] : memref<4x128xi32, #tpu.memory_space<vmem>> -> memref<1x128xi32, #tpu.memory_space<vmem>>
    %dma_wait3A_672 = tpu.memref_squeeze %dma_wait3A_671 : memref<1x128xi32, #tpu.memory_space<vmem>> -> memref<128xi32, #tpu.memory_space<vmem>>
    %dma_wait3A_673 = arith.constant 0 : i32
    %dma_wait3A_674 = arith.constant 0 : i32
    %dma_wait3A_675 = tpu.memref_slice %arg2[%dma_wait3A_673, %dma_wait3A_674] : memref<4096x128xf32, #tpu.memory_space<hbm>> -> memref<4096x128xf32, #tpu.memory_space<hbm>>
    tpu.wait_indirect_dma semaphore(%arg30 : memref<!tpu.dma_semaphore, #tpu.memory_space<semaphore_mem>>) src(%dma_wait3A_675 : memref<4096x128xf32, #tpu.memory_space<hbm>>) dst(%arg26 : memref<128x128xf32, #tpu.memory_space<vmem>>)
    %dma_start3A_676 = arith.constant 0 : i32
    %dma_start3A_677 = tpu.memref_slice %arg11[%add3A_668, %dma_start3A_676] : memref<16384x128xf32, #tpu.memory_space<hbm>> -> memref<128x128xf32, #tpu.memory_space<hbm>>
    %dma_start3A_678 = arith.constant 0 : i32
    %dma_start3A_679 = tpu.memref_slice %arg11[%add3A_668, %dma_start3A_678] : memref<16384x128xf32, #tpu.memory_space<hbm>> -> memref<128x128xf32, #tpu.memory_space<hbm>>
    tpu.enqueue_dma source(%arg26 : memref<128x128xf32, #tpu.memory_space<vmem>>) target(%dma_start3A_679 : memref<128x128xf32, #tpu.memory_space<hbm>>) target_semaphore(%arg34 : memref<!tpu.dma_semaphore, #tpu.memory_space<semaphore_mem>>)
    %dma_wait3A_680 = arith.constant 1 : i32
    %dma_wait3A_681 = arith.constant 0 : i32
    %dma_wait3A_682 = tpu.memref_slice %arg15[%dma_wait3A_680, %dma_wait3A_681] : memref<4x128xi32, #tpu.memory_space<vmem>> -> memref<1x128xi32, #tpu.memory_space<vmem>>
    %dma_wait3A_683 = tpu.memref_squeeze %dma_wait3A_682 : memref<1x128xi32, #tpu.memory_space<vmem>> -> memref<128xi32, #tpu.memory_space<vmem>>
    %dma_wait3A_684 = arith.constant 0 : i32
    %dma_wait3A_685 = arith.constant 0 : i32
    %dma_wait3A_686 = tpu.memref_slice %arg3[%dma_wait3A_684, %dma_wait3A_685] : memref<4096x128xf32, #tpu.memory_space<hbm>> -> memref<4096x128xf32, #tpu.memory_space<hbm>>
    tpu.wait_indirect_dma semaphore(%arg32 : memref<!tpu.dma_semaphore, #tpu.memory_space<semaphore_mem>>) src(%dma_wait3A_686 : memref<4096x128xf32, #tpu.memory_space<hbm>>) dst(%arg28 : memref<128x128xf32, #tpu.memory_space<vmem>>)
    %dma_start3A_687 = arith.constant 0 : i32
    %dma_start3A_688 = tpu.memref_slice %arg12[%add3A_668, %dma_start3A_687] : memref<16384x128xf32, #tpu.memory_space<hbm>> -> memref<128x128xf32, #tpu.memory_space<hbm>>
    %dma_start3A_689 = arith.constant 0 : i32
    %dma_start3A_690 = tpu.memref_slice %arg12[%add3A_668, %dma_start3A_689] : memref<16384x128xf32, #tpu.memory_space<hbm>> -> memref<128x128xf32, #tpu.memory_space<hbm>>
    tpu.enqueue_dma source(%arg28 : memref<128x128xf32, #tpu.memory_space<vmem>>) target(%dma_start3A_690 : memref<128x128xf32, #tpu.memory_space<hbm>>) target_semaphore(%arg36 : memref<!tpu.dma_semaphore, #tpu.memory_space<semaphore_mem>>)
    %get3A_691 = arith.constant 384 : index
    %get3A_692 = tpu.vector_load %arg16[%get3A_691] {strides = array<i32>} : memref<512xi32, #tpu.memory_space<vmem>>, vector<16xi32>,
    %mul3A_693 = arith.constant 8 : i32
    %mul3A_694 = vector.broadcast %mul3A_693 : i32 to vector<16xi32>
    %mul3A_695 = arith.muli %get3A_692, %mul3A_694 : vector<16xi32>
    %get3A_696 = arith.constant 384 : index
    %get3A_697 = tpu.vector_load %arg17[%get3A_696] {strides = array<i32>} : memref<512xi32, #tpu.memory_space<vmem>>, vector<16xi32>,
    %add3A_698 = arith.addi %mul3A_695, %get3A_697 : vector<16xi32>
    %mul3A_699 = arith.constant 16 : i32
    %mul3A_700 = vector.broadcast %mul3A_699 : i32 to vector<16xi32>
    %mul3A_701 = arith.muli %add3A_698, %mul3A_700 : vector<16xi32>
    %get3A_702 = arith.constant 384 : index
    %get3A_703 = tpu.vector_load %arg18[%get3A_702] {strides = array<i32>} : memref<512xi32, #tpu.memory_space<vmem>>, vector<16xi32>,
    %add3A_704 = arith.addi %mul3A_701, %get3A_703 : vector<16xi32>
    %mul3A_705 = arith.constant 16 : i32
    %mul3A_706 = vector.broadcast %mul3A_705 : i32 to vector<16xi32>
    %mul3A_707 = arith.muli %add3A_704, %mul3A_706 : vector<16xi32>
    %get3A_708 = arith.constant 384 : index
    %get3A_709 = tpu.vector_load %arg19[%get3A_708] {strides = array<i32>} : memref<512xi32, #tpu.memory_space<vmem>>, vector<16xi32>,
    %add3A_710 = arith.addi %mul3A_707, %get3A_709 : vector<16xi32>
    %swap3A_711 = arith.constant 3 : i32
    %swap3A_712 = arith.index_cast %swap3A_711 : i32 to index
    %swap3A_713 = arith.constant 0 : index
    %swap3A_714 = tpu.vector_load %arg15[%swap3A_712, %swap3A_713] {strides = array<i32>} : memref<4x128xi32, #tpu.memory_space<vmem>>, vector<16xi32>,
    tpu.vector_store %arg15[%swap3A_712, %swap3A_713], %add3A_710 {strides = array<i32>} : memref<4x128xi32, #tpu.memory_space<vmem>>, vector<16xi32>,
    %get3A_715 = arith.constant 400 : index
    %get3A_716 = tpu.vector_load %arg16[%get3A_715] {strides = array<i32>} : memref<512xi32, #tpu.memory_space<vmem>>, vector<16xi32>,
    %mul3A_717 = arith.constant 8 : i32
    %mul3A_718 = vector.broadcast %mul3A_717 : i32 to vector<16xi32>
    %mul3A_719 = arith.muli %get3A_716, %mul3A_718 : vector<16xi32>
    %get3A_720 = arith.constant 400 : index
    %get3A_721 = tpu.vector_load %arg17[%get3A_720] {strides = array<i32>} : memref<512xi32, #tpu.memory_space<vmem>>, vector<16xi32>,
    %add3A_722 = arith.addi %mul3A_719, %get3A_721 : vector<16xi32>
    %mul3A_723 = arith.constant 16 : i32
    %mul3A_724 = vector.broadcast %mul3A_723 : i32 to vector<16xi32>
    %mul3A_725 = arith.muli %add3A_722, %mul3A_724 : vector<16xi32>
    %get3A_726 = arith.constant 400 : index
    %get3A_727 = tpu.vector_load %arg18[%get3A_726] {strides = array<i32>} : memref<512xi32, #tpu.memory_space<vmem>>, vector<16xi32>,
    %add3A_728 = arith.addi %mul3A_725, %get3A_727 : vector<16xi32>
    %mul3A_729 = arith.constant 16 : i32
    %mul3A_730 = vector.broadcast %mul3A_729 : i32 to vector<16xi32>
    %mul3A_731 = arith.muli %add3A_728, %mul3A_730 : vector<16xi32>
    %get3A_732 = arith.constant 400 : index
    %get3A_733 = tpu.vector_load %arg19[%get3A_732] {strides = array<i32>} : memref<512xi32, #tpu.memory_space<vmem>>, vector<16xi32>,
    %add3A_734 = arith.addi %mul3A_731, %get3A_733 : vector<16xi32>
    %swap3A_735 = arith.constant 3 : i32
    %swap3A_736 = arith.index_cast %swap3A_735 : i32 to index
    %swap3A_737 = arith.constant 16 : index
    %swap3A_738 = tpu.vector_load %arg15[%swap3A_736, %swap3A_737] {strides = array<i32>} : memref<4x128xi32, #tpu.memory_space<vmem>>, vector<16xi32>,
    tpu.vector_store %arg15[%swap3A_736, %swap3A_737], %add3A_734 {strides = array<i32>} : memref<4x128xi32, #tpu.memory_space<vmem>>, vector<16xi32>,
    %get3A_739 = arith.constant 416 : index
    %get3A_740 = tpu.vector_load %arg16[%get3A_739] {strides = array<i32>} : memref<512xi32, #tpu.memory_space<vmem>>, vector<16xi32>,
    %mul3A_741 = arith.constant 8 : i32
    %mul3A_742 = vector.broadcast %mul3A_741 : i32 to vector<16xi32>
    %mul3A_743 = arith.muli %get3A_740, %mul3A_742 : vector<16xi32>
    %get3A_744 = arith.constant 416 : index
    %get3A_745 = tpu.vector_load %arg17[%get3A_744] {strides = array<i32>} : memref<512xi32, #tpu.memory_space<vmem>>, vector<16xi32>,
    %add3A_746 = arith.addi %mul3A_743, %get3A_745 : vector<16xi32>
    %mul3A_747 = arith.constant 16 : i32
    %mul3A_748 = vector.broadcast %mul3A_747 : i32 to vector<16xi32>
    %mul3A_749 = arith.muli %add3A_746, %mul3A_748 : vector<16xi32>
    %get3A_750 = arith.constant 416 : index
    %get3A_751 = tpu.vector_load %arg18[%get3A_750] {strides = array<i32>} : memref<512xi32, #tpu.memory_space<vmem>>, vector<16xi32>,
    %add3A_752 = arith.addi %mul3A_749, %get3A_751 : vector<16xi32>
    %mul3A_753 = arith.constant 16 : i32
    %mul3A_754 = vector.broadcast %mul3A_753 : i32 to vector<16xi32>
    %mul3A_755 = arith.muli %add3A_752, %mul3A_754 : vector<16xi32>
    %get3A_756 = arith.constant 416 : index
    %get3A_757 = tpu.vector_load %arg19[%get3A_756] {strides = array<i32>} : memref<512xi32, #tpu.memory_space<vmem>>, vector<16xi32>,
    %add3A_758 = arith.addi %mul3A_755, %get3A_757 : vector<16xi32>
    %swap3A_759 = arith.constant 3 : i32
    %swap3A_760 = arith.index_cast %swap3A_759 : i32 to index
    %swap3A_761 = arith.constant 32 : index
    %swap3A_762 = tpu.vector_load %arg15[%swap3A_760, %swap3A_761] {strides = array<i32>} : memref<4x128xi32, #tpu.memory_space<vmem>>, vector<16xi32>,
    tpu.vector_store %arg15[%swap3A_760, %swap3A_761], %add3A_758 {strides = array<i32>} : memref<4x128xi32, #tpu.memory_space<vmem>>, vector<16xi32>,
    %get3A_763 = arith.constant 432 : index
    %get3A_764 = tpu.vector_load %arg16[%get3A_763] {strides = array<i32>} : memref<512xi32, #tpu.memory_space<vmem>>, vector<16xi32>,
    %mul3A_765 = arith.constant 8 : i32
    %mul3A_766 = vector.broadcast %mul3A_765 : i32 to vector<16xi32>
    %mul3A_767 = arith.muli %get3A_764, %mul3A_766 : vector<16xi32>
    %get3A_768 = arith.constant 432 : index
    %get3A_769 = tpu.vector_load %arg17[%get3A_768] {strides = array<i32>} : memref<512xi32, #tpu.memory_space<vmem>>, vector<16xi32>,
    %add3A_770 = arith.addi %mul3A_767, %get3A_769 : vector<16xi32>
    %mul3A_771 = arith.constant 16 : i32
    %mul3A_772 = vector.broadcast %mul3A_771 : i32 to vector<16xi32>
    %mul3A_773 = arith.muli %add3A_770, %mul3A_772 : vector<16xi32>
    %get3A_774 = arith.constant 432 : index
    %get3A_775 = tpu.vector_load %arg18[%get3A_774] {strides = array<i32>} : memref<512xi32, #tpu.memory_space<vmem>>, vector<16xi32>,
    %add3A_776 = arith.addi %mul3A_773, %get3A_775 : vector<16xi32>
    %mul3A_777 = arith.constant 16 : i32
    %mul3A_778 = vector.broadcast %mul3A_777 : i32 to vector<16xi32>
    %mul3A_779 = arith.muli %add3A_776, %mul3A_778 : vector<16xi32>
    %get3A_780 = arith.constant 432 : index
    %get3A_781 = tpu.vector_load %arg19[%get3A_780] {strides = array<i32>} : memref<512xi32, #tpu.memory_space<vmem>>, vector<16xi32>,
    %add3A_782 = arith.addi %mul3A_779, %get3A_781 : vector<16xi32>
    %swap3A_783 = arith.constant 3 : i32
    %swap3A_784 = arith.index_cast %swap3A_783 : i32 to index
    %swap3A_785 = arith.constant 48 : index
    %swap3A_786 = tpu.vector_load %arg15[%swap3A_784, %swap3A_785] {strides = array<i32>} : memref<4x128xi32, #tpu.memory_space<vmem>>, vector<16xi32>,
    tpu.vector_store %arg15[%swap3A_784, %swap3A_785], %add3A_782 {strides = array<i32>} : memref<4x128xi32, #tpu.memory_space<vmem>>, vector<16xi32>,
    %get3A_787 = arith.constant 448 : index
    %get3A_788 = tpu.vector_load %arg16[%get3A_787] {strides = array<i32>} : memref<512xi32, #tpu.memory_space<vmem>>, vector<16xi32>,
    %mul3A_789 = arith.constant 8 : i32
    %mul3A_790 = vector.broadcast %mul3A_789 : i32 to vector<16xi32>
    %mul3A_791 = arith.muli %get3A_788, %mul3A_790 : vector<16xi32>
    %get3A_792 = arith.constant 448 : index
    %get3A_793 = tpu.vector_load %arg17[%get3A_792] {strides = array<i32>} : memref<512xi32, #tpu.memory_space<vmem>>, vector<16xi32>,
    %add3A_794 = arith.addi %mul3A_791, %get3A_793 : vector<16xi32>
    %mul3A_795 = arith.constant 16 : i32
    %mul3A_796 = vector.broadcast %mul3A_795 : i32 to vector<16xi32>
    %mul3A_797 = arith.muli %add3A_794, %mul3A_796 : vector<16xi32>
    %get3A_798 = arith.constant 448 : index
    %get3A_799 = tpu.vector_load %arg18[%get3A_798] {strides = array<i32>} : memref<512xi32, #tpu.memory_space<vmem>>, vector<16xi32>,
    %add3A_800 = arith.addi %mul3A_797, %get3A_799 : vector<16xi32>
    %mul3A_801 = arith.constant 16 : i32
    %mul3A_802 = vector.broadcast %mul3A_801 : i32 to vector<16xi32>
    %mul3A_803 = arith.muli %add3A_800, %mul3A_802 : vector<16xi32>
    %get3A_804 = arith.constant 448 : index
    %get3A_805 = tpu.vector_load %arg19[%get3A_804] {strides = array<i32>} : memref<512xi32, #tpu.memory_space<vmem>>, vector<16xi32>,
    %add3A_806 = arith.addi %mul3A_803, %get3A_805 : vector<16xi32>
    %swap3A_807 = arith.constant 3 : i32
    %swap3A_808 = arith.index_cast %swap3A_807 : i32 to index
    %swap3A_809 = arith.constant 64 : index
    %swap3A_810 = tpu.vector_load %arg15[%swap3A_808, %swap3A_809] {strides = array<i32>} : memref<4x128xi32, #tpu.memory_space<vmem>>, vector<16xi32>,
    tpu.vector_store %arg15[%swap3A_808, %swap3A_809], %add3A_806 {strides = array<i32>} : memref<4x128xi32, #tpu.memory_space<vmem>>, vector<16xi32>,
    %get3A_811 = arith.constant 464 : index
    %get3A_812 = tpu.vector_load %arg16[%get3A_811] {strides = array<i32>} : memref<512xi32, #tpu.memory_space<vmem>>, vector<16xi32>,
    %mul3A_813 = arith.constant 8 : i32
    %mul3A_814 = vector.broadcast %mul3A_813 : i32 to vector<16xi32>
    %mul3A_815 = arith.muli %get3A_812, %mul3A_814 : vector<16xi32>
    %get3A_816 = arith.constant 464 : index
    %get3A_817 = tpu.vector_load %arg17[%get3A_816] {strides = array<i32>} : memref<512xi32, #tpu.memory_space<vmem>>, vector<16xi32>,
    %add3A_818 = arith.addi %mul3A_815, %get3A_817 : vector<16xi32>
    %mul3A_819 = arith.constant 16 : i32
    %mul3A_820 = vector.broadcast %mul3A_819 : i32 to vector<16xi32>
    %mul3A_821 = arith.muli %add3A_818, %mul3A_820 : vector<16xi32>
    %get3A_822 = arith.constant 464 : index
    %get3A_823 = tpu.vector_load %arg18[%get3A_822] {strides = array<i32>} : memref<512xi32, #tpu.memory_space<vmem>>, vector<16xi32>,
    %add3A_824 = arith.addi %mul3A_821, %get3A_823 : vector<16xi32>
    %mul3A_825 = arith.constant 16 : i32
    %mul3A_826 = vector.broadcast %mul3A_825 : i32 to vector<16xi32>
    %mul3A_827 = arith.muli %add3A_824, %mul3A_826 : vector<16xi32>
    %get3A_828 = arith.constant 464 : index
    %get3A_829 = tpu.vector_load %arg19[%get3A_828] {strides = array<i32>} : memref<512xi32, #tpu.memory_space<vmem>>, vector<16xi32>,
    %add3A_830 = arith.addi %mul3A_827, %get3A_829 : vector<16xi32>
    %swap3A_831 = arith.constant 3 : i32
    %swap3A_832 = arith.index_cast %swap3A_831 : i32 to index
    %swap3A_833 = arith.constant 80 : index
    %swap3A_834 = tpu.vector_load %arg15[%swap3A_832, %swap3A_833] {strides = array<i32>} : memref<4x128xi32, #tpu.memory_space<vmem>>, vector<16xi32>,
    tpu.vector_store %arg15[%swap3A_832, %swap3A_833], %add3A_830 {strides = array<i32>} : memref<4x128xi32, #tpu.memory_space<vmem>>, vector<16xi32>,
    %get3A_835 = arith.constant 480 : index
    %get3A_836 = tpu.vector_load %arg16[%get3A_835] {strides = array<i32>} : memref<512xi32, #tpu.memory_space<vmem>>, vector<16xi32>,
    %mul3A_837 = arith.constant 8 : i32
    %mul3A_838 = vector.broadcast %mul3A_837 : i32 to vector<16xi32>
    %mul3A_839 = arith.muli %get3A_836, %mul3A_838 : vector<16xi32>
    %get3A_840 = arith.constant 480 : index
    %get3A_841 = tpu.vector_load %arg17[%get3A_840] {strides = array<i32>} : memref<512xi32, #tpu.memory_space<vmem>>, vector<16xi32>,
    %add3A_842 = arith.addi %mul3A_839, %get3A_841 : vector<16xi32>
    %mul3A_843 = arith.constant 16 : i32
    %mul3A_844 = vector.broadcast %mul3A_843 : i32 to vector<16xi32>
    %mul3A_845 = arith.muli %add3A_842, %mul3A_844 : vector<16xi32>
    %get3A_846 = arith.constant 480 : index
    %get3A_847 = tpu.vector_load %arg18[%get3A_846] {strides = array<i32>} : memref<512xi32, #tpu.memory_space<vmem>>, vector<16xi32>,
    %add3A_848 = arith.addi %mul3A_845, %get3A_847 : vector<16xi32>
    %mul3A_849 = arith.constant 16 : i32
    %mul3A_850 = vector.broadcast %mul3A_849 : i32 to vector<16xi32>
    %mul3A_851 = arith.muli %add3A_848, %mul3A_850 : vector<16xi32>
    %get3A_852 = arith.constant 480 : index
    %get3A_853 = tpu.vector_load %arg19[%get3A_852] {strides = array<i32>} : memref<512xi32, #tpu.memory_space<vmem>>, vector<16xi32>,
    %add3A_854 = arith.addi %mul3A_851, %get3A_853 : vector<16xi32>
    %swap3A_855 = arith.constant 3 : i32
    %swap3A_856 = arith.index_cast %swap3A_855 : i32 to index
    %swap3A_857 = arith.constant 96 : index
    %swap3A_858 = tpu.vector_load %arg15[%swap3A_856, %swap3A_857] {strides = array<i32>} : memref<4x128xi32, #tpu.memory_space<vmem>>, vector<16xi32>,
    tpu.vector_store %arg15[%swap3A_856, %swap3A_857], %add3A_854 {strides = array<i32>} : memref<4x128xi32, #tpu.memory_space<vmem>>, vector<16xi32>,
    %get3A_859 = arith.constant 496 : index
    %get3A_860 = tpu.vector_load %arg16[%get3A_859] {strides = array<i32>} : memref<512xi32, #tpu.memory_space<vmem>>, vector<16xi32>,
    %mul3A_861 = arith.constant 8 : i32
    %mul3A_862 = vector.broadcast %mul3A_861 : i32 to vector<16xi32>
    %mul3A_863 = arith.muli %get3A_860, %mul3A_862 : vector<16xi32>
    %get3A_864 = arith.constant 496 : index
    %get3A_865 = tpu.vector_load %arg17[%get3A_864] {strides = array<i32>} : memref<512xi32, #tpu.memory_space<vmem>>, vector<16xi32>,
    %add3A_866 = arith.addi %mul3A_863, %get3A_865 : vector<16xi32>
    %mul3A_867 = arith.constant 16 : i32
    %mul3A_868 = vector.broadcast %mul3A_867 : i32 to vector<16xi32>
    %mul3A_869 = arith.muli %add3A_866, %mul3A_868 : vector<16xi32>
    %get3A_870 = arith.constant 496 : index
    %get3A_871 = tpu.vector_load %arg18[%get3A_870] {strides = array<i32>} : memref<512xi32, #tpu.memory_space<vmem>>, vector<16xi32>,
    %add3A_872 = arith.addi %mul3A_869, %get3A_871 : vector<16xi32>
    %mul3A_873 = arith.constant 16 : i32
    %mul3A_874 = vector.broadcast %mul3A_873 : i32 to vector<16xi32>
    %mul3A_875 = arith.muli %add3A_872, %mul3A_874 : vector<16xi32>
    %get3A_876 = arith.constant 496 : index
    %get3A_877 = tpu.vector_load %arg19[%get3A_876] {strides = array<i32>} : memref<512xi32, #tpu.memory_space<vmem>>, vector<16xi32>,
    %add3A_878 = arith.addi %mul3A_875, %get3A_877 : vector<16xi32>
    %swap3A_879 = arith.constant 3 : i32
    %swap3A_880 = arith.index_cast %swap3A_879 : i32 to index
    %swap3A_881 = arith.constant 112 : index
    %swap3A_882 = tpu.vector_load %arg15[%swap3A_880, %swap3A_881] {strides = array<i32>} : memref<4x128xi32, #tpu.memory_space<vmem>>, vector<16xi32>,
    tpu.vector_store %arg15[%swap3A_880, %swap3A_881], %add3A_878 {strides = array<i32>} : memref<4x128xi32, #tpu.memory_space<vmem>>, vector<16xi32>,
    %dma_wait3A_883 = arith.constant 0 : i32
    %dma_wait3A_884 = tpu.memref_slice %arg11[%add3A_668, %dma_wait3A_883] : memref<16384x128xf32, #tpu.memory_space<hbm>> -> memref<128x128xf32, #tpu.memory_space<hbm>>
    %dma_wait3A_885 = arith.constant 0 : i32
    %dma_wait3A_886 = tpu.memref_slice %arg11[%add3A_668, %dma_wait3A_885] : memref<16384x128xf32, #tpu.memory_space<hbm>> -> memref<128x128xf32, #tpu.memory_space<hbm>>
    tpu.wait_dma2 semaphore(%arg34 : memref<!tpu.dma_semaphore, #tpu.memory_space<semaphore_mem>>) src(%arg26 : memref<128x128xf32, #tpu.memory_space<vmem>>) dst(%dma_wait3A_886 : memref<128x128xf32, #tpu.memory_space<hbm>>)
    %dma_wait3A_887 = arith.constant 0 : i32
    %dma_wait3A_888 = tpu.memref_slice %arg12[%add3A_668, %dma_wait3A_887] : memref<16384x128xf32, #tpu.memory_space<hbm>> -> memref<128x128xf32, #tpu.memory_space<hbm>>
    %dma_wait3A_889 = arith.constant 0 : i32
    %dma_wait3A_890 = tpu.memref_slice %arg12[%add3A_668, %dma_wait3A_889] : memref<16384x128xf32, #tpu.memory_space<hbm>> -> memref<128x128xf32, #tpu.memory_space<hbm>>
    tpu.wait_dma2 semaphore(%arg36 : memref<!tpu.dma_semaphore, #tpu.memory_space<semaphore_mem>>) src(%arg28 : memref<128x128xf32, #tpu.memory_space<vmem>>) dst(%dma_wait3A_890 : memref<128x128xf32, #tpu.memory_space<hbm>>)
    %dma_start3A_891 = arith.constant 3 : i32
    %dma_start3A_892 = arith.constant 0 : i32
    %dma_start3A_893 = tpu.memref_slice %arg15[%dma_start3A_891, %dma_start3A_892] : memref<4x128xi32, #tpu.memory_space<vmem>> -> memref<1x128xi32, #tpu.memory_space<vmem>>
    %dma_start3A_894 = tpu.memref_squeeze %dma_start3A_893 : memref<1x128xi32, #tpu.memory_space<vmem>> -> memref<128xi32, #tpu.memory_space<vmem>>
    %dma_start3A_895 = arith.constant 0 : i32
    %dma_start3A_896 = arith.constant 0 : i32
    %dma_start3A_897 = tpu.memref_slice %arg2[%dma_start3A_895, %dma_start3A_896] : memref<4096x128xf32, #tpu.memory_space<hbm>> -> memref<4096x128xf32, #tpu.memory_space<hbm>>
    tpu.enqueue_indirect_dma source(%dma_start3A_897 : memref<4096x128xf32, #tpu.memory_space<hbm>>) target(%arg26 : memref<128x128xf32, #tpu.memory_space<vmem>>) offsets(%dma_start3A_894 : memref<128xi32, #tpu.memory_space<vmem>>) semaphore(%arg30 : memref<!tpu.dma_semaphore, #tpu.memory_space<semaphore_mem>>)
    %dma_start3A_898 = arith.constant 3 : i32
    %dma_start3A_899 = arith.constant 0 : i32
    %dma_start3A_900 = tpu.memref_slice %arg15[%dma_start3A_898, %dma_start3A_899] : memref<4x128xi32, #tpu.memory_space<vmem>> -> memref<1x128xi32, #tpu.memory_space<vmem>>
    %dma_start3A_901 = tpu.memref_squeeze %dma_start3A_900 : memref<1x128xi32, #tpu.memory_space<vmem>> -> memref<128xi32, #tpu.memory_space<vmem>>
    %dma_start3A_902 = arith.constant 0 : i32
    %dma_start3A_903 = arith.constant 0 : i32
    %dma_start3A_904 = tpu.memref_slice %arg3[%dma_start3A_902, %dma_start3A_903] : memref<4096x128xf32, #tpu.memory_space<hbm>> -> memref<4096x128xf32, #tpu.memory_space<hbm>>
    tpu.enqueue_indirect_dma source(%dma_start3A_904 : memref<4096x128xf32, #tpu.memory_space<hbm>>) target(%arg28 : memref<128x128xf32, #tpu.memory_space<vmem>>) offsets(%dma_start3A_901 : memref<128xi32, #tpu.memory_space<vmem>>) semaphore(%arg32 : memref<!tpu.dma_semaphore, #tpu.memory_space<semaphore_mem>>)
    %add3A_905 = arith.constant 256 : i32
    %add3A_906 = arith.addi %mul3A_2, %add3A_905 : i32
    %dma_wait3A_907 = arith.constant 2 : i32
    %dma_wait3A_908 = arith.constant 0 : i32
    %dma_wait3A_909 = tpu.memref_slice %arg15[%dma_wait3A_907, %dma_wait3A_908] : memref<4x128xi32, #tpu.memory_space<vmem>> -> memref<1x128xi32, #tpu.memory_space<vmem>>
    %dma_wait3A_910 = tpu.memref_squeeze %dma_wait3A_909 : memref<1x128xi32, #tpu.memory_space<vmem>> -> memref<128xi32, #tpu.memory_space<vmem>>
    %dma_wait3A_911 = arith.constant 0 : i32
    %dma_wait3A_912 = arith.constant 0 : i32
    %dma_wait3A_913 = tpu.memref_slice %arg2[%dma_wait3A_911, %dma_wait3A_912] : memref<4096x128xf32, #tpu.memory_space<hbm>> -> memref<4096x128xf32, #tpu.memory_space<hbm>>
    tpu.wait_indirect_dma semaphore(%arg29 : memref<!tpu.dma_semaphore, #tpu.memory_space<semaphore_mem>>) src(%dma_wait3A_913 : memref<4096x128xf32, #tpu.memory_space<hbm>>) dst(%arg25 : memref<128x128xf32, #tpu.memory_space<vmem>>)
    %dma_start3A_914 = arith.constant 0 : i32
    %dma_start3A_915 = tpu.memref_slice %arg11[%add3A_906, %dma_start3A_914] : memref<16384x128xf32, #tpu.memory_space<hbm>> -> memref<128x128xf32, #tpu.memory_space<hbm>>
    %dma_start3A_916 = arith.constant 0 : i32
    %dma_start3A_917 = tpu.memref_slice %arg11[%add3A_906, %dma_start3A_916] : memref<16384x128xf32, #tpu.memory_space<hbm>> -> memref<128x128xf32, #tpu.memory_space<hbm>>
    tpu.enqueue_dma source(%arg25 : memref<128x128xf32, #tpu.memory_space<vmem>>) target(%dma_start3A_917 : memref<128x128xf32, #tpu.memory_space<hbm>>) target_semaphore(%arg33 : memref<!tpu.dma_semaphore, #tpu.memory_space<semaphore_mem>>)
    %dma_wait3A_918 = arith.constant 2 : i32
    %dma_wait3A_919 = arith.constant 0 : i32
    %dma_wait3A_920 = tpu.memref_slice %arg15[%dma_wait3A_918, %dma_wait3A_919] : memref<4x128xi32, #tpu.memory_space<vmem>> -> memref<1x128xi32, #tpu.memory_space<vmem>>
    %dma_wait3A_921 = tpu.memref_squeeze %dma_wait3A_920 : memref<1x128xi32, #tpu.memory_space<vmem>> -> memref<128xi32, #tpu.memory_space<vmem>>
    %dma_wait3A_922 = arith.constant 0 : i32
    %dma_wait3A_923 = arith.constant 0 : i32
    %dma_wait3A_924 = tpu.memref_slice %arg3[%dma_wait3A_922, %dma_wait3A_923] : memref<4096x128xf32, #tpu.memory_space<hbm>> -> memref<4096x128xf32, #tpu.memory_space<hbm>>
    tpu.wait_indirect_dma semaphore(%arg31 : memref<!tpu.dma_semaphore, #tpu.memory_space<semaphore_mem>>) src(%dma_wait3A_924 : memref<4096x128xf32, #tpu.memory_space<hbm>>) dst(%arg27 : memref<128x128xf32, #tpu.memory_space<vmem>>)
    %dma_start3A_925 = arith.constant 0 : i32
    %dma_start3A_926 = tpu.memref_slice %arg12[%add3A_906, %dma_start3A_925] : memref<16384x128xf32, #tpu.memory_space<hbm>> -> memref<128x128xf32, #tpu.memory_space<hbm>>
    %dma_start3A_927 = arith.constant 0 : i32
    %dma_start3A_928 = tpu.memref_slice %arg12[%add3A_906, %dma_start3A_927] : memref<16384x128xf32, #tpu.memory_space<hbm>> -> memref<128x128xf32, #tpu.memory_space<hbm>>
    tpu.enqueue_dma source(%arg27 : memref<128x128xf32, #tpu.memory_space<vmem>>) target(%dma_start3A_928 : memref<128x128xf32, #tpu.memory_space<hbm>>) target_semaphore(%arg35 : memref<!tpu.dma_semaphore, #tpu.memory_space<semaphore_mem>>)
    %add3A_929 = arith.constant 384 : i32
    %add3A_930 = arith.addi %mul3A_2, %add3A_929 : i32
    %dma_wait3A_931 = arith.constant 3 : i32
    %dma_wait3A_932 = arith.constant 0 : i32
    %dma_wait3A_933 = tpu.memref_slice %arg15[%dma_wait3A_931, %dma_wait3A_932] : memref<4x128xi32, #tpu.memory_space<vmem>> -> memref<1x128xi32, #tpu.memory_space<vmem>>
    %dma_wait3A_934 = tpu.memref_squeeze %dma_wait3A_933 : memref<1x128xi32, #tpu.memory_space<vmem>> -> memref<128xi32, #tpu.memory_space<vmem>>
    %dma_wait3A_935 = arith.constant 0 : i32
    %dma_wait3A_936 = arith.constant 0 : i32
    %dma_wait3A_937 = tpu.memref_slice %arg2[%dma_wait3A_935, %dma_wait3A_936] : memref<4096x128xf32, #tpu.memory_space<hbm>> -> memref<4096x128xf32, #tpu.memory_space<hbm>>
    tpu.wait_indirect_dma semaphore(%arg30 : memref<!tpu.dma_semaphore, #tpu.memory_space<semaphore_mem>>) src(%dma_wait3A_937 : memref<4096x128xf32, #tpu.memory_space<hbm>>) dst(%arg26 : memref<128x128xf32, #tpu.memory_space<vmem>>)
    %dma_start3A_938 = arith.constant 0 : i32
    %dma_start3A_939 = tpu.memref_slice %arg11[%add3A_930, %dma_start3A_938] : memref<16384x128xf32, #tpu.memory_space<hbm>> -> memref<128x128xf32, #tpu.memory_space<hbm>>
    %dma_start3A_940 = arith.constant 0 : i32
    %dma_start3A_941 = tpu.memref_slice %arg11[%add3A_930, %dma_start3A_940] : memref<16384x128xf32, #tpu.memory_space<hbm>> -> memref<128x128xf32, #tpu.memory_space<hbm>>
    tpu.enqueue_dma source(%arg26 : memref<128x128xf32, #tpu.memory_space<vmem>>) target(%dma_start3A_941 : memref<128x128xf32, #tpu.memory_space<hbm>>) target_semaphore(%arg34 : memref<!tpu.dma_semaphore, #tpu.memory_space<semaphore_mem>>)
    %dma_wait3A_942 = arith.constant 3 : i32
    %dma_wait3A_943 = arith.constant 0 : i32
    %dma_wait3A_944 = tpu.memref_slice %arg15[%dma_wait3A_942, %dma_wait3A_943] : memref<4x128xi32, #tpu.memory_space<vmem>> -> memref<1x128xi32, #tpu.memory_space<vmem>>
    %dma_wait3A_945 = tpu.memref_squeeze %dma_wait3A_944 : memref<1x128xi32, #tpu.memory_space<vmem>> -> memref<128xi32, #tpu.memory_space<vmem>>
    %dma_wait3A_946 = arith.constant 0 : i32
    %dma_wait3A_947 = arith.constant 0 : i32
    %dma_wait3A_948 = tpu.memref_slice %arg3[%dma_wait3A_946, %dma_wait3A_947] : memref<4096x128xf32, #tpu.memory_space<hbm>> -> memref<4096x128xf32, #tpu.memory_space<hbm>>
    tpu.wait_indirect_dma semaphore(%arg32 : memref<!tpu.dma_semaphore, #tpu.memory_space<semaphore_mem>>) src(%dma_wait3A_948 : memref<4096x128xf32, #tpu.memory_space<hbm>>) dst(%arg28 : memref<128x128xf32, #tpu.memory_space<vmem>>)
    %dma_start3A_949 = arith.constant 0 : i32
    %dma_start3A_950 = tpu.memref_slice %arg12[%add3A_930, %dma_start3A_949] : memref<16384x128xf32, #tpu.memory_space<hbm>> -> memref<128x128xf32, #tpu.memory_space<hbm>>
    %dma_start3A_951 = arith.constant 0 : i32
    %dma_start3A_952 = tpu.memref_slice %arg12[%add3A_930, %dma_start3A_951] : memref<16384x128xf32, #tpu.memory_space<hbm>> -> memref<128x128xf32, #tpu.memory_space<hbm>>
    tpu.enqueue_dma source(%arg28 : memref<128x128xf32, #tpu.memory_space<vmem>>) target(%dma_start3A_952 : memref<128x128xf32, #tpu.memory_space<hbm>>) target_semaphore(%arg36 : memref<!tpu.dma_semaphore, #tpu.memory_space<semaphore_mem>>)
    %dma_wait3A_953 = tpu.memref_slice %arg10[%mul3A_2] : memref<16384xf32, #tpu.memory_space<hbm>> -> memref<512xf32, #tpu.memory_space<hbm>>
    %dma_wait3A_954 = tpu.memref_slice %arg10[%mul3A_2] : memref<16384xf32, #tpu.memory_space<hbm>> -> memref<512xf32, #tpu.memory_space<hbm>>
    tpu.wait_dma2 semaphore(%arg31 : memref<!tpu.dma_semaphore, #tpu.memory_space<semaphore_mem>>) src(%dma_wait3A_954 : memref<512xf32, #tpu.memory_space<hbm>>) dst(%arg20 : memref<512xf32, #tpu.memory_space<vmem>>)
    tpu.wait_dma2 semaphore(%arg31 : memref<!tpu.dma_semaphore, #tpu.memory_space<semaphore_mem>>) src(%arg4 : memref<32x128xf32, #tpu.memory_space<hbm>>) dst(%arg21 : memref<32x128xf32, #tpu.memory_space<vmem>>)
    tpu.wait_dma2 semaphore(%arg31 : memref<!tpu.dma_semaphore, #tpu.memory_space<semaphore_mem>>) src(%arg5 : memref<32x128xf32, #tpu.memory_space<hbm>>) dst(%arg22 : memref<32x128xf32, #tpu.memory_space<vmem>>)
    %get3A_955 = arith.constant 0 : i32
    %get3A_956 = arith.index_cast %get3A_955 : i32 to index
    %get3A_957 = arith.constant 0 : index
    %get3A_958 = tpu.vector_load %arg15[%get3A_956, %get3A_957] {strides = array<i32>} : memref<4x128xi32, #tpu.memory_space<vmem>>, vector<16xi32>,
    %shift_right_logical3A = arith.constant 7 : i32
    %shift_right_logical3A_959 = vector.broadcast %shift_right_logical3A : i32 to vector<16xi32>
    %shift_right_logical3A_960 = arith.shrui %get3A_958, %shift_right_logical3A_959 : vector<16xi32>
    %and3A = arith.constant 127 : i32
    %and3A_961 = vector.broadcast %and3A : i32 to vector<16xi32>
    %and3A_962 = arith.andi %get3A_958, %and3A_961 : vector<16xi32>
    %gather3A = tpu.vector_load_idx %arg21[%shift_right_logical3A_960, %and3A_962] : memref<32x128xf32, #tpu.memory_space<vmem>>[vector<16xi32>, vector<16xi32>], vector<16xf32>,
    %get3A_963 = arith.constant 0 : index
    %get3A_964 = tpu.vector_load %arg20[%get3A_963] {strides = array<i32>} : memref<512xf32, #tpu.memory_space<vmem>>, vector<16xf32>,
    %add3A_965 = arith.addf %gather3A, %get3A_964 : vector<16xf32>
    %swap3A_966 = arith.constant 0 : index
    %swap3A_967 = tpu.vector_load %arg23[%swap3A_966] {strides = array<i32>} : memref<512xf32, #tpu.memory_space<vmem>>, vector<16xf32>,
    tpu.vector_store %arg23[%swap3A_966], %add3A_965 {strides = array<i32>} : memref<512xf32, #tpu.memory_space<vmem>>, vector<16xf32>,
    %gather3A_968 = tpu.vector_load_idx %arg22[%shift_right_logical3A_960, %and3A_962] : memref<32x128xf32, #tpu.memory_space<vmem>>[vector<16xi32>, vector<16xi32>], vector<16xf32>,
    %neg3A = arith.constant 0.000000e+00 : f32
    %neg3A_969 = vector.broadcast %neg3A : f32 to vector<16xf32>
    %neg3A_970 = arith.subf %neg3A_969, %gather3A_968 : vector<16xf32>
    %exp3A = math.exp %neg3A_970 : vector<16xf32>
    %add3A_971 = arith.constant 1.000000e+00 : f32
    %add3A_972 = vector.broadcast %add3A_971 : f32 to vector<16xf32>
    %add3A_973 = arith.addf %add3A_972, %exp3A : vector<16xf32>
    %div3A = arith.constant 1.000000e+00 : f32
    %div3A_974 = vector.broadcast %div3A : f32 to vector<16xf32>
    %div3A_975 = arith.divf %div3A_974, %add3A_973 : vector<16xf32>
    %swap3A_976 = arith.constant 0 : index
    %swap3A_977 = tpu.vector_load %arg24[%swap3A_976] {strides = array<i32>} : memref<512xf32, #tpu.memory_space<vmem>>, vector<16xf32>,
    tpu.vector_store %arg24[%swap3A_976], %div3A_975 {strides = array<i32>} : memref<512xf32, #tpu.memory_space<vmem>>, vector<16xf32>,
    %get3A_978 = arith.constant 0 : i32
    %get3A_979 = arith.index_cast %get3A_978 : i32 to index
    %get3A_980 = arith.constant 16 : index
    %get3A_981 = tpu.vector_load %arg15[%get3A_979, %get3A_980] {strides = array<i32>} : memref<4x128xi32, #tpu.memory_space<vmem>>, vector<16xi32>,
    %shift_right_logical3A_982 = arith.constant 7 : i32
    %shift_right_logical3A_983 = vector.broadcast %shift_right_logical3A_982 : i32 to vector<16xi32>
    %shift_right_logical3A_984 = arith.shrui %get3A_981, %shift_right_logical3A_983 : vector<16xi32>
    %and3A_985 = arith.constant 127 : i32
    %and3A_986 = vector.broadcast %and3A_985 : i32 to vector<16xi32>
    %and3A_987 = arith.andi %get3A_981, %and3A_986 : vector<16xi32>
    %gather3A_988 = tpu.vector_load_idx %arg21[%shift_right_logical3A_984, %and3A_987] : memref<32x128xf32, #tpu.memory_space<vmem>>[vector<16xi32>, vector<16xi32>], vector<16xf32>,
    %get3A_989 = arith.constant 16 : index
    %get3A_990 = tpu.vector_load %arg20[%get3A_989] {strides = array<i32>} : memref<512xf32, #tpu.memory_space<vmem>>, vector<16xf32>,
    %add3A_991 = arith.addf %gather3A_988, %get3A_990 : vector<16xf32>
    %swap3A_992 = arith.constant 16 : index
    %swap3A_993 = tpu.vector_load %arg23[%swap3A_992] {strides = array<i32>} : memref<512xf32, #tpu.memory_space<vmem>>, vector<16xf32>,
    tpu.vector_store %arg23[%swap3A_992], %add3A_991 {strides = array<i32>} : memref<512xf32, #tpu.memory_space<vmem>>, vector<16xf32>,
    %gather3A_994 = tpu.vector_load_idx %arg22[%shift_right_logical3A_984, %and3A_987] : memref<32x128xf32, #tpu.memory_space<vmem>>[vector<16xi32>, vector<16xi32>], vector<16xf32>,
    %neg3A_995 = arith.constant 0.000000e+00 : f32
    %neg3A_996 = vector.broadcast %neg3A_995 : f32 to vector<16xf32>
    %neg3A_997 = arith.subf %neg3A_996, %gather3A_994 : vector<16xf32>
    %exp3A_998 = math.exp %neg3A_997 : vector<16xf32>
    %add3A_999 = arith.constant 1.000000e+00 : f32
    %add3A_1000 = vector.broadcast %add3A_999 : f32 to vector<16xf32>
    %add3A_1001 = arith.addf %add3A_1000, %exp3A_998 : vector<16xf32>
    %div3A_1002 = arith.constant 1.000000e+00 : f32
    %div3A_1003 = vector.broadcast %div3A_1002 : f32 to vector<16xf32>
    %div3A_1004 = arith.divf %div3A_1003, %add3A_1001 : vector<16xf32>
    %swap3A_1005 = arith.constant 16 : index
    %swap3A_1006 = tpu.vector_load %arg24[%swap3A_1005] {strides = array<i32>} : memref<512xf32, #tpu.memory_space<vmem>>, vector<16xf32>,
    tpu.vector_store %arg24[%swap3A_1005], %div3A_1004 {strides = array<i32>} : memref<512xf32, #tpu.memory_space<vmem>>, vector<16xf32>,
    %get3A_1007 = arith.constant 0 : i32
    %get3A_1008 = arith.index_cast %get3A_1007 : i32 to index
    %get3A_1009 = arith.constant 32 : index
    %get3A_1010 = tpu.vector_load %arg15[%get3A_1008, %get3A_1009] {strides = array<i32>} : memref<4x128xi32, #tpu.memory_space<vmem>>, vector<16xi32>,
    %shift_right_logical3A_1011 = arith.constant 7 : i32
    %shift_right_logical3A_1012 = vector.broadcast %shift_right_logical3A_1011 : i32 to vector<16xi32>
    %shift_right_logical3A_1013 = arith.shrui %get3A_1010, %shift_right_logical3A_1012 : vector<16xi32>
    %and3A_1014 = arith.constant 127 : i32
    %and3A_1015 = vector.broadcast %and3A_1014 : i32 to vector<16xi32>
    %and3A_1016 = arith.andi %get3A_1010, %and3A_1015 : vector<16xi32>
    %gather3A_1017 = tpu.vector_load_idx %arg21[%shift_right_logical3A_1013, %and3A_1016] : memref<32x128xf32, #tpu.memory_space<vmem>>[vector<16xi32>, vector<16xi32>], vector<16xf32>,
    %get3A_1018 = arith.constant 32 : index
    %get3A_1019 = tpu.vector_load %arg20[%get3A_1018] {strides = array<i32>} : memref<512xf32, #tpu.memory_space<vmem>>, vector<16xf32>,
    %add3A_1020 = arith.addf %gather3A_1017, %get3A_1019 : vector<16xf32>
    %swap3A_1021 = arith.constant 32 : index
    %swap3A_1022 = tpu.vector_load %arg23[%swap3A_1021] {strides = array<i32>} : memref<512xf32, #tpu.memory_space<vmem>>, vector<16xf32>,
    tpu.vector_store %arg23[%swap3A_1021], %add3A_1020 {strides = array<i32>} : memref<512xf32, #tpu.memory_space<vmem>>, vector<16xf32>,
    %gather3A_1023 = tpu.vector_load_idx %arg22[%shift_right_logical3A_1013, %and3A_1016] : memref<32x128xf32, #tpu.memory_space<vmem>>[vector<16xi32>, vector<16xi32>], vector<16xf32>,
    %neg3A_1024 = arith.constant 0.000000e+00 : f32
    %neg3A_1025 = vector.broadcast %neg3A_1024 : f32 to vector<16xf32>
    %neg3A_1026 = arith.subf %neg3A_1025, %gather3A_1023 : vector<16xf32>
    %exp3A_1027 = math.exp %neg3A_1026 : vector<16xf32>
    %add3A_1028 = arith.constant 1.000000e+00 : f32
    %add3A_1029 = vector.broadcast %add3A_1028 : f32 to vector<16xf32>
    %add3A_1030 = arith.addf %add3A_1029, %exp3A_1027 : vector<16xf32>
    %div3A_1031 = arith.constant 1.000000e+00 : f32
    %div3A_1032 = vector.broadcast %div3A_1031 : f32 to vector<16xf32>
    %div3A_1033 = arith.divf %div3A_1032, %add3A_1030 : vector<16xf32>
    %swap3A_1034 = arith.constant 32 : index
    %swap3A_1035 = tpu.vector_load %arg24[%swap3A_1034] {strides = array<i32>} : memref<512xf32, #tpu.memory_space<vmem>>, vector<16xf32>,
    tpu.vector_store %arg24[%swap3A_1034], %div3A_1033 {strides = array<i32>} : memref<512xf32, #tpu.memory_space<vmem>>, vector<16xf32>,
    %get3A_1036 = arith.constant 0 : i32
    %get3A_1037 = arith.index_cast %get3A_1036 : i32 to index
    %get3A_1038 = arith.constant 48 : index
    %get3A_1039 = tpu.vector_load %arg15[%get3A_1037, %get3A_1038] {strides = array<i32>} : memref<4x128xi32, #tpu.memory_space<vmem>>, vector<16xi32>,
    %shift_right_logical3A_1040 = arith.constant 7 : i32
    %shift_right_logical3A_1041 = vector.broadcast %shift_right_logical3A_1040 : i32 to vector<16xi32>
    %shift_right_logical3A_1042 = arith.shrui %get3A_1039, %shift_right_logical3A_1041 : vector<16xi32>
    %and3A_1043 = arith.constant 127 : i32
    %and3A_1044 = vector.broadcast %and3A_1043 : i32 to vector<16xi32>
    %and3A_1045 = arith.andi %get3A_1039, %and3A_1044 : vector<16xi32>
    %gather3A_1046 = tpu.vector_load_idx %arg21[%shift_right_logical3A_1042, %and3A_1045] : memref<32x128xf32, #tpu.memory_space<vmem>>[vector<16xi32>, vector<16xi32>], vector<16xf32>,
    %get3A_1047 = arith.constant 48 : index
    %get3A_1048 = tpu.vector_load %arg20[%get3A_1047] {strides = array<i32>} : memref<512xf32, #tpu.memory_space<vmem>>, vector<16xf32>,
    %add3A_1049 = arith.addf %gather3A_1046, %get3A_1048 : vector<16xf32>
    %swap3A_1050 = arith.constant 48 : index
    %swap3A_1051 = tpu.vector_load %arg23[%swap3A_1050] {strides = array<i32>} : memref<512xf32, #tpu.memory_space<vmem>>, vector<16xf32>,
    tpu.vector_store %arg23[%swap3A_1050], %add3A_1049 {strides = array<i32>} : memref<512xf32, #tpu.memory_space<vmem>>, vector<16xf32>,
    %gather3A_1052 = tpu.vector_load_idx %arg22[%shift_right_logical3A_1042, %and3A_1045] : memref<32x128xf32, #tpu.memory_space<vmem>>[vector<16xi32>, vector<16xi32>], vector<16xf32>,
    %neg3A_1053 = arith.constant 0.000000e+00 : f32
    %neg3A_1054 = vector.broadcast %neg3A_1053 : f32 to vector<16xf32>
    %neg3A_1055 = arith.subf %neg3A_1054, %gather3A_1052 : vector<16xf32>
    %exp3A_1056 = math.exp %neg3A_1055 : vector<16xf32>
    %add3A_1057 = arith.constant 1.000000e+00 : f32
    %add3A_1058 = vector.broadcast %add3A_1057 : f32 to vector<16xf32>
    %add3A_1059 = arith.addf %add3A_1058, %exp3A_1056 : vector<16xf32>
    %div3A_1060 = arith.constant 1.000000e+00 : f32
    %div3A_1061 = vector.broadcast %div3A_1060 : f32 to vector<16xf32>
    %div3A_1062 = arith.divf %div3A_1061, %add3A_1059 : vector<16xf32>
    %swap3A_1063 = arith.constant 48 : index
    %swap3A_1064 = tpu.vector_load %arg24[%swap3A_1063] {strides = array<i32>} : memref<512xf32, #tpu.memory_space<vmem>>, vector<16xf32>,
    tpu.vector_store %arg24[%swap3A_1063], %div3A_1062 {strides = array<i32>} : memref<512xf32, #tpu.memory_space<vmem>>, vector<16xf32>,
    %get3A_1065 = arith.constant 0 : i32
    %get3A_1066 = arith.index_cast %get3A_1065 : i32 to index
    %get3A_1067 = arith.constant 64 : index
    %get3A_1068 = tpu.vector_load %arg15[%get3A_1066, %get3A_1067] {strides = array<i32>} : memref<4x128xi32, #tpu.memory_space<vmem>>, vector<16xi32>,
    %shift_right_logical3A_1069 = arith.constant 7 : i32
    %shift_right_logical3A_1070 = vector.broadcast %shift_right_logical3A_1069 : i32 to vector<16xi32>
    %shift_right_logical3A_1071 = arith.shrui %get3A_1068, %shift_right_logical3A_1070 : vector<16xi32>
    %and3A_1072 = arith.constant 127 : i32
    %and3A_1073 = vector.broadcast %and3A_1072 : i32 to vector<16xi32>
    %and3A_1074 = arith.andi %get3A_1068, %and3A_1073 : vector<16xi32>
    %gather3A_1075 = tpu.vector_load_idx %arg21[%shift_right_logical3A_1071, %and3A_1074] : memref<32x128xf32, #tpu.memory_space<vmem>>[vector<16xi32>, vector<16xi32>], vector<16xf32>,
    %get3A_1076 = arith.constant 64 : index
    %get3A_1077 = tpu.vector_load %arg20[%get3A_1076] {strides = array<i32>} : memref<512xf32, #tpu.memory_space<vmem>>, vector<16xf32>,
    %add3A_1078 = arith.addf %gather3A_1075, %get3A_1077 : vector<16xf32>
    %swap3A_1079 = arith.constant 64 : index
    %swap3A_1080 = tpu.vector_load %arg23[%swap3A_1079] {strides = array<i32>} : memref<512xf32, #tpu.memory_space<vmem>>, vector<16xf32>,
    tpu.vector_store %arg23[%swap3A_1079], %add3A_1078 {strides = array<i32>} : memref<512xf32, #tpu.memory_space<vmem>>, vector<16xf32>,
    %gather3A_1081 = tpu.vector_load_idx %arg22[%shift_right_logical3A_1071, %and3A_1074] : memref<32x128xf32, #tpu.memory_space<vmem>>[vector<16xi32>, vector<16xi32>], vector<16xf32>,
    %neg3A_1082 = arith.constant 0.000000e+00 : f32
    %neg3A_1083 = vector.broadcast %neg3A_1082 : f32 to vector<16xf32>
    %neg3A_1084 = arith.subf %neg3A_1083, %gather3A_1081 : vector<16xf32>
    %exp3A_1085 = math.exp %neg3A_1084 : vector<16xf32>
    %add3A_1086 = arith.constant 1.000000e+00 : f32
    %add3A_1087 = vector.broadcast %add3A_1086 : f32 to vector<16xf32>
    %add3A_1088 = arith.addf %add3A_1087, %exp3A_1085 : vector<16xf32>
    %div3A_1089 = arith.constant 1.000000e+00 : f32
    %div3A_1090 = vector.broadcast %div3A_1089 : f32 to vector<16xf32>
    %div3A_1091 = arith.divf %div3A_1090, %add3A_1088 : vector<16xf32>
    %swap3A_1092 = arith.constant 64 : index
    %swap3A_1093 = tpu.vector_load %arg24[%swap3A_1092] {strides = array<i32>} : memref<512xf32, #tpu.memory_space<vmem>>, vector<16xf32>,
    tpu.vector_store %arg24[%swap3A_1092], %div3A_1091 {strides = array<i32>} : memref<512xf32, #tpu.memory_space<vmem>>, vector<16xf32>,
    %get3A_1094 = arith.constant 0 : i32
    %get3A_1095 = arith.index_cast %get3A_1094 : i32 to index
    %get3A_1096 = arith.constant 80 : index
    %get3A_1097 = tpu.vector_load %arg15[%get3A_1095, %get3A_1096] {strides = array<i32>} : memref<4x128xi32, #tpu.memory_space<vmem>>, vector<16xi32>,
    %shift_right_logical3A_1098 = arith.constant 7 : i32
    %shift_right_logical3A_1099 = vector.broadcast %shift_right_logical3A_1098 : i32 to vector<16xi32>
    %shift_right_logical3A_1100 = arith.shrui %get3A_1097, %shift_right_logical3A_1099 : vector<16xi32>
    %and3A_1101 = arith.constant 127 : i32
    %and3A_1102 = vector.broadcast %and3A_1101 : i32 to vector<16xi32>
    %and3A_1103 = arith.andi %get3A_1097, %and3A_1102 : vector<16xi32>
    %gather3A_1104 = tpu.vector_load_idx %arg21[%shift_right_logical3A_1100, %and3A_1103] : memref<32x128xf32, #tpu.memory_space<vmem>>[vector<16xi32>, vector<16xi32>], vector<16xf32>,
    %get3A_1105 = arith.constant 80 : index
    %get3A_1106 = tpu.vector_load %arg20[%get3A_1105] {strides = array<i32>} : memref<512xf32, #tpu.memory_space<vmem>>, vector<16xf32>,
    %add3A_1107 = arith.addf %gather3A_1104, %get3A_1106 : vector<16xf32>
    %swap3A_1108 = arith.constant 80 : index
    %swap3A_1109 = tpu.vector_load %arg23[%swap3A_1108] {strides = array<i32>} : memref<512xf32, #tpu.memory_space<vmem>>, vector<16xf32>,
    tpu.vector_store %arg23[%swap3A_1108], %add3A_1107 {strides = array<i32>} : memref<512xf32, #tpu.memory_space<vmem>>, vector<16xf32>,
    %gather3A_1110 = tpu.vector_load_idx %arg22[%shift_right_logical3A_1100, %and3A_1103] : memref<32x128xf32, #tpu.memory_space<vmem>>[vector<16xi32>, vector<16xi32>], vector<16xf32>,
    %neg3A_1111 = arith.constant 0.000000e+00 : f32
    %neg3A_1112 = vector.broadcast %neg3A_1111 : f32 to vector<16xf32>
    %neg3A_1113 = arith.subf %neg3A_1112, %gather3A_1110 : vector<16xf32>
    %exp3A_1114 = math.exp %neg3A_1113 : vector<16xf32>
    %add3A_1115 = arith.constant 1.000000e+00 : f32
    %add3A_1116 = vector.broadcast %add3A_1115 : f32 to vector<16xf32>
    %add3A_1117 = arith.addf %add3A_1116, %exp3A_1114 : vector<16xf32>
    %div3A_1118 = arith.constant 1.000000e+00 : f32
    %div3A_1119 = vector.broadcast %div3A_1118 : f32 to vector<16xf32>
    %div3A_1120 = arith.divf %div3A_1119, %add3A_1117 : vector<16xf32>
    %swap3A_1121 = arith.constant 80 : index
    %swap3A_1122 = tpu.vector_load %arg24[%swap3A_1121] {strides = array<i32>} : memref<512xf32, #tpu.memory_space<vmem>>, vector<16xf32>,
    tpu.vector_store %arg24[%swap3A_1121], %div3A_1120 {strides = array<i32>} : memref<512xf32, #tpu.memory_space<vmem>>, vector<16xf32>,
    %get3A_1123 = arith.constant 0 : i32
    %get3A_1124 = arith.index_cast %get3A_1123 : i32 to index
    %get3A_1125 = arith.constant 96 : index
    %get3A_1126 = tpu.vector_load %arg15[%get3A_1124, %get3A_1125] {strides = array<i32>} : memref<4x128xi32, #tpu.memory_space<vmem>>, vector<16xi32>,
    %shift_right_logical3A_1127 = arith.constant 7 : i32
    %shift_right_logical3A_1128 = vector.broadcast %shift_right_logical3A_1127 : i32 to vector<16xi32>
    %shift_right_logical3A_1129 = arith.shrui %get3A_1126, %shift_right_logical3A_1128 : vector<16xi32>
    %and3A_1130 = arith.constant 127 : i32
    %and3A_1131 = vector.broadcast %and3A_1130 : i32 to vector<16xi32>
    %and3A_1132 = arith.andi %get3A_1126, %and3A_1131 : vector<16xi32>
    %gather3A_1133 = tpu.vector_load_idx %arg21[%shift_right_logical3A_1129, %and3A_1132] : memref<32x128xf32, #tpu.memory_space<vmem>>[vector<16xi32>, vector<16xi32>], vector<16xf32>,
    %get3A_1134 = arith.constant 96 : index
    %get3A_1135 = tpu.vector_load %arg20[%get3A_1134] {strides = array<i32>} : memref<512xf32, #tpu.memory_space<vmem>>, vector<16xf32>,
    %add3A_1136 = arith.addf %gather3A_1133, %get3A_1135 : vector<16xf32>
    %swap3A_1137 = arith.constant 96 : index
    %swap3A_1138 = tpu.vector_load %arg23[%swap3A_1137] {strides = array<i32>} : memref<512xf32, #tpu.memory_space<vmem>>, vector<16xf32>,
    tpu.vector_store %arg23[%swap3A_1137], %add3A_1136 {strides = array<i32>} : memref<512xf32, #tpu.memory_space<vmem>>, vector<16xf32>,
    %gather3A_1139 = tpu.vector_load_idx %arg22[%shift_right_logical3A_1129, %and3A_1132] : memref<32x128xf32, #tpu.memory_space<vmem>>[vector<16xi32>, vector<16xi32>], vector<16xf32>,
    %neg3A_1140 = arith.constant 0.000000e+00 : f32
    %neg3A_1141 = vector.broadcast %neg3A_1140 : f32 to vector<16xf32>
    %neg3A_1142 = arith.subf %neg3A_1141, %gather3A_1139 : vector<16xf32>
    %exp3A_1143 = math.exp %neg3A_1142 : vector<16xf32>
    %add3A_1144 = arith.constant 1.000000e+00 : f32
    %add3A_1145 = vector.broadcast %add3A_1144 : f32 to vector<16xf32>
    %add3A_1146 = arith.addf %add3A_1145, %exp3A_1143 : vector<16xf32>
    %div3A_1147 = arith.constant 1.000000e+00 : f32
    %div3A_1148 = vector.broadcast %div3A_1147 : f32 to vector<16xf32>
    %div3A_1149 = arith.divf %div3A_1148, %add3A_1146 : vector<16xf32>
    %swap3A_1150 = arith.constant 96 : index
    %swap3A_1151 = tpu.vector_load %arg24[%swap3A_1150] {strides = array<i32>} : memref<512xf32, #tpu.memory_space<vmem>>, vector<16xf32>,
    tpu.vector_store %arg24[%swap3A_1150], %div3A_1149 {strides = array<i32>} : memref<512xf32, #tpu.memory_space<vmem>>, vector<16xf32>,
    %get3A_1152 = arith.constant 0 : i32
    %get3A_1153 = arith.index_cast %get3A_1152 : i32 to index
    %get3A_1154 = arith.constant 112 : index
    %get3A_1155 = tpu.vector_load %arg15[%get3A_1153, %get3A_1154] {strides = array<i32>} : memref<4x128xi32, #tpu.memory_space<vmem>>, vector<16xi32>,
    %shift_right_logical3A_1156 = arith.constant 7 : i32
    %shift_right_logical3A_1157 = vector.broadcast %shift_right_logical3A_1156 : i32 to vector<16xi32>
    %shift_right_logical3A_1158 = arith.shrui %get3A_1155, %shift_right_logical3A_1157 : vector<16xi32>
    %and3A_1159 = arith.constant 127 : i32
    %and3A_1160 = vector.broadcast %and3A_1159 : i32 to vector<16xi32>
    %and3A_1161 = arith.andi %get3A_1155, %and3A_1160 : vector<16xi32>
    %gather3A_1162 = tpu.vector_load_idx %arg21[%shift_right_logical3A_1158, %and3A_1161] : memref<32x128xf32, #tpu.memory_space<vmem>>[vector<16xi32>, vector<16xi32>], vector<16xf32>,
    %get3A_1163 = arith.constant 112 : index
    %get3A_1164 = tpu.vector_load %arg20[%get3A_1163] {strides = array<i32>} : memref<512xf32, #tpu.memory_space<vmem>>, vector<16xf32>,
    %add3A_1165 = arith.addf %gather3A_1162, %get3A_1164 : vector<16xf32>
    %swap3A_1166 = arith.constant 112 : index
    %swap3A_1167 = tpu.vector_load %arg23[%swap3A_1166] {strides = array<i32>} : memref<512xf32, #tpu.memory_space<vmem>>, vector<16xf32>,
    tpu.vector_store %arg23[%swap3A_1166], %add3A_1165 {strides = array<i32>} : memref<512xf32, #tpu.memory_space<vmem>>, vector<16xf32>,
    %gather3A_1168 = tpu.vector_load_idx %arg22[%shift_right_logical3A_1158, %and3A_1161] : memref<32x128xf32, #tpu.memory_space<vmem>>[vector<16xi32>, vector<16xi32>], vector<16xf32>,
    %neg3A_1169 = arith.constant 0.000000e+00 : f32
    %neg3A_1170 = vector.broadcast %neg3A_1169 : f32 to vector<16xf32>
    %neg3A_1171 = arith.subf %neg3A_1170, %gather3A_1168 : vector<16xf32>
    %exp3A_1172 = math.exp %neg3A_1171 : vector<16xf32>
    %add3A_1173 = arith.constant 1.000000e+00 : f32
    %add3A_1174 = vector.broadcast %add3A_1173 : f32 to vector<16xf32>
    %add3A_1175 = arith.addf %add3A_1174, %exp3A_1172 : vector<16xf32>
    %div3A_1176 = arith.constant 1.000000e+00 : f32
    %div3A_1177 = vector.broadcast %div3A_1176 : f32 to vector<16xf32>
    %div3A_1178 = arith.divf %div3A_1177, %add3A_1175 : vector<16xf32>
    %swap3A_1179 = arith.constant 112 : index
    %swap3A_1180 = tpu.vector_load %arg24[%swap3A_1179] {strides = array<i32>} : memref<512xf32, #tpu.memory_space<vmem>>, vector<16xf32>,
    tpu.vector_store %arg24[%swap3A_1179], %div3A_1178 {strides = array<i32>} : memref<512xf32, #tpu.memory_space<vmem>>, vector<16xf32>,
    %get3A_1181 = arith.constant 1 : i32
    %get3A_1182 = arith.index_cast %get3A_1181 : i32 to index
    %get3A_1183 = arith.constant 0 : index
    %get3A_1184 = tpu.vector_load %arg15[%get3A_1182, %get3A_1183] {strides = array<i32>} : memref<4x128xi32, #tpu.memory_space<vmem>>, vector<16xi32>,
    %shift_right_logical3A_1185 = arith.constant 7 : i32
    %shift_right_logical3A_1186 = vector.broadcast %shift_right_logical3A_1185 : i32 to vector<16xi32>
    %shift_right_logical3A_1187 = arith.shrui %get3A_1184, %shift_right_logical3A_1186 : vector<16xi32>
    %and3A_1188 = arith.constant 127 : i32
    %and3A_1189 = vector.broadcast %and3A_1188 : i32 to vector<16xi32>
    %and3A_1190 = arith.andi %get3A_1184, %and3A_1189 : vector<16xi32>
    %gather3A_1191 = tpu.vector_load_idx %arg21[%shift_right_logical3A_1187, %and3A_1190] : memref<32x128xf32, #tpu.memory_space<vmem>>[vector<16xi32>, vector<16xi32>], vector<16xf32>,
    %get3A_1192 = arith.constant 128 : index
    %get3A_1193 = tpu.vector_load %arg20[%get3A_1192] {strides = array<i32>} : memref<512xf32, #tpu.memory_space<vmem>>, vector<16xf32>,
    %add3A_1194 = arith.addf %gather3A_1191, %get3A_1193 : vector<16xf32>
    %swap3A_1195 = arith.constant 128 : index
    %swap3A_1196 = tpu.vector_load %arg23[%swap3A_1195] {strides = array<i32>} : memref<512xf32, #tpu.memory_space<vmem>>, vector<16xf32>,
    tpu.vector_store %arg23[%swap3A_1195], %add3A_1194 {strides = array<i32>} : memref<512xf32, #tpu.memory_space<vmem>>, vector<16xf32>,
    %gather3A_1197 = tpu.vector_load_idx %arg22[%shift_right_logical3A_1187, %and3A_1190] : memref<32x128xf32, #tpu.memory_space<vmem>>[vector<16xi32>, vector<16xi32>], vector<16xf32>,
    %neg3A_1198 = arith.constant 0.000000e+00 : f32
    %neg3A_1199 = vector.broadcast %neg3A_1198 : f32 to vector<16xf32>
    %neg3A_1200 = arith.subf %neg3A_1199, %gather3A_1197 : vector<16xf32>
    %exp3A_1201 = math.exp %neg3A_1200 : vector<16xf32>
    %add3A_1202 = arith.constant 1.000000e+00 : f32
    %add3A_1203 = vector.broadcast %add3A_1202 : f32 to vector<16xf32>
    %add3A_1204 = arith.addf %add3A_1203, %exp3A_1201 : vector<16xf32>
    %div3A_1205 = arith.constant 1.000000e+00 : f32
    %div3A_1206 = vector.broadcast %div3A_1205 : f32 to vector<16xf32>
    %div3A_1207 = arith.divf %div3A_1206, %add3A_1204 : vector<16xf32>
    %swap3A_1208 = arith.constant 128 : index
    %swap3A_1209 = tpu.vector_load %arg24[%swap3A_1208] {strides = array<i32>} : memref<512xf32, #tpu.memory_space<vmem>>, vector<16xf32>,
    tpu.vector_store %arg24[%swap3A_1208], %div3A_1207 {strides = array<i32>} : memref<512xf32, #tpu.memory_space<vmem>>, vector<16xf32>,
    %get3A_1210 = arith.constant 1 : i32
    %get3A_1211 = arith.index_cast %get3A_1210 : i32 to index
    %get3A_1212 = arith.constant 16 : index
    %get3A_1213 = tpu.vector_load %arg15[%get3A_1211, %get3A_1212] {strides = array<i32>} : memref<4x128xi32, #tpu.memory_space<vmem>>, vector<16xi32>,
    %shift_right_logical3A_1214 = arith.constant 7 : i32
    %shift_right_logical3A_1215 = vector.broadcast %shift_right_logical3A_1214 : i32 to vector<16xi32>
    %shift_right_logical3A_1216 = arith.shrui %get3A_1213, %shift_right_logical3A_1215 : vector<16xi32>
    %and3A_1217 = arith.constant 127 : i32
    %and3A_1218 = vector.broadcast %and3A_1217 : i32 to vector<16xi32>
    %and3A_1219 = arith.andi %get3A_1213, %and3A_1218 : vector<16xi32>
    %gather3A_1220 = tpu.vector_load_idx %arg21[%shift_right_logical3A_1216, %and3A_1219] : memref<32x128xf32, #tpu.memory_space<vmem>>[vector<16xi32>, vector<16xi32>], vector<16xf32>,
    %get3A_1221 = arith.constant 144 : index
    %get3A_1222 = tpu.vector_load %arg20[%get3A_1221] {strides = array<i32>} : memref<512xf32, #tpu.memory_space<vmem>>, vector<16xf32>,
    %add3A_1223 = arith.addf %gather3A_1220, %get3A_1222 : vector<16xf32>
    %swap3A_1224 = arith.constant 144 : index
    %swap3A_1225 = tpu.vector_load %arg23[%swap3A_1224] {strides = array<i32>} : memref<512xf32, #tpu.memory_space<vmem>>, vector<16xf32>,
    tpu.vector_store %arg23[%swap3A_1224], %add3A_1223 {strides = array<i32>} : memref<512xf32, #tpu.memory_space<vmem>>, vector<16xf32>,
    %gather3A_1226 = tpu.vector_load_idx %arg22[%shift_right_logical3A_1216, %and3A_1219] : memref<32x128xf32, #tpu.memory_space<vmem>>[vector<16xi32>, vector<16xi32>], vector<16xf32>,
    %neg3A_1227 = arith.constant 0.000000e+00 : f32
    %neg3A_1228 = vector.broadcast %neg3A_1227 : f32 to vector<16xf32>
    %neg3A_1229 = arith.subf %neg3A_1228, %gather3A_1226 : vector<16xf32>
    %exp3A_1230 = math.exp %neg3A_1229 : vector<16xf32>
    %add3A_1231 = arith.constant 1.000000e+00 : f32
    %add3A_1232 = vector.broadcast %add3A_1231 : f32 to vector<16xf32>
    %add3A_1233 = arith.addf %add3A_1232, %exp3A_1230 : vector<16xf32>
    %div3A_1234 = arith.constant 1.000000e+00 : f32
    %div3A_1235 = vector.broadcast %div3A_1234 : f32 to vector<16xf32>
    %div3A_1236 = arith.divf %div3A_1235, %add3A_1233 : vector<16xf32>
    %swap3A_1237 = arith.constant 144 : index
    %swap3A_1238 = tpu.vector_load %arg24[%swap3A_1237] {strides = array<i32>} : memref<512xf32, #tpu.memory_space<vmem>>, vector<16xf32>,
    tpu.vector_store %arg24[%swap3A_1237], %div3A_1236 {strides = array<i32>} : memref<512xf32, #tpu.memory_space<vmem>>, vector<16xf32>,
    %get3A_1239 = arith.constant 1 : i32
    %get3A_1240 = arith.index_cast %get3A_1239 : i32 to index
    %get3A_1241 = arith.constant 32 : index
    %get3A_1242 = tpu.vector_load %arg15[%get3A_1240, %get3A_1241] {strides = array<i32>} : memref<4x128xi32, #tpu.memory_space<vmem>>, vector<16xi32>,
    %shift_right_logical3A_1243 = arith.constant 7 : i32
    %shift_right_logical3A_1244 = vector.broadcast %shift_right_logical3A_1243 : i32 to vector<16xi32>
    %shift_right_logical3A_1245 = arith.shrui %get3A_1242, %shift_right_logical3A_1244 : vector<16xi32>
    %and3A_1246 = arith.constant 127 : i32
    %and3A_1247 = vector.broadcast %and3A_1246 : i32 to vector<16xi32>
    %and3A_1248 = arith.andi %get3A_1242, %and3A_1247 : vector<16xi32>
    %gather3A_1249 = tpu.vector_load_idx %arg21[%shift_right_logical3A_1245, %and3A_1248] : memref<32x128xf32, #tpu.memory_space<vmem>>[vector<16xi32>, vector<16xi32>], vector<16xf32>,
    %get3A_1250 = arith.constant 160 : index
    %get3A_1251 = tpu.vector_load %arg20[%get3A_1250] {strides = array<i32>} : memref<512xf32, #tpu.memory_space<vmem>>, vector<16xf32>,
    %add3A_1252 = arith.addf %gather3A_1249, %get3A_1251 : vector<16xf32>
    %swap3A_1253 = arith.constant 160 : index
    %swap3A_1254 = tpu.vector_load %arg23[%swap3A_1253] {strides = array<i32>} : memref<512xf32, #tpu.memory_space<vmem>>, vector<16xf32>,
    tpu.vector_store %arg23[%swap3A_1253], %add3A_1252 {strides = array<i32>} : memref<512xf32, #tpu.memory_space<vmem>>, vector<16xf32>,
    %gather3A_1255 = tpu.vector_load_idx %arg22[%shift_right_logical3A_1245, %and3A_1248] : memref<32x128xf32, #tpu.memory_space<vmem>>[vector<16xi32>, vector<16xi32>], vector<16xf32>,
    %neg3A_1256 = arith.constant 0.000000e+00 : f32
    %neg3A_1257 = vector.broadcast %neg3A_1256 : f32 to vector<16xf32>
    %neg3A_1258 = arith.subf %neg3A_1257, %gather3A_1255 : vector<16xf32>
    %exp3A_1259 = math.exp %neg3A_1258 : vector<16xf32>
    %add3A_1260 = arith.constant 1.000000e+00 : f32
    %add3A_1261 = vector.broadcast %add3A_1260 : f32 to vector<16xf32>
    %add3A_1262 = arith.addf %add3A_1261, %exp3A_1259 : vector<16xf32>
    %div3A_1263 = arith.constant 1.000000e+00 : f32
    %div3A_1264 = vector.broadcast %div3A_1263 : f32 to vector<16xf32>
    %div3A_1265 = arith.divf %div3A_1264, %add3A_1262 : vector<16xf32>
    %swap3A_1266 = arith.constant 160 : index
    %swap3A_1267 = tpu.vector_load %arg24[%swap3A_1266] {strides = array<i32>} : memref<512xf32, #tpu.memory_space<vmem>>, vector<16xf32>,
    tpu.vector_store %arg24[%swap3A_1266], %div3A_1265 {strides = array<i32>} : memref<512xf32, #tpu.memory_space<vmem>>, vector<16xf32>,
    %get3A_1268 = arith.constant 1 : i32
    %get3A_1269 = arith.index_cast %get3A_1268 : i32 to index
    %get3A_1270 = arith.constant 48 : index
    %get3A_1271 = tpu.vector_load %arg15[%get3A_1269, %get3A_1270] {strides = array<i32>} : memref<4x128xi32, #tpu.memory_space<vmem>>, vector<16xi32>,
    %shift_right_logical3A_1272 = arith.constant 7 : i32
    %shift_right_logical3A_1273 = vector.broadcast %shift_right_logical3A_1272 : i32 to vector<16xi32>
    %shift_right_logical3A_1274 = arith.shrui %get3A_1271, %shift_right_logical3A_1273 : vector<16xi32>
    %and3A_1275 = arith.constant 127 : i32
    %and3A_1276 = vector.broadcast %and3A_1275 : i32 to vector<16xi32>
    %and3A_1277 = arith.andi %get3A_1271, %and3A_1276 : vector<16xi32>
    %gather3A_1278 = tpu.vector_load_idx %arg21[%shift_right_logical3A_1274, %and3A_1277] : memref<32x128xf32, #tpu.memory_space<vmem>>[vector<16xi32>, vector<16xi32>], vector<16xf32>,
    %get3A_1279 = arith.constant 176 : index
    %get3A_1280 = tpu.vector_load %arg20[%get3A_1279] {strides = array<i32>} : memref<512xf32, #tpu.memory_space<vmem>>, vector<16xf32>,
    %add3A_1281 = arith.addf %gather3A_1278, %get3A_1280 : vector<16xf32>
    %swap3A_1282 = arith.constant 176 : index
    %swap3A_1283 = tpu.vector_load %arg23[%swap3A_1282] {strides = array<i32>} : memref<512xf32, #tpu.memory_space<vmem>>, vector<16xf32>,
    tpu.vector_store %arg23[%swap3A_1282], %add3A_1281 {strides = array<i32>} : memref<512xf32, #tpu.memory_space<vmem>>, vector<16xf32>,
    %gather3A_1284 = tpu.vector_load_idx %arg22[%shift_right_logical3A_1274, %and3A_1277] : memref<32x128xf32, #tpu.memory_space<vmem>>[vector<16xi32>, vector<16xi32>], vector<16xf32>,
    %neg3A_1285 = arith.constant 0.000000e+00 : f32
    %neg3A_1286 = vector.broadcast %neg3A_1285 : f32 to vector<16xf32>
    %neg3A_1287 = arith.subf %neg3A_1286, %gather3A_1284 : vector<16xf32>
    %exp3A_1288 = math.exp %neg3A_1287 : vector<16xf32>
    %add3A_1289 = arith.constant 1.000000e+00 : f32
    %add3A_1290 = vector.broadcast %add3A_1289 : f32 to vector<16xf32>
    %add3A_1291 = arith.addf %add3A_1290, %exp3A_1288 : vector<16xf32>
    %div3A_1292 = arith.constant 1.000000e+00 : f32
    %div3A_1293 = vector.broadcast %div3A_1292 : f32 to vector<16xf32>
    %div3A_1294 = arith.divf %div3A_1293, %add3A_1291 : vector<16xf32>
    %swap3A_1295 = arith.constant 176 : index
    %swap3A_1296 = tpu.vector_load %arg24[%swap3A_1295] {strides = array<i32>} : memref<512xf32, #tpu.memory_space<vmem>>, vector<16xf32>,
    tpu.vector_store %arg24[%swap3A_1295], %div3A_1294 {strides = array<i32>} : memref<512xf32, #tpu.memory_space<vmem>>, vector<16xf32>,
    %get3A_1297 = arith.constant 1 : i32
    %get3A_1298 = arith.index_cast %get3A_1297 : i32 to index
    %get3A_1299 = arith.constant 64 : index
    %get3A_1300 = tpu.vector_load %arg15[%get3A_1298, %get3A_1299] {strides = array<i32>} : memref<4x128xi32, #tpu.memory_space<vmem>>, vector<16xi32>,
    %shift_right_logical3A_1301 = arith.constant 7 : i32
    %shift_right_logical3A_1302 = vector.broadcast %shift_right_logical3A_1301 : i32 to vector<16xi32>
    %shift_right_logical3A_1303 = arith.shrui %get3A_1300, %shift_right_logical3A_1302 : vector<16xi32>
    %and3A_1304 = arith.constant 127 : i32
    %and3A_1305 = vector.broadcast %and3A_1304 : i32 to vector<16xi32>
    %and3A_1306 = arith.andi %get3A_1300, %and3A_1305 : vector<16xi32>
    %gather3A_1307 = tpu.vector_load_idx %arg21[%shift_right_logical3A_1303, %and3A_1306] : memref<32x128xf32, #tpu.memory_space<vmem>>[vector<16xi32>, vector<16xi32>], vector<16xf32>,
    %get3A_1308 = arith.constant 192 : index
    %get3A_1309 = tpu.vector_load %arg20[%get3A_1308] {strides = array<i32>} : memref<512xf32, #tpu.memory_space<vmem>>, vector<16xf32>,
    %add3A_1310 = arith.addf %gather3A_1307, %get3A_1309 : vector<16xf32>
    %swap3A_1311 = arith.constant 192 : index
    %swap3A_1312 = tpu.vector_load %arg23[%swap3A_1311] {strides = array<i32>} : memref<512xf32, #tpu.memory_space<vmem>>, vector<16xf32>,
    tpu.vector_store %arg23[%swap3A_1311], %add3A_1310 {strides = array<i32>} : memref<512xf32, #tpu.memory_space<vmem>>, vector<16xf32>,
    %gather3A_1313 = tpu.vector_load_idx %arg22[%shift_right_logical3A_1303, %and3A_1306] : memref<32x128xf32, #tpu.memory_space<vmem>>[vector<16xi32>, vector<16xi32>], vector<16xf32>,
    %neg3A_1314 = arith.constant 0.000000e+00 : f32
    %neg3A_1315 = vector.broadcast %neg3A_1314 : f32 to vector<16xf32>
    %neg3A_1316 = arith.subf %neg3A_1315, %gather3A_1313 : vector<16xf32>
    %exp3A_1317 = math.exp %neg3A_1316 : vector<16xf32>
    %add3A_1318 = arith.constant 1.000000e+00 : f32
    %add3A_1319 = vector.broadcast %add3A_1318 : f32 to vector<16xf32>
    %add3A_1320 = arith.addf %add3A_1319, %exp3A_1317 : vector<16xf32>
    %div3A_1321 = arith.constant 1.000000e+00 : f32
    %div3A_1322 = vector.broadcast %div3A_1321 : f32 to vector<16xf32>
    %div3A_1323 = arith.divf %div3A_1322, %add3A_1320 : vector<16xf32>
    %swap3A_1324 = arith.constant 192 : index
    %swap3A_1325 = tpu.vector_load %arg24[%swap3A_1324] {strides = array<i32>} : memref<512xf32, #tpu.memory_space<vmem>>, vector<16xf32>,
    tpu.vector_store %arg24[%swap3A_1324], %div3A_1323 {strides = array<i32>} : memref<512xf32, #tpu.memory_space<vmem>>, vector<16xf32>,
    %get3A_1326 = arith.constant 1 : i32
    %get3A_1327 = arith.index_cast %get3A_1326 : i32 to index
    %get3A_1328 = arith.constant 80 : index
    %get3A_1329 = tpu.vector_load %arg15[%get3A_1327, %get3A_1328] {strides = array<i32>} : memref<4x128xi32, #tpu.memory_space<vmem>>, vector<16xi32>,
    %shift_right_logical3A_1330 = arith.constant 7 : i32
    %shift_right_logical3A_1331 = vector.broadcast %shift_right_logical3A_1330 : i32 to vector<16xi32>
    %shift_right_logical3A_1332 = arith.shrui %get3A_1329, %shift_right_logical3A_1331 : vector<16xi32>
    %and3A_1333 = arith.constant 127 : i32
    %and3A_1334 = vector.broadcast %and3A_1333 : i32 to vector<16xi32>
    %and3A_1335 = arith.andi %get3A_1329, %and3A_1334 : vector<16xi32>
    %gather3A_1336 = tpu.vector_load_idx %arg21[%shift_right_logical3A_1332, %and3A_1335] : memref<32x128xf32, #tpu.memory_space<vmem>>[vector<16xi32>, vector<16xi32>], vector<16xf32>,
    %get3A_1337 = arith.constant 208 : index
    %get3A_1338 = tpu.vector_load %arg20[%get3A_1337] {strides = array<i32>} : memref<512xf32, #tpu.memory_space<vmem>>, vector<16xf32>,
    %add3A_1339 = arith.addf %gather3A_1336, %get3A_1338 : vector<16xf32>
    %swap3A_1340 = arith.constant 208 : index
    %swap3A_1341 = tpu.vector_load %arg23[%swap3A_1340] {strides = array<i32>} : memref<512xf32, #tpu.memory_space<vmem>>, vector<16xf32>,
    tpu.vector_store %arg23[%swap3A_1340], %add3A_1339 {strides = array<i32>} : memref<512xf32, #tpu.memory_space<vmem>>, vector<16xf32>,
    %gather3A_1342 = tpu.vector_load_idx %arg22[%shift_right_logical3A_1332, %and3A_1335] : memref<32x128xf32, #tpu.memory_space<vmem>>[vector<16xi32>, vector<16xi32>], vector<16xf32>,
    %neg3A_1343 = arith.constant 0.000000e+00 : f32
    %neg3A_1344 = vector.broadcast %neg3A_1343 : f32 to vector<16xf32>
    %neg3A_1345 = arith.subf %neg3A_1344, %gather3A_1342 : vector<16xf32>
    %exp3A_1346 = math.exp %neg3A_1345 : vector<16xf32>
    %add3A_1347 = arith.constant 1.000000e+00 : f32
    %add3A_1348 = vector.broadcast %add3A_1347 : f32 to vector<16xf32>
    %add3A_1349 = arith.addf %add3A_1348, %exp3A_1346 : vector<16xf32>
    %div3A_1350 = arith.constant 1.000000e+00 : f32
    %div3A_1351 = vector.broadcast %div3A_1350 : f32 to vector<16xf32>
    %div3A_1352 = arith.divf %div3A_1351, %add3A_1349 : vector<16xf32>
    %swap3A_1353 = arith.constant 208 : index
    %swap3A_1354 = tpu.vector_load %arg24[%swap3A_1353] {strides = array<i32>} : memref<512xf32, #tpu.memory_space<vmem>>, vector<16xf32>,
    tpu.vector_store %arg24[%swap3A_1353], %div3A_1352 {strides = array<i32>} : memref<512xf32, #tpu.memory_space<vmem>>, vector<16xf32>,
    %get3A_1355 = arith.constant 1 : i32
    %get3A_1356 = arith.index_cast %get3A_1355 : i32 to index
    %get3A_1357 = arith.constant 96 : index
    %get3A_1358 = tpu.vector_load %arg15[%get3A_1356, %get3A_1357] {strides = array<i32>} : memref<4x128xi32, #tpu.memory_space<vmem>>, vector<16xi32>,
    %shift_right_logical3A_1359 = arith.constant 7 : i32
    %shift_right_logical3A_1360 = vector.broadcast %shift_right_logical3A_1359 : i32 to vector<16xi32>
    %shift_right_logical3A_1361 = arith.shrui %get3A_1358, %shift_right_logical3A_1360 : vector<16xi32>
    %and3A_1362 = arith.constant 127 : i32
    %and3A_1363 = vector.broadcast %and3A_1362 : i32 to vector<16xi32>
    %and3A_1364 = arith.andi %get3A_1358, %and3A_1363 : vector<16xi32>
    %gather3A_1365 = tpu.vector_load_idx %arg21[%shift_right_logical3A_1361, %and3A_1364] : memref<32x128xf32, #tpu.memory_space<vmem>>[vector<16xi32>, vector<16xi32>], vector<16xf32>,
    %get3A_1366 = arith.constant 224 : index
    %get3A_1367 = tpu.vector_load %arg20[%get3A_1366] {strides = array<i32>} : memref<512xf32, #tpu.memory_space<vmem>>, vector<16xf32>,
    %add3A_1368 = arith.addf %gather3A_1365, %get3A_1367 : vector<16xf32>
    %swap3A_1369 = arith.constant 224 : index
    %swap3A_1370 = tpu.vector_load %arg23[%swap3A_1369] {strides = array<i32>} : memref<512xf32, #tpu.memory_space<vmem>>, vector<16xf32>,
    tpu.vector_store %arg23[%swap3A_1369], %add3A_1368 {strides = array<i32>} : memref<512xf32, #tpu.memory_space<vmem>>, vector<16xf32>,
    %gather3A_1371 = tpu.vector_load_idx %arg22[%shift_right_logical3A_1361, %and3A_1364] : memref<32x128xf32, #tpu.memory_space<vmem>>[vector<16xi32>, vector<16xi32>], vector<16xf32>,
    %neg3A_1372 = arith.constant 0.000000e+00 : f32
    %neg3A_1373 = vector.broadcast %neg3A_1372 : f32 to vector<16xf32>
    %neg3A_1374 = arith.subf %neg3A_1373, %gather3A_1371 : vector<16xf32>
    %exp3A_1375 = math.exp %neg3A_1374 : vector<16xf32>
    %add3A_1376 = arith.constant 1.000000e+00 : f32
    %add3A_1377 = vector.broadcast %add3A_1376 : f32 to vector<16xf32>
    %add3A_1378 = arith.addf %add3A_1377, %exp3A_1375 : vector<16xf32>
    %div3A_1379 = arith.constant 1.000000e+00 : f32
    %div3A_1380 = vector.broadcast %div3A_1379 : f32 to vector<16xf32>
    %div3A_1381 = arith.divf %div3A_1380, %add3A_1378 : vector<16xf32>
    %swap3A_1382 = arith.constant 224 : index
    %swap3A_1383 = tpu.vector_load %arg24[%swap3A_1382] {strides = array<i32>} : memref<512xf32, #tpu.memory_space<vmem>>, vector<16xf32>,
    tpu.vector_store %arg24[%swap3A_1382], %div3A_1381 {strides = array<i32>} : memref<512xf32, #tpu.memory_space<vmem>>, vector<16xf32>,
    %get3A_1384 = arith.constant 1 : i32
    %get3A_1385 = arith.index_cast %get3A_1384 : i32 to index
    %get3A_1386 = arith.constant 112 : index
    %get3A_1387 = tpu.vector_load %arg15[%get3A_1385, %get3A_1386] {strides = array<i32>} : memref<4x128xi32, #tpu.memory_space<vmem>>, vector<16xi32>,
    %shift_right_logical3A_1388 = arith.constant 7 : i32
    %shift_right_logical3A_1389 = vector.broadcast %shift_right_logical3A_1388 : i32 to vector<16xi32>
    %shift_right_logical3A_1390 = arith.shrui %get3A_1387, %shift_right_logical3A_1389 : vector<16xi32>
    %and3A_1391 = arith.constant 127 : i32
    %and3A_1392 = vector.broadcast %and3A_1391 : i32 to vector<16xi32>
    %and3A_1393 = arith.andi %get3A_1387, %and3A_1392 : vector<16xi32>
    %gather3A_1394 = tpu.vector_load_idx %arg21[%shift_right_logical3A_1390, %and3A_1393] : memref<32x128xf32, #tpu.memory_space<vmem>>[vector<16xi32>, vector<16xi32>], vector<16xf32>,
    %get3A_1395 = arith.constant 240 : index
    %get3A_1396 = tpu.vector_load %arg20[%get3A_1395] {strides = array<i32>} : memref<512xf32, #tpu.memory_space<vmem>>, vector<16xf32>,
    %add3A_1397 = arith.addf %gather3A_1394, %get3A_1396 : vector<16xf32>
    %swap3A_1398 = arith.constant 240 : index
    %swap3A_1399 = tpu.vector_load %arg23[%swap3A_1398] {strides = array<i32>} : memref<512xf32, #tpu.memory_space<vmem>>, vector<16xf32>,
    tpu.vector_store %arg23[%swap3A_1398], %add3A_1397 {strides = array<i32>} : memref<512xf32, #tpu.memory_space<vmem>>, vector<16xf32>,
    %gather3A_1400 = tpu.vector_load_idx %arg22[%shift_right_logical3A_1390, %and3A_1393] : memref<32x128xf32, #tpu.memory_space<vmem>>[vector<16xi32>, vector<16xi32>], vector<16xf32>,
    %neg3A_1401 = arith.constant 0.000000e+00 : f32
    %neg3A_1402 = vector.broadcast %neg3A_1401 : f32 to vector<16xf32>
    %neg3A_1403 = arith.subf %neg3A_1402, %gather3A_1400 : vector<16xf32>
    %exp3A_1404 = math.exp %neg3A_1403 : vector<16xf32>
    %add3A_1405 = arith.constant 1.000000e+00 : f32
    %add3A_1406 = vector.broadcast %add3A_1405 : f32 to vector<16xf32>
    %add3A_1407 = arith.addf %add3A_1406, %exp3A_1404 : vector<16xf32>
    %div3A_1408 = arith.constant 1.000000e+00 : f32
    %div3A_1409 = vector.broadcast %div3A_1408 : f32 to vector<16xf32>
    %div3A_1410 = arith.divf %div3A_1409, %add3A_1407 : vector<16xf32>
    %swap3A_1411 = arith.constant 240 : index
    %swap3A_1412 = tpu.vector_load %arg24[%swap3A_1411] {strides = array<i32>} : memref<512xf32, #tpu.memory_space<vmem>>, vector<16xf32>,
    tpu.vector_store %arg24[%swap3A_1411], %div3A_1410 {strides = array<i32>} : memref<512xf32, #tpu.memory_space<vmem>>, vector<16xf32>,
    %get3A_1413 = arith.constant 2 : i32
    %get3A_1414 = arith.index_cast %get3A_1413 : i32 to index
    %get3A_1415 = arith.constant 0 : index
    %get3A_1416 = tpu.vector_load %arg15[%get3A_1414, %get3A_1415] {strides = array<i32>} : memref<4x128xi32, #tpu.memory_space<vmem>>, vector<16xi32>,
    %shift_right_logical3A_1417 = arith.constant 7 : i32
    %shift_right_logical3A_1418 = vector.broadcast %shift_right_logical3A_1417 : i32 to vector<16xi32>
    %shift_right_logical3A_1419 = arith.shrui %get3A_1416, %shift_right_logical3A_1418 : vector<16xi32>
    %and3A_1420 = arith.constant 127 : i32
    %and3A_1421 = vector.broadcast %and3A_1420 : i32 to vector<16xi32>
    %and3A_1422 = arith.andi %get3A_1416, %and3A_1421 : vector<16xi32>
    %gather3A_1423 = tpu.vector_load_idx %arg21[%shift_right_logical3A_1419, %and3A_1422] : memref<32x128xf32, #tpu.memory_space<vmem>>[vector<16xi32>, vector<16xi32>], vector<16xf32>,
    %get3A_1424 = arith.constant 256 : index
    %get3A_1425 = tpu.vector_load %arg20[%get3A_1424] {strides = array<i32>} : memref<512xf32, #tpu.memory_space<vmem>>, vector<16xf32>,
    %add3A_1426 = arith.addf %gather3A_1423, %get3A_1425 : vector<16xf32>
    %swap3A_1427 = arith.constant 256 : index
    %swap3A_1428 = tpu.vector_load %arg23[%swap3A_1427] {strides = array<i32>} : memref<512xf32, #tpu.memory_space<vmem>>, vector<16xf32>,
    tpu.vector_store %arg23[%swap3A_1427], %add3A_1426 {strides = array<i32>} : memref<512xf32, #tpu.memory_space<vmem>>, vector<16xf32>,
    %gather3A_1429 = tpu.vector_load_idx %arg22[%shift_right_logical3A_1419, %and3A_1422] : memref<32x128xf32, #tpu.memory_space<vmem>>[vector<16xi32>, vector<16xi32>], vector<16xf32>,
    %neg3A_1430 = arith.constant 0.000000e+00 : f32
    %neg3A_1431 = vector.broadcast %neg3A_1430 : f32 to vector<16xf32>
    %neg3A_1432 = arith.subf %neg3A_1431, %gather3A_1429 : vector<16xf32>
    %exp3A_1433 = math.exp %neg3A_1432 : vector<16xf32>
    %add3A_1434 = arith.constant 1.000000e+00 : f32
    %add3A_1435 = vector.broadcast %add3A_1434 : f32 to vector<16xf32>
    %add3A_1436 = arith.addf %add3A_1435, %exp3A_1433 : vector<16xf32>
    %div3A_1437 = arith.constant 1.000000e+00 : f32
    %div3A_1438 = vector.broadcast %div3A_1437 : f32 to vector<16xf32>
    %div3A_1439 = arith.divf %div3A_1438, %add3A_1436 : vector<16xf32>
    %swap3A_1440 = arith.constant 256 : index
    %swap3A_1441 = tpu.vector_load %arg24[%swap3A_1440] {strides = array<i32>} : memref<512xf32, #tpu.memory_space<vmem>>, vector<16xf32>,
    tpu.vector_store %arg24[%swap3A_1440], %div3A_1439 {strides = array<i32>} : memref<512xf32, #tpu.memory_space<vmem>>, vector<16xf32>,
    %get3A_1442 = arith.constant 2 : i32
    %get3A_1443 = arith.index_cast %get3A_1442 : i32 to index
    %get3A_1444 = arith.constant 16 : index
    %get3A_1445 = tpu.vector_load %arg15[%get3A_1443, %get3A_1444] {strides = array<i32>} : memref<4x128xi32, #tpu.memory_space<vmem>>, vector<16xi32>,
    %shift_right_logical3A_1446 = arith.constant 7 : i32
    %shift_right_logical3A_1447 = vector.broadcast %shift_right_logical3A_1446 : i32 to vector<16xi32>
    %shift_right_logical3A_1448 = arith.shrui %get3A_1445, %shift_right_logical3A_1447 : vector<16xi32>
    %and3A_1449 = arith.constant 127 : i32
    %and3A_1450 = vector.broadcast %and3A_1449 : i32 to vector<16xi32>
    %and3A_1451 = arith.andi %get3A_1445, %and3A_1450 : vector<16xi32>
    %gather3A_1452 = tpu.vector_load_idx %arg21[%shift_right_logical3A_1448, %and3A_1451] : memref<32x128xf32, #tpu.memory_space<vmem>>[vector<16xi32>, vector<16xi32>], vector<16xf32>,
    %get3A_1453 = arith.constant 272 : index
    %get3A_1454 = tpu.vector_load %arg20[%get3A_1453] {strides = array<i32>} : memref<512xf32, #tpu.memory_space<vmem>>, vector<16xf32>,
    %add3A_1455 = arith.addf %gather3A_1452, %get3A_1454 : vector<16xf32>
    %swap3A_1456 = arith.constant 272 : index
    %swap3A_1457 = tpu.vector_load %arg23[%swap3A_1456] {strides = array<i32>} : memref<512xf32, #tpu.memory_space<vmem>>, vector<16xf32>,
    tpu.vector_store %arg23[%swap3A_1456], %add3A_1455 {strides = array<i32>} : memref<512xf32, #tpu.memory_space<vmem>>, vector<16xf32>,
    %gather3A_1458 = tpu.vector_load_idx %arg22[%shift_right_logical3A_1448, %and3A_1451] : memref<32x128xf32, #tpu.memory_space<vmem>>[vector<16xi32>, vector<16xi32>], vector<16xf32>,
    %neg3A_1459 = arith.constant 0.000000e+00 : f32
    %neg3A_1460 = vector.broadcast %neg3A_1459 : f32 to vector<16xf32>
    %neg3A_1461 = arith.subf %neg3A_1460, %gather3A_1458 : vector<16xf32>
    %exp3A_1462 = math.exp %neg3A_1461 : vector<16xf32>
    %add3A_1463 = arith.constant 1.000000e+00 : f32
    %add3A_1464 = vector.broadcast %add3A_1463 : f32 to vector<16xf32>
    %add3A_1465 = arith.addf %add3A_1464, %exp3A_1462 : vector<16xf32>
    %div3A_1466 = arith.constant 1.000000e+00 : f32
    %div3A_1467 = vector.broadcast %div3A_1466 : f32 to vector<16xf32>
    %div3A_1468 = arith.divf %div3A_1467, %add3A_1465 : vector<16xf32>
    %swap3A_1469 = arith.constant 272 : index
    %swap3A_1470 = tpu.vector_load %arg24[%swap3A_1469] {strides = array<i32>} : memref<512xf32, #tpu.memory_space<vmem>>, vector<16xf32>,
    tpu.vector_store %arg24[%swap3A_1469], %div3A_1468 {strides = array<i32>} : memref<512xf32, #tpu.memory_space<vmem>>, vector<16xf32>,
    %get3A_1471 = arith.constant 2 : i32
    %get3A_1472 = arith.index_cast %get3A_1471 : i32 to index
    %get3A_1473 = arith.constant 32 : index
    %get3A_1474 = tpu.vector_load %arg15[%get3A_1472, %get3A_1473] {strides = array<i32>} : memref<4x128xi32, #tpu.memory_space<vmem>>, vector<16xi32>,
    %shift_right_logical3A_1475 = arith.constant 7 : i32
    %shift_right_logical3A_1476 = vector.broadcast %shift_right_logical3A_1475 : i32 to vector<16xi32>
    %shift_right_logical3A_1477 = arith.shrui %get3A_1474, %shift_right_logical3A_1476 : vector<16xi32>
    %and3A_1478 = arith.constant 127 : i32
    %and3A_1479 = vector.broadcast %and3A_1478 : i32 to vector<16xi32>
    %and3A_1480 = arith.andi %get3A_1474, %and3A_1479 : vector<16xi32>
    %gather3A_1481 = tpu.vector_load_idx %arg21[%shift_right_logical3A_1477, %and3A_1480] : memref<32x128xf32, #tpu.memory_space<vmem>>[vector<16xi32>, vector<16xi32>], vector<16xf32>,
    %get3A_1482 = arith.constant 288 : index
    %get3A_1483 = tpu.vector_load %arg20[%get3A_1482] {strides = array<i32>} : memref<512xf32, #tpu.memory_space<vmem>>, vector<16xf32>,
    %add3A_1484 = arith.addf %gather3A_1481, %get3A_1483 : vector<16xf32>
    %swap3A_1485 = arith.constant 288 : index
    %swap3A_1486 = tpu.vector_load %arg23[%swap3A_1485] {strides = array<i32>} : memref<512xf32, #tpu.memory_space<vmem>>, vector<16xf32>,
    tpu.vector_store %arg23[%swap3A_1485], %add3A_1484 {strides = array<i32>} : memref<512xf32, #tpu.memory_space<vmem>>, vector<16xf32>,
    %gather3A_1487 = tpu.vector_load_idx %arg22[%shift_right_logical3A_1477, %and3A_1480] : memref<32x128xf32, #tpu.memory_space<vmem>>[vector<16xi32>, vector<16xi32>], vector<16xf32>,
    %neg3A_1488 = arith.constant 0.000000e+00 : f32
    %neg3A_1489 = vector.broadcast %neg3A_1488 : f32 to vector<16xf32>
    %neg3A_1490 = arith.subf %neg3A_1489, %gather3A_1487 : vector<16xf32>
    %exp3A_1491 = math.exp %neg3A_1490 : vector<16xf32>
    %add3A_1492 = arith.constant 1.000000e+00 : f32
    %add3A_1493 = vector.broadcast %add3A_1492 : f32 to vector<16xf32>
    %add3A_1494 = arith.addf %add3A_1493, %exp3A_1491 : vector<16xf32>
    %div3A_1495 = arith.constant 1.000000e+00 : f32
    %div3A_1496 = vector.broadcast %div3A_1495 : f32 to vector<16xf32>
    %div3A_1497 = arith.divf %div3A_1496, %add3A_1494 : vector<16xf32>
    %swap3A_1498 = arith.constant 288 : index
    %swap3A_1499 = tpu.vector_load %arg24[%swap3A_1498] {strides = array<i32>} : memref<512xf32, #tpu.memory_space<vmem>>, vector<16xf32>,
    tpu.vector_store %arg24[%swap3A_1498], %div3A_1497 {strides = array<i32>} : memref<512xf32, #tpu.memory_space<vmem>>, vector<16xf32>,
    %get3A_1500 = arith.constant 2 : i32
    %get3A_1501 = arith.index_cast %get3A_1500 : i32 to index
    %get3A_1502 = arith.constant 48 : index
    %get3A_1503 = tpu.vector_load %arg15[%get3A_1501, %get3A_1502] {strides = array<i32>} : memref<4x128xi32, #tpu.memory_space<vmem>>, vector<16xi32>,
    %shift_right_logical3A_1504 = arith.constant 7 : i32
    %shift_right_logical3A_1505 = vector.broadcast %shift_right_logical3A_1504 : i32 to vector<16xi32>
    %shift_right_logical3A_1506 = arith.shrui %get3A_1503, %shift_right_logical3A_1505 : vector<16xi32>
    %and3A_1507 = arith.constant 127 : i32
    %and3A_1508 = vector.broadcast %and3A_1507 : i32 to vector<16xi32>
    %and3A_1509 = arith.andi %get3A_1503, %and3A_1508 : vector<16xi32>
    %gather3A_1510 = tpu.vector_load_idx %arg21[%shift_right_logical3A_1506, %and3A_1509] : memref<32x128xf32, #tpu.memory_space<vmem>>[vector<16xi32>, vector<16xi32>], vector<16xf32>,
    %get3A_1511 = arith.constant 304 : index
    %get3A_1512 = tpu.vector_load %arg20[%get3A_1511] {strides = array<i32>} : memref<512xf32, #tpu.memory_space<vmem>>, vector<16xf32>,
    %add3A_1513 = arith.addf %gather3A_1510, %get3A_1512 : vector<16xf32>
    %swap3A_1514 = arith.constant 304 : index
    %swap3A_1515 = tpu.vector_load %arg23[%swap3A_1514] {strides = array<i32>} : memref<512xf32, #tpu.memory_space<vmem>>, vector<16xf32>,
    tpu.vector_store %arg23[%swap3A_1514], %add3A_1513 {strides = array<i32>} : memref<512xf32, #tpu.memory_space<vmem>>, vector<16xf32>,
    %gather3A_1516 = tpu.vector_load_idx %arg22[%shift_right_logical3A_1506, %and3A_1509] : memref<32x128xf32, #tpu.memory_space<vmem>>[vector<16xi32>, vector<16xi32>], vector<16xf32>,
    %neg3A_1517 = arith.constant 0.000000e+00 : f32
    %neg3A_1518 = vector.broadcast %neg3A_1517 : f32 to vector<16xf32>
    %neg3A_1519 = arith.subf %neg3A_1518, %gather3A_1516 : vector<16xf32>
    %exp3A_1520 = math.exp %neg3A_1519 : vector<16xf32>
    %add3A_1521 = arith.constant 1.000000e+00 : f32
    %add3A_1522 = vector.broadcast %add3A_1521 : f32 to vector<16xf32>
    %add3A_1523 = arith.addf %add3A_1522, %exp3A_1520 : vector<16xf32>
    %div3A_1524 = arith.constant 1.000000e+00 : f32
    %div3A_1525 = vector.broadcast %div3A_1524 : f32 to vector<16xf32>
    %div3A_1526 = arith.divf %div3A_1525, %add3A_1523 : vector<16xf32>
    %swap3A_1527 = arith.constant 304 : index
    %swap3A_1528 = tpu.vector_load %arg24[%swap3A_1527] {strides = array<i32>} : memref<512xf32, #tpu.memory_space<vmem>>, vector<16xf32>,
    tpu.vector_store %arg24[%swap3A_1527], %div3A_1526 {strides = array<i32>} : memref<512xf32, #tpu.memory_space<vmem>>, vector<16xf32>,
    %get3A_1529 = arith.constant 2 : i32
    %get3A_1530 = arith.index_cast %get3A_1529 : i32 to index
    %get3A_1531 = arith.constant 64 : index
    %get3A_1532 = tpu.vector_load %arg15[%get3A_1530, %get3A_1531] {strides = array<i32>} : memref<4x128xi32, #tpu.memory_space<vmem>>, vector<16xi32>,
    %shift_right_logical3A_1533 = arith.constant 7 : i32
    %shift_right_logical3A_1534 = vector.broadcast %shift_right_logical3A_1533 : i32 to vector<16xi32>
    %shift_right_logical3A_1535 = arith.shrui %get3A_1532, %shift_right_logical3A_1534 : vector<16xi32>
    %and3A_1536 = arith.constant 127 : i32
    %and3A_1537 = vector.broadcast %and3A_1536 : i32 to vector<16xi32>
    %and3A_1538 = arith.andi %get3A_1532, %and3A_1537 : vector<16xi32>
    %gather3A_1539 = tpu.vector_load_idx %arg21[%shift_right_logical3A_1535, %and3A_1538] : memref<32x128xf32, #tpu.memory_space<vmem>>[vector<16xi32>, vector<16xi32>], vector<16xf32>,
    %get3A_1540 = arith.constant 320 : index
    %get3A_1541 = tpu.vector_load %arg20[%get3A_1540] {strides = array<i32>} : memref<512xf32, #tpu.memory_space<vmem>>, vector<16xf32>,
    %add3A_1542 = arith.addf %gather3A_1539, %get3A_1541 : vector<16xf32>
    %swap3A_1543 = arith.constant 320 : index
    %swap3A_1544 = tpu.vector_load %arg23[%swap3A_1543] {strides = array<i32>} : memref<512xf32, #tpu.memory_space<vmem>>, vector<16xf32>,
    tpu.vector_store %arg23[%swap3A_1543], %add3A_1542 {strides = array<i32>} : memref<512xf32, #tpu.memory_space<vmem>>, vector<16xf32>,
    %gather3A_1545 = tpu.vector_load_idx %arg22[%shift_right_logical3A_1535, %and3A_1538] : memref<32x128xf32, #tpu.memory_space<vmem>>[vector<16xi32>, vector<16xi32>], vector<16xf32>,
    %neg3A_1546 = arith.constant 0.000000e+00 : f32
    %neg3A_1547 = vector.broadcast %neg3A_1546 : f32 to vector<16xf32>
    %neg3A_1548 = arith.subf %neg3A_1547, %gather3A_1545 : vector<16xf32>
    %exp3A_1549 = math.exp %neg3A_1548 : vector<16xf32>
    %add3A_1550 = arith.constant 1.000000e+00 : f32
    %add3A_1551 = vector.broadcast %add3A_1550 : f32 to vector<16xf32>
    %add3A_1552 = arith.addf %add3A_1551, %exp3A_1549 : vector<16xf32>
    %div3A_1553 = arith.constant 1.000000e+00 : f32
    %div3A_1554 = vector.broadcast %div3A_1553 : f32 to vector<16xf32>
    %div3A_1555 = arith.divf %div3A_1554, %add3A_1552 : vector<16xf32>
    %swap3A_1556 = arith.constant 320 : index
    %swap3A_1557 = tpu.vector_load %arg24[%swap3A_1556] {strides = array<i32>} : memref<512xf32, #tpu.memory_space<vmem>>, vector<16xf32>,
    tpu.vector_store %arg24[%swap3A_1556], %div3A_1555 {strides = array<i32>} : memref<512xf32, #tpu.memory_space<vmem>>, vector<16xf32>,
    %get3A_1558 = arith.constant 2 : i32
    %get3A_1559 = arith.index_cast %get3A_1558 : i32 to index
    %get3A_1560 = arith.constant 80 : index
    %get3A_1561 = tpu.vector_load %arg15[%get3A_1559, %get3A_1560] {strides = array<i32>} : memref<4x128xi32, #tpu.memory_space<vmem>>, vector<16xi32>,
    %shift_right_logical3A_1562 = arith.constant 7 : i32
    %shift_right_logical3A_1563 = vector.broadcast %shift_right_logical3A_1562 : i32 to vector<16xi32>
    %shift_right_logical3A_1564 = arith.shrui %get3A_1561, %shift_right_logical3A_1563 : vector<16xi32>
    %and3A_1565 = arith.constant 127 : i32
    %and3A_1566 = vector.broadcast %and3A_1565 : i32 to vector<16xi32>
    %and3A_1567 = arith.andi %get3A_1561, %and3A_1566 : vector<16xi32>
    %gather3A_1568 = tpu.vector_load_idx %arg21[%shift_right_logical3A_1564, %and3A_1567] : memref<32x128xf32, #tpu.memory_space<vmem>>[vector<16xi32>, vector<16xi32>], vector<16xf32>,
    %get3A_1569 = arith.constant 336 : index
    %get3A_1570 = tpu.vector_load %arg20[%get3A_1569] {strides = array<i32>} : memref<512xf32, #tpu.memory_space<vmem>>, vector<16xf32>,
    %add3A_1571 = arith.addf %gather3A_1568, %get3A_1570 : vector<16xf32>
    %swap3A_1572 = arith.constant 336 : index
    %swap3A_1573 = tpu.vector_load %arg23[%swap3A_1572] {strides = array<i32>} : memref<512xf32, #tpu.memory_space<vmem>>, vector<16xf32>,
    tpu.vector_store %arg23[%swap3A_1572], %add3A_1571 {strides = array<i32>} : memref<512xf32, #tpu.memory_space<vmem>>, vector<16xf32>,
    %gather3A_1574 = tpu.vector_load_idx %arg22[%shift_right_logical3A_1564, %and3A_1567] : memref<32x128xf32, #tpu.memory_space<vmem>>[vector<16xi32>, vector<16xi32>], vector<16xf32>,
    %neg3A_1575 = arith.constant 0.000000e+00 : f32
    %neg3A_1576 = vector.broadcast %neg3A_1575 : f32 to vector<16xf32>
    %neg3A_1577 = arith.subf %neg3A_1576, %gather3A_1574 : vector<16xf32>
    %exp3A_1578 = math.exp %neg3A_1577 : vector<16xf32>
    %add3A_1579 = arith.constant 1.000000e+00 : f32
    %add3A_1580 = vector.broadcast %add3A_1579 : f32 to vector<16xf32>
    %add3A_1581 = arith.addf %add3A_1580, %exp3A_1578 : vector<16xf32>
    %div3A_1582 = arith.constant 1.000000e+00 : f32
    %div3A_1583 = vector.broadcast %div3A_1582 : f32 to vector<16xf32>
    %div3A_1584 = arith.divf %div3A_1583, %add3A_1581 : vector<16xf32>
    %swap3A_1585 = arith.constant 336 : index
    %swap3A_1586 = tpu.vector_load %arg24[%swap3A_1585] {strides = array<i32>} : memref<512xf32, #tpu.memory_space<vmem>>, vector<16xf32>,
    tpu.vector_store %arg24[%swap3A_1585], %div3A_1584 {strides = array<i32>} : memref<512xf32, #tpu.memory_space<vmem>>, vector<16xf32>,
    %get3A_1587 = arith.constant 2 : i32
    %get3A_1588 = arith.index_cast %get3A_1587 : i32 to index
    %get3A_1589 = arith.constant 96 : index
    %get3A_1590 = tpu.vector_load %arg15[%get3A_1588, %get3A_1589] {strides = array<i32>} : memref<4x128xi32, #tpu.memory_space<vmem>>, vector<16xi32>,
    %shift_right_logical3A_1591 = arith.constant 7 : i32
    %shift_right_logical3A_1592 = vector.broadcast %shift_right_logical3A_1591 : i32 to vector<16xi32>
    %shift_right_logical3A_1593 = arith.shrui %get3A_1590, %shift_right_logical3A_1592 : vector<16xi32>
    %and3A_1594 = arith.constant 127 : i32
    %and3A_1595 = vector.broadcast %and3A_1594 : i32 to vector<16xi32>
    %and3A_1596 = arith.andi %get3A_1590, %and3A_1595 : vector<16xi32>
    %gather3A_1597 = tpu.vector_load_idx %arg21[%shift_right_logical3A_1593, %and3A_1596] : memref<32x128xf32, #tpu.memory_space<vmem>>[vector<16xi32>, vector<16xi32>], vector<16xf32>,
    %get3A_1598 = arith.constant 352 : index
    %get3A_1599 = tpu.vector_load %arg20[%get3A_1598] {strides = array<i32>} : memref<512xf32, #tpu.memory_space<vmem>>, vector<16xf32>,
    %add3A_1600 = arith.addf %gather3A_1597, %get3A_1599 : vector<16xf32>
    %swap3A_1601 = arith.constant 352 : index
    %swap3A_1602 = tpu.vector_load %arg23[%swap3A_1601] {strides = array<i32>} : memref<512xf32, #tpu.memory_space<vmem>>, vector<16xf32>,
    tpu.vector_store %arg23[%swap3A_1601], %add3A_1600 {strides = array<i32>} : memref<512xf32, #tpu.memory_space<vmem>>, vector<16xf32>,
    %gather3A_1603 = tpu.vector_load_idx %arg22[%shift_right_logical3A_1593, %and3A_1596] : memref<32x128xf32, #tpu.memory_space<vmem>>[vector<16xi32>, vector<16xi32>], vector<16xf32>,
    %neg3A_1604 = arith.constant 0.000000e+00 : f32
    %neg3A_1605 = vector.broadcast %neg3A_1604 : f32 to vector<16xf32>
    %neg3A_1606 = arith.subf %neg3A_1605, %gather3A_1603 : vector<16xf32>
    %exp3A_1607 = math.exp %neg3A_1606 : vector<16xf32>
    %add3A_1608 = arith.constant 1.000000e+00 : f32
    %add3A_1609 = vector.broadcast %add3A_1608 : f32 to vector<16xf32>
    %add3A_1610 = arith.addf %add3A_1609, %exp3A_1607 : vector<16xf32>
    %div3A_1611 = arith.constant 1.000000e+00 : f32
    %div3A_1612 = vector.broadcast %div3A_1611 : f32 to vector<16xf32>
    %div3A_1613 = arith.divf %div3A_1612, %add3A_1610 : vector<16xf32>
    %swap3A_1614 = arith.constant 352 : index
    %swap3A_1615 = tpu.vector_load %arg24[%swap3A_1614] {strides = array<i32>} : memref<512xf32, #tpu.memory_space<vmem>>, vector<16xf32>,
    tpu.vector_store %arg24[%swap3A_1614], %div3A_1613 {strides = array<i32>} : memref<512xf32, #tpu.memory_space<vmem>>, vector<16xf32>,
    %get3A_1616 = arith.constant 2 : i32
    %get3A_1617 = arith.index_cast %get3A_1616 : i32 to index
    %get3A_1618 = arith.constant 112 : index
    %get3A_1619 = tpu.vector_load %arg15[%get3A_1617, %get3A_1618] {strides = array<i32>} : memref<4x128xi32, #tpu.memory_space<vmem>>, vector<16xi32>,
    %shift_right_logical3A_1620 = arith.constant 7 : i32
    %shift_right_logical3A_1621 = vector.broadcast %shift_right_logical3A_1620 : i32 to vector<16xi32>
    %shift_right_logical3A_1622 = arith.shrui %get3A_1619, %shift_right_logical3A_1621 : vector<16xi32>
    %and3A_1623 = arith.constant 127 : i32
    %and3A_1624 = vector.broadcast %and3A_1623 : i32 to vector<16xi32>
    %and3A_1625 = arith.andi %get3A_1619, %and3A_1624 : vector<16xi32>
    %gather3A_1626 = tpu.vector_load_idx %arg21[%shift_right_logical3A_1622, %and3A_1625] : memref<32x128xf32, #tpu.memory_space<vmem>>[vector<16xi32>, vector<16xi32>], vector<16xf32>,
    %get3A_1627 = arith.constant 368 : index
    %get3A_1628 = tpu.vector_load %arg20[%get3A_1627] {strides = array<i32>} : memref<512xf32, #tpu.memory_space<vmem>>, vector<16xf32>,
    %add3A_1629 = arith.addf %gather3A_1626, %get3A_1628 : vector<16xf32>
    %swap3A_1630 = arith.constant 368 : index
    %swap3A_1631 = tpu.vector_load %arg23[%swap3A_1630] {strides = array<i32>} : memref<512xf32, #tpu.memory_space<vmem>>, vector<16xf32>,
    tpu.vector_store %arg23[%swap3A_1630], %add3A_1629 {strides = array<i32>} : memref<512xf32, #tpu.memory_space<vmem>>, vector<16xf32>,
    %gather3A_1632 = tpu.vector_load_idx %arg22[%shift_right_logical3A_1622, %and3A_1625] : memref<32x128xf32, #tpu.memory_space<vmem>>[vector<16xi32>, vector<16xi32>], vector<16xf32>,
    %neg3A_1633 = arith.constant 0.000000e+00 : f32
    %neg3A_1634 = vector.broadcast %neg3A_1633 : f32 to vector<16xf32>
    %neg3A_1635 = arith.subf %neg3A_1634, %gather3A_1632 : vector<16xf32>
    %exp3A_1636 = math.exp %neg3A_1635 : vector<16xf32>
    %add3A_1637 = arith.constant 1.000000e+00 : f32
    %add3A_1638 = vector.broadcast %add3A_1637 : f32 to vector<16xf32>
    %add3A_1639 = arith.addf %add3A_1638, %exp3A_1636 : vector<16xf32>
    %div3A_1640 = arith.constant 1.000000e+00 : f32
    %div3A_1641 = vector.broadcast %div3A_1640 : f32 to vector<16xf32>
    %div3A_1642 = arith.divf %div3A_1641, %add3A_1639 : vector<16xf32>
    %swap3A_1643 = arith.constant 368 : index
    %swap3A_1644 = tpu.vector_load %arg24[%swap3A_1643] {strides = array<i32>} : memref<512xf32, #tpu.memory_space<vmem>>, vector<16xf32>,
    tpu.vector_store %arg24[%swap3A_1643], %div3A_1642 {strides = array<i32>} : memref<512xf32, #tpu.memory_space<vmem>>, vector<16xf32>,
    %get3A_1645 = arith.constant 3 : i32
    %get3A_1646 = arith.index_cast %get3A_1645 : i32 to index
    %get3A_1647 = arith.constant 0 : index
    %get3A_1648 = tpu.vector_load %arg15[%get3A_1646, %get3A_1647] {strides = array<i32>} : memref<4x128xi32, #tpu.memory_space<vmem>>, vector<16xi32>,
    %shift_right_logical3A_1649 = arith.constant 7 : i32
    %shift_right_logical3A_1650 = vector.broadcast %shift_right_logical3A_1649 : i32 to vector<16xi32>
    %shift_right_logical3A_1651 = arith.shrui %get3A_1648, %shift_right_logical3A_1650 : vector<16xi32>
    %and3A_1652 = arith.constant 127 : i32
    %and3A_1653 = vector.broadcast %and3A_1652 : i32 to vector<16xi32>
    %and3A_1654 = arith.andi %get3A_1648, %and3A_1653 : vector<16xi32>
    %gather3A_1655 = tpu.vector_load_idx %arg21[%shift_right_logical3A_1651, %and3A_1654] : memref<32x128xf32, #tpu.memory_space<vmem>>[vector<16xi32>, vector<16xi32>], vector<16xf32>,
    %get3A_1656 = arith.constant 384 : index
    %get3A_1657 = tpu.vector_load %arg20[%get3A_1656] {strides = array<i32>} : memref<512xf32, #tpu.memory_space<vmem>>, vector<16xf32>,
    %add3A_1658 = arith.addf %gather3A_1655, %get3A_1657 : vector<16xf32>
    %swap3A_1659 = arith.constant 384 : index
    %swap3A_1660 = tpu.vector_load %arg23[%swap3A_1659] {strides = array<i32>} : memref<512xf32, #tpu.memory_space<vmem>>, vector<16xf32>,
    tpu.vector_store %arg23[%swap3A_1659], %add3A_1658 {strides = array<i32>} : memref<512xf32, #tpu.memory_space<vmem>>, vector<16xf32>,
    %gather3A_1661 = tpu.vector_load_idx %arg22[%shift_right_logical3A_1651, %and3A_1654] : memref<32x128xf32, #tpu.memory_space<vmem>>[vector<16xi32>, vector<16xi32>], vector<16xf32>,
    %neg3A_1662 = arith.constant 0.000000e+00 : f32
    %neg3A_1663 = vector.broadcast %neg3A_1662 : f32 to vector<16xf32>
    %neg3A_1664 = arith.subf %neg3A_1663, %gather3A_1661 : vector<16xf32>
    %exp3A_1665 = math.exp %neg3A_1664 : vector<16xf32>
    %add3A_1666 = arith.constant 1.000000e+00 : f32
    %add3A_1667 = vector.broadcast %add3A_1666 : f32 to vector<16xf32>
    %add3A_1668 = arith.addf %add3A_1667, %exp3A_1665 : vector<16xf32>
    %div3A_1669 = arith.constant 1.000000e+00 : f32
    %div3A_1670 = vector.broadcast %div3A_1669 : f32 to vector<16xf32>
    %div3A_1671 = arith.divf %div3A_1670, %add3A_1668 : vector<16xf32>
    %swap3A_1672 = arith.constant 384 : index
    %swap3A_1673 = tpu.vector_load %arg24[%swap3A_1672] {strides = array<i32>} : memref<512xf32, #tpu.memory_space<vmem>>, vector<16xf32>,
    tpu.vector_store %arg24[%swap3A_1672], %div3A_1671 {strides = array<i32>} : memref<512xf32, #tpu.memory_space<vmem>>, vector<16xf32>,
    %get3A_1674 = arith.constant 3 : i32
    %get3A_1675 = arith.index_cast %get3A_1674 : i32 to index
    %get3A_1676 = arith.constant 16 : index
    %get3A_1677 = tpu.vector_load %arg15[%get3A_1675, %get3A_1676] {strides = array<i32>} : memref<4x128xi32, #tpu.memory_space<vmem>>, vector<16xi32>,
    %shift_right_logical3A_1678 = arith.constant 7 : i32
    %shift_right_logical3A_1679 = vector.broadcast %shift_right_logical3A_1678 : i32 to vector<16xi32>
    %shift_right_logical3A_1680 = arith.shrui %get3A_1677, %shift_right_logical3A_1679 : vector<16xi32>
    %and3A_1681 = arith.constant 127 : i32
    %and3A_1682 = vector.broadcast %and3A_1681 : i32 to vector<16xi32>
    %and3A_1683 = arith.andi %get3A_1677, %and3A_1682 : vector<16xi32>
    %gather3A_1684 = tpu.vector_load_idx %arg21[%shift_right_logical3A_1680, %and3A_1683] : memref<32x128xf32, #tpu.memory_space<vmem>>[vector<16xi32>, vector<16xi32>], vector<16xf32>,
    %get3A_1685 = arith.constant 400 : index
    %get3A_1686 = tpu.vector_load %arg20[%get3A_1685] {strides = array<i32>} : memref<512xf32, #tpu.memory_space<vmem>>, vector<16xf32>,
    %add3A_1687 = arith.addf %gather3A_1684, %get3A_1686 : vector<16xf32>
    %swap3A_1688 = arith.constant 400 : index
    %swap3A_1689 = tpu.vector_load %arg23[%swap3A_1688] {strides = array<i32>} : memref<512xf32, #tpu.memory_space<vmem>>, vector<16xf32>,
    tpu.vector_store %arg23[%swap3A_1688], %add3A_1687 {strides = array<i32>} : memref<512xf32, #tpu.memory_space<vmem>>, vector<16xf32>,
    %gather3A_1690 = tpu.vector_load_idx %arg22[%shift_right_logical3A_1680, %and3A_1683] : memref<32x128xf32, #tpu.memory_space<vmem>>[vector<16xi32>, vector<16xi32>], vector<16xf32>,
    %neg3A_1691 = arith.constant 0.000000e+00 : f32
    %neg3A_1692 = vector.broadcast %neg3A_1691 : f32 to vector<16xf32>
    %neg3A_1693 = arith.subf %neg3A_1692, %gather3A_1690 : vector<16xf32>
    %exp3A_1694 = math.exp %neg3A_1693 : vector<16xf32>
    %add3A_1695 = arith.constant 1.000000e+00 : f32
    %add3A_1696 = vector.broadcast %add3A_1695 : f32 to vector<16xf32>
    %add3A_1697 = arith.addf %add3A_1696, %exp3A_1694 : vector<16xf32>
    %div3A_1698 = arith.constant 1.000000e+00 : f32
    %div3A_1699 = vector.broadcast %div3A_1698 : f32 to vector<16xf32>
    %div3A_1700 = arith.divf %div3A_1699, %add3A_1697 : vector<16xf32>
    %swap3A_1701 = arith.constant 400 : index
    %swap3A_1702 = tpu.vector_load %arg24[%swap3A_1701] {strides = array<i32>} : memref<512xf32, #tpu.memory_space<vmem>>, vector<16xf32>,
    tpu.vector_store %arg24[%swap3A_1701], %div3A_1700 {strides = array<i32>} : memref<512xf32, #tpu.memory_space<vmem>>, vector<16xf32>,
    %get3A_1703 = arith.constant 3 : i32
    %get3A_1704 = arith.index_cast %get3A_1703 : i32 to index
    %get3A_1705 = arith.constant 32 : index
    %get3A_1706 = tpu.vector_load %arg15[%get3A_1704, %get3A_1705] {strides = array<i32>} : memref<4x128xi32, #tpu.memory_space<vmem>>, vector<16xi32>,
    %shift_right_logical3A_1707 = arith.constant 7 : i32
    %shift_right_logical3A_1708 = vector.broadcast %shift_right_logical3A_1707 : i32 to vector<16xi32>
    %shift_right_logical3A_1709 = arith.shrui %get3A_1706, %shift_right_logical3A_1708 : vector<16xi32>
    %and3A_1710 = arith.constant 127 : i32
    %and3A_1711 = vector.broadcast %and3A_1710 : i32 to vector<16xi32>
    %and3A_1712 = arith.andi %get3A_1706, %and3A_1711 : vector<16xi32>
    %gather3A_1713 = tpu.vector_load_idx %arg21[%shift_right_logical3A_1709, %and3A_1712] : memref<32x128xf32, #tpu.memory_space<vmem>>[vector<16xi32>, vector<16xi32>], vector<16xf32>,
    %get3A_1714 = arith.constant 416 : index
    %get3A_1715 = tpu.vector_load %arg20[%get3A_1714] {strides = array<i32>} : memref<512xf32, #tpu.memory_space<vmem>>, vector<16xf32>,
    %add3A_1716 = arith.addf %gather3A_1713, %get3A_1715 : vector<16xf32>
    %swap3A_1717 = arith.constant 416 : index
    %swap3A_1718 = tpu.vector_load %arg23[%swap3A_1717] {strides = array<i32>} : memref<512xf32, #tpu.memory_space<vmem>>, vector<16xf32>,
    tpu.vector_store %arg23[%swap3A_1717], %add3A_1716 {strides = array<i32>} : memref<512xf32, #tpu.memory_space<vmem>>, vector<16xf32>,
    %gather3A_1719 = tpu.vector_load_idx %arg22[%shift_right_logical3A_1709, %and3A_1712] : memref<32x128xf32, #tpu.memory_space<vmem>>[vector<16xi32>, vector<16xi32>], vector<16xf32>,
    %neg3A_1720 = arith.constant 0.000000e+00 : f32
    %neg3A_1721 = vector.broadcast %neg3A_1720 : f32 to vector<16xf32>
    %neg3A_1722 = arith.subf %neg3A_1721, %gather3A_1719 : vector<16xf32>
    %exp3A_1723 = math.exp %neg3A_1722 : vector<16xf32>
    %add3A_1724 = arith.constant 1.000000e+00 : f32
    %add3A_1725 = vector.broadcast %add3A_1724 : f32 to vector<16xf32>
    %add3A_1726 = arith.addf %add3A_1725, %exp3A_1723 : vector<16xf32>
    %div3A_1727 = arith.constant 1.000000e+00 : f32
    %div3A_1728 = vector.broadcast %div3A_1727 : f32 to vector<16xf32>
    %div3A_1729 = arith.divf %div3A_1728, %add3A_1726 : vector<16xf32>
    %swap3A_1730 = arith.constant 416 : index
    %swap3A_1731 = tpu.vector_load %arg24[%swap3A_1730] {strides = array<i32>} : memref<512xf32, #tpu.memory_space<vmem>>, vector<16xf32>,
    tpu.vector_store %arg24[%swap3A_1730], %div3A_1729 {strides = array<i32>} : memref<512xf32, #tpu.memory_space<vmem>>, vector<16xf32>,
    %get3A_1732 = arith.constant 3 : i32
    %get3A_1733 = arith.index_cast %get3A_1732 : i32 to index
    %get3A_1734 = arith.constant 48 : index
    %get3A_1735 = tpu.vector_load %arg15[%get3A_1733, %get3A_1734] {strides = array<i32>} : memref<4x128xi32, #tpu.memory_space<vmem>>, vector<16xi32>,
    %shift_right_logical3A_1736 = arith.constant 7 : i32
    %shift_right_logical3A_1737 = vector.broadcast %shift_right_logical3A_1736 : i32 to vector<16xi32>
    %shift_right_logical3A_1738 = arith.shrui %get3A_1735, %shift_right_logical3A_1737 : vector<16xi32>
    %and3A_1739 = arith.constant 127 : i32
    %and3A_1740 = vector.broadcast %and3A_1739 : i32 to vector<16xi32>
    %and3A_1741 = arith.andi %get3A_1735, %and3A_1740 : vector<16xi32>
    %gather3A_1742 = tpu.vector_load_idx %arg21[%shift_right_logical3A_1738, %and3A_1741] : memref<32x128xf32, #tpu.memory_space<vmem>>[vector<16xi32>, vector<16xi32>], vector<16xf32>,
    %get3A_1743 = arith.constant 432 : index
    %get3A_1744 = tpu.vector_load %arg20[%get3A_1743] {strides = array<i32>} : memref<512xf32, #tpu.memory_space<vmem>>, vector<16xf32>,
    %add3A_1745 = arith.addf %gather3A_1742, %get3A_1744 : vector<16xf32>
    %swap3A_1746 = arith.constant 432 : index
    %swap3A_1747 = tpu.vector_load %arg23[%swap3A_1746] {strides = array<i32>} : memref<512xf32, #tpu.memory_space<vmem>>, vector<16xf32>,
    tpu.vector_store %arg23[%swap3A_1746], %add3A_1745 {strides = array<i32>} : memref<512xf32, #tpu.memory_space<vmem>>, vector<16xf32>,
    %gather3A_1748 = tpu.vector_load_idx %arg22[%shift_right_logical3A_1738, %and3A_1741] : memref<32x128xf32, #tpu.memory_space<vmem>>[vector<16xi32>, vector<16xi32>], vector<16xf32>,
    %neg3A_1749 = arith.constant 0.000000e+00 : f32
    %neg3A_1750 = vector.broadcast %neg3A_1749 : f32 to vector<16xf32>
    %neg3A_1751 = arith.subf %neg3A_1750, %gather3A_1748 : vector<16xf32>
    %exp3A_1752 = math.exp %neg3A_1751 : vector<16xf32>
    %add3A_1753 = arith.constant 1.000000e+00 : f32
    %add3A_1754 = vector.broadcast %add3A_1753 : f32 to vector<16xf32>
    %add3A_1755 = arith.addf %add3A_1754, %exp3A_1752 : vector<16xf32>
    %div3A_1756 = arith.constant 1.000000e+00 : f32
    %div3A_1757 = vector.broadcast %div3A_1756 : f32 to vector<16xf32>
    %div3A_1758 = arith.divf %div3A_1757, %add3A_1755 : vector<16xf32>
    %swap3A_1759 = arith.constant 432 : index
    %swap3A_1760 = tpu.vector_load %arg24[%swap3A_1759] {strides = array<i32>} : memref<512xf32, #tpu.memory_space<vmem>>, vector<16xf32>,
    tpu.vector_store %arg24[%swap3A_1759], %div3A_1758 {strides = array<i32>} : memref<512xf32, #tpu.memory_space<vmem>>, vector<16xf32>,
    %get3A_1761 = arith.constant 3 : i32
    %get3A_1762 = arith.index_cast %get3A_1761 : i32 to index
    %get3A_1763 = arith.constant 64 : index
    %get3A_1764 = tpu.vector_load %arg15[%get3A_1762, %get3A_1763] {strides = array<i32>} : memref<4x128xi32, #tpu.memory_space<vmem>>, vector<16xi32>,
    %shift_right_logical3A_1765 = arith.constant 7 : i32
    %shift_right_logical3A_1766 = vector.broadcast %shift_right_logical3A_1765 : i32 to vector<16xi32>
    %shift_right_logical3A_1767 = arith.shrui %get3A_1764, %shift_right_logical3A_1766 : vector<16xi32>
    %and3A_1768 = arith.constant 127 : i32
    %and3A_1769 = vector.broadcast %and3A_1768 : i32 to vector<16xi32>
    %and3A_1770 = arith.andi %get3A_1764, %and3A_1769 : vector<16xi32>
    %gather3A_1771 = tpu.vector_load_idx %arg21[%shift_right_logical3A_1767, %and3A_1770] : memref<32x128xf32, #tpu.memory_space<vmem>>[vector<16xi32>, vector<16xi32>], vector<16xf32>,
    %get3A_1772 = arith.constant 448 : index
    %get3A_1773 = tpu.vector_load %arg20[%get3A_1772] {strides = array<i32>} : memref<512xf32, #tpu.memory_space<vmem>>, vector<16xf32>,
    %add3A_1774 = arith.addf %gather3A_1771, %get3A_1773 : vector<16xf32>
    %swap3A_1775 = arith.constant 448 : index
    %swap3A_1776 = tpu.vector_load %arg23[%swap3A_1775] {strides = array<i32>} : memref<512xf32, #tpu.memory_space<vmem>>, vector<16xf32>,
    tpu.vector_store %arg23[%swap3A_1775], %add3A_1774 {strides = array<i32>} : memref<512xf32, #tpu.memory_space<vmem>>, vector<16xf32>,
    %gather3A_1777 = tpu.vector_load_idx %arg22[%shift_right_logical3A_1767, %and3A_1770] : memref<32x128xf32, #tpu.memory_space<vmem>>[vector<16xi32>, vector<16xi32>], vector<16xf32>,
    %neg3A_1778 = arith.constant 0.000000e+00 : f32
    %neg3A_1779 = vector.broadcast %neg3A_1778 : f32 to vector<16xf32>
    %neg3A_1780 = arith.subf %neg3A_1779, %gather3A_1777 : vector<16xf32>
    %exp3A_1781 = math.exp %neg3A_1780 : vector<16xf32>
    %add3A_1782 = arith.constant 1.000000e+00 : f32
    %add3A_1783 = vector.broadcast %add3A_1782 : f32 to vector<16xf32>
    %add3A_1784 = arith.addf %add3A_1783, %exp3A_1781 : vector<16xf32>
    %div3A_1785 = arith.constant 1.000000e+00 : f32
    %div3A_1786 = vector.broadcast %div3A_1785 : f32 to vector<16xf32>
    %div3A_1787 = arith.divf %div3A_1786, %add3A_1784 : vector<16xf32>
    %swap3A_1788 = arith.constant 448 : index
    %swap3A_1789 = tpu.vector_load %arg24[%swap3A_1788] {strides = array<i32>} : memref<512xf32, #tpu.memory_space<vmem>>, vector<16xf32>,
    tpu.vector_store %arg24[%swap3A_1788], %div3A_1787 {strides = array<i32>} : memref<512xf32, #tpu.memory_space<vmem>>, vector<16xf32>,
    %get3A_1790 = arith.constant 3 : i32
    %get3A_1791 = arith.index_cast %get3A_1790 : i32 to index
    %get3A_1792 = arith.constant 80 : index
    %get3A_1793 = tpu.vector_load %arg15[%get3A_1791, %get3A_1792] {strides = array<i32>} : memref<4x128xi32, #tpu.memory_space<vmem>>, vector<16xi32>,
    %shift_right_logical3A_1794 = arith.constant 7 : i32
    %shift_right_logical3A_1795 = vector.broadcast %shift_right_logical3A_1794 : i32 to vector<16xi32>
    %shift_right_logical3A_1796 = arith.shrui %get3A_1793, %shift_right_logical3A_1795 : vector<16xi32>
    %and3A_1797 = arith.constant 127 : i32
    %and3A_1798 = vector.broadcast %and3A_1797 : i32 to vector<16xi32>
    %and3A_1799 = arith.andi %get3A_1793, %and3A_1798 : vector<16xi32>
    %gather3A_1800 = tpu.vector_load_idx %arg21[%shift_right_logical3A_1796, %and3A_1799] : memref<32x128xf32, #tpu.memory_space<vmem>>[vector<16xi32>, vector<16xi32>], vector<16xf32>,
    %get3A_1801 = arith.constant 464 : index
    %get3A_1802 = tpu.vector_load %arg20[%get3A_1801] {strides = array<i32>} : memref<512xf32, #tpu.memory_space<vmem>>, vector<16xf32>,
    %add3A_1803 = arith.addf %gather3A_1800, %get3A_1802 : vector<16xf32>
    %swap3A_1804 = arith.constant 464 : index
    %swap3A_1805 = tpu.vector_load %arg23[%swap3A_1804] {strides = array<i32>} : memref<512xf32, #tpu.memory_space<vmem>>, vector<16xf32>,
    tpu.vector_store %arg23[%swap3A_1804], %add3A_1803 {strides = array<i32>} : memref<512xf32, #tpu.memory_space<vmem>>, vector<16xf32>,
    %gather3A_1806 = tpu.vector_load_idx %arg22[%shift_right_logical3A_1796, %and3A_1799] : memref<32x128xf32, #tpu.memory_space<vmem>>[vector<16xi32>, vector<16xi32>], vector<16xf32>,
    %neg3A_1807 = arith.constant 0.000000e+00 : f32
    %neg3A_1808 = vector.broadcast %neg3A_1807 : f32 to vector<16xf32>
    %neg3A_1809 = arith.subf %neg3A_1808, %gather3A_1806 : vector<16xf32>
    %exp3A_1810 = math.exp %neg3A_1809 : vector<16xf32>
    %add3A_1811 = arith.constant 1.000000e+00 : f32
    %add3A_1812 = vector.broadcast %add3A_1811 : f32 to vector<16xf32>
    %add3A_1813 = arith.addf %add3A_1812, %exp3A_1810 : vector<16xf32>
    %div3A_1814 = arith.constant 1.000000e+00 : f32
    %div3A_1815 = vector.broadcast %div3A_1814 : f32 to vector<16xf32>
    %div3A_1816 = arith.divf %div3A_1815, %add3A_1813 : vector<16xf32>
    %swap3A_1817 = arith.constant 464 : index
    %swap3A_1818 = tpu.vector_load %arg24[%swap3A_1817] {strides = array<i32>} : memref<512xf32, #tpu.memory_space<vmem>>, vector<16xf32>,
    tpu.vector_store %arg24[%swap3A_1817], %div3A_1816 {strides = array<i32>} : memref<512xf32, #tpu.memory_space<vmem>>, vector<16xf32>,
    %get3A_1819 = arith.constant 3 : i32
    %get3A_1820 = arith.index_cast %get3A_1819 : i32 to index
    %get3A_1821 = arith.constant 96 : index
    %get3A_1822 = tpu.vector_load %arg15[%get3A_1820, %get3A_1821] {strides = array<i32>} : memref<4x128xi32, #tpu.memory_space<vmem>>, vector<16xi32>,
    %shift_right_logical3A_1823 = arith.constant 7 : i32
    %shift_right_logical3A_1824 = vector.broadcast %shift_right_logical3A_1823 : i32 to vector<16xi32>
    %shift_right_logical3A_1825 = arith.shrui %get3A_1822, %shift_right_logical3A_1824 : vector<16xi32>
    %and3A_1826 = arith.constant 127 : i32
    %and3A_1827 = vector.broadcast %and3A_1826 : i32 to vector<16xi32>
    %and3A_1828 = arith.andi %get3A_1822, %and3A_1827 : vector<16xi32>
    %gather3A_1829 = tpu.vector_load_idx %arg21[%shift_right_logical3A_1825, %and3A_1828] : memref<32x128xf32, #tpu.memory_space<vmem>>[vector<16xi32>, vector<16xi32>], vector<16xf32>,
    %get3A_1830 = arith.constant 480 : index
    %get3A_1831 = tpu.vector_load %arg20[%get3A_1830] {strides = array<i32>} : memref<512xf32, #tpu.memory_space<vmem>>, vector<16xf32>,
    %add3A_1832 = arith.addf %gather3A_1829, %get3A_1831 : vector<16xf32>
    %swap3A_1833 = arith.constant 480 : index
    %swap3A_1834 = tpu.vector_load %arg23[%swap3A_1833] {strides = array<i32>} : memref<512xf32, #tpu.memory_space<vmem>>, vector<16xf32>,
    tpu.vector_store %arg23[%swap3A_1833], %add3A_1832 {strides = array<i32>} : memref<512xf32, #tpu.memory_space<vmem>>, vector<16xf32>,
    %gather3A_1835 = tpu.vector_load_idx %arg22[%shift_right_logical3A_1825, %and3A_1828] : memref<32x128xf32, #tpu.memory_space<vmem>>[vector<16xi32>, vector<16xi32>], vector<16xf32>,
    %neg3A_1836 = arith.constant 0.000000e+00 : f32
    %neg3A_1837 = vector.broadcast %neg3A_1836 : f32 to vector<16xf32>
    %neg3A_1838 = arith.subf %neg3A_1837, %gather3A_1835 : vector<16xf32>
    %exp3A_1839 = math.exp %neg3A_1838 : vector<16xf32>
    %add3A_1840 = arith.constant 1.000000e+00 : f32
    %add3A_1841 = vector.broadcast %add3A_1840 : f32 to vector<16xf32>
    %add3A_1842 = arith.addf %add3A_1841, %exp3A_1839 : vector<16xf32>
    %div3A_1843 = arith.constant 1.000000e+00 : f32
    %div3A_1844 = vector.broadcast %div3A_1843 : f32 to vector<16xf32>
    %div3A_1845 = arith.divf %div3A_1844, %add3A_1842 : vector<16xf32>
    %swap3A_1846 = arith.constant 480 : index
    %swap3A_1847 = tpu.vector_load %arg24[%swap3A_1846] {strides = array<i32>} : memref<512xf32, #tpu.memory_space<vmem>>, vector<16xf32>,
    tpu.vector_store %arg24[%swap3A_1846], %div3A_1845 {strides = array<i32>} : memref<512xf32, #tpu.memory_space<vmem>>, vector<16xf32>,
    %get3A_1848 = arith.constant 3 : i32
    %get3A_1849 = arith.index_cast %get3A_1848 : i32 to index
    %get3A_1850 = arith.constant 112 : index
    %get3A_1851 = tpu.vector_load %arg15[%get3A_1849, %get3A_1850] {strides = array<i32>} : memref<4x128xi32, #tpu.memory_space<vmem>>, vector<16xi32>,
    %shift_right_logical3A_1852 = arith.constant 7 : i32
    %shift_right_logical3A_1853 = vector.broadcast %shift_right_logical3A_1852 : i32 to vector<16xi32>
    %shift_right_logical3A_1854 = arith.shrui %get3A_1851, %shift_right_logical3A_1853 : vector<16xi32>
    %and3A_1855 = arith.constant 127 : i32
    %and3A_1856 = vector.broadcast %and3A_1855 : i32 to vector<16xi32>
    %and3A_1857 = arith.andi %get3A_1851, %and3A_1856 : vector<16xi32>
    %gather3A_1858 = tpu.vector_load_idx %arg21[%shift_right_logical3A_1854, %and3A_1857] : memref<32x128xf32, #tpu.memory_space<vmem>>[vector<16xi32>, vector<16xi32>], vector<16xf32>,
    %get3A_1859 = arith.constant 496 : index
    %get3A_1860 = tpu.vector_load %arg20[%get3A_1859] {strides = array<i32>} : memref<512xf32, #tpu.memory_space<vmem>>, vector<16xf32>,
    %add3A_1861 = arith.addf %gather3A_1858, %get3A_1860 : vector<16xf32>
    %swap3A_1862 = arith.constant 496 : index
    %swap3A_1863 = tpu.vector_load %arg23[%swap3A_1862] {strides = array<i32>} : memref<512xf32, #tpu.memory_space<vmem>>, vector<16xf32>,
    tpu.vector_store %arg23[%swap3A_1862], %add3A_1861 {strides = array<i32>} : memref<512xf32, #tpu.memory_space<vmem>>, vector<16xf32>,
    %gather3A_1864 = tpu.vector_load_idx %arg22[%shift_right_logical3A_1854, %and3A_1857] : memref<32x128xf32, #tpu.memory_space<vmem>>[vector<16xi32>, vector<16xi32>], vector<16xf32>,
    %neg3A_1865 = arith.constant 0.000000e+00 : f32
    %neg3A_1866 = vector.broadcast %neg3A_1865 : f32 to vector<16xf32>
    %neg3A_1867 = arith.subf %neg3A_1866, %gather3A_1864 : vector<16xf32>
    %exp3A_1868 = math.exp %neg3A_1867 : vector<16xf32>
    %add3A_1869 = arith.constant 1.000000e+00 : f32
    %add3A_1870 = vector.broadcast %add3A_1869 : f32 to vector<16xf32>
    %add3A_1871 = arith.addf %add3A_1870, %exp3A_1868 : vector<16xf32>
    %div3A_1872 = arith.constant 1.000000e+00 : f32
    %div3A_1873 = vector.broadcast %div3A_1872 : f32 to vector<16xf32>
    %div3A_1874 = arith.divf %div3A_1873, %add3A_1871 : vector<16xf32>
    %swap3A_1875 = arith.constant 496 : index
    %swap3A_1876 = tpu.vector_load %arg24[%swap3A_1875] {strides = array<i32>} : memref<512xf32, #tpu.memory_space<vmem>>, vector<16xf32>,
    tpu.vector_store %arg24[%swap3A_1875], %div3A_1874 {strides = array<i32>} : memref<512xf32, #tpu.memory_space<vmem>>, vector<16xf32>,
    "tpu.region"() ({
      %run_scoped3A = tpu.sem_alloc : memref<!tpu.dma_semaphore, #tpu.memory_space<semaphore_mem>>
      %dma_start3A_1893 = tpu.memref_slice %arg13[%mul3A_2] : memref<16384xf32, #tpu.memory_space<hbm>> -> memref<512xf32, #tpu.memory_space<hbm>>
      %dma_start3A_1894 = tpu.memref_slice %arg13[%mul3A_2] : memref<16384xf32, #tpu.memory_space<hbm>> -> memref<512xf32, #tpu.memory_space<hbm>>
      tpu.enqueue_dma source(%arg23 : memref<512xf32, #tpu.memory_space<vmem>>) target(%dma_start3A_1894 : memref<512xf32, #tpu.memory_space<hbm>>) target_semaphore(%run_scoped3A : memref<!tpu.dma_semaphore, #tpu.memory_space<semaphore_mem>>)
      %dma_wait3A_1895 = tpu.memref_slice %arg13[%mul3A_2] : memref<16384xf32, #tpu.memory_space<hbm>> -> memref<512xf32, #tpu.memory_space<hbm>>
      %dma_wait3A_1896 = tpu.memref_slice %arg13[%mul3A_2] : memref<16384xf32, #tpu.memory_space<hbm>> -> memref<512xf32, #tpu.memory_space<hbm>>
      tpu.wait_dma2 semaphore(%run_scoped3A : memref<!tpu.dma_semaphore, #tpu.memory_space<semaphore_mem>>) src(%arg23 : memref<512xf32, #tpu.memory_space<vmem>>) dst(%dma_wait3A_1896 : memref<512xf32, #tpu.memory_space<hbm>>)
      tpu.yield
    }) : () -> ()
    "tpu.region"() ({
      %run_scoped3A = tpu.sem_alloc : memref<!tpu.dma_semaphore, #tpu.memory_space<semaphore_mem>>
      %dma_start3A_1893 = tpu.memref_slice %arg14[%mul3A_2] : memref<16384xf32, #tpu.memory_space<hbm>> -> memref<512xf32, #tpu.memory_space<hbm>>
      %dma_start3A_1894 = tpu.memref_slice %arg14[%mul3A_2] : memref<16384xf32, #tpu.memory_space<hbm>> -> memref<512xf32, #tpu.memory_space<hbm>>
      tpu.enqueue_dma source(%arg24 : memref<512xf32, #tpu.memory_space<vmem>>) target(%dma_start3A_1894 : memref<512xf32, #tpu.memory_space<hbm>>) target_semaphore(%run_scoped3A : memref<!tpu.dma_semaphore, #tpu.memory_space<semaphore_mem>>)
      %dma_wait3A_1895 = tpu.memref_slice %arg14[%mul3A_2] : memref<16384xf32, #tpu.memory_space<hbm>> -> memref<512xf32, #tpu.memory_space<hbm>>
      %dma_wait3A_1896 = tpu.memref_slice %arg14[%mul3A_2] : memref<16384xf32, #tpu.memory_space<hbm>> -> memref<512xf32, #tpu.memory_space<hbm>>
      tpu.wait_dma2 semaphore(%run_scoped3A : memref<!tpu.dma_semaphore, #tpu.memory_space<semaphore_mem>>) src(%arg24 : memref<512xf32, #tpu.memory_space<vmem>>) dst(%dma_wait3A_1896 : memref<512xf32, #tpu.memory_space<hbm>>)
      tpu.yield
    }) : () -> ()
    %dma_wait3A_1877 = arith.constant 0 : i32
    %dma_wait3A_1878 = tpu.memref_slice %arg11[%add3A_906, %dma_wait3A_1877] : memref<16384x128xf32, #tpu.memory_space<hbm>> -> memref<128x128xf32, #tpu.memory_space<hbm>>
    %dma_wait3A_1879 = arith.constant 0 : i32
    %dma_wait3A_1880 = tpu.memref_slice %arg11[%add3A_906, %dma_wait3A_1879] : memref<16384x128xf32, #tpu.memory_space<hbm>> -> memref<128x128xf32, #tpu.memory_space<hbm>>
    tpu.wait_dma2 semaphore(%arg33 : memref<!tpu.dma_semaphore, #tpu.memory_space<semaphore_mem>>) src(%arg25 : memref<128x128xf32, #tpu.memory_space<vmem>>) dst(%dma_wait3A_1880 : memref<128x128xf32, #tpu.memory_space<hbm>>)
    %dma_wait3A_1881 = arith.constant 0 : i32
    %dma_wait3A_1882 = tpu.memref_slice %arg11[%add3A_930, %dma_wait3A_1881] : memref<16384x128xf32, #tpu.memory_space<hbm>> -> memref<128x128xf32, #tpu.memory_space<hbm>>
    %dma_wait3A_1883 = arith.constant 0 : i32
    %dma_wait3A_1884 = tpu.memref_slice %arg11[%add3A_930, %dma_wait3A_1883] : memref<16384x128xf32, #tpu.memory_space<hbm>> -> memref<128x128xf32, #tpu.memory_space<hbm>>
    tpu.wait_dma2 semaphore(%arg34 : memref<!tpu.dma_semaphore, #tpu.memory_space<semaphore_mem>>) src(%arg26 : memref<128x128xf32, #tpu.memory_space<vmem>>) dst(%dma_wait3A_1884 : memref<128x128xf32, #tpu.memory_space<hbm>>)
    %dma_wait3A_1885 = arith.constant 0 : i32
    %dma_wait3A_1886 = tpu.memref_slice %arg12[%add3A_906, %dma_wait3A_1885] : memref<16384x128xf32, #tpu.memory_space<hbm>> -> memref<128x128xf32, #tpu.memory_space<hbm>>
    %dma_wait3A_1887 = arith.constant 0 : i32
    %dma_wait3A_1888 = tpu.memref_slice %arg12[%add3A_906, %dma_wait3A_1887] : memref<16384x128xf32, #tpu.memory_space<hbm>> -> memref<128x128xf32, #tpu.memory_space<hbm>>
    tpu.wait_dma2 semaphore(%arg35 : memref<!tpu.dma_semaphore, #tpu.memory_space<semaphore_mem>>) src(%arg27 : memref<128x128xf32, #tpu.memory_space<vmem>>) dst(%dma_wait3A_1888 : memref<128x128xf32, #tpu.memory_space<hbm>>)
    %dma_wait3A_1889 = arith.constant 0 : i32
    %dma_wait3A_1890 = tpu.memref_slice %arg12[%add3A_930, %dma_wait3A_1889] : memref<16384x128xf32, #tpu.memory_space<hbm>> -> memref<128x128xf32, #tpu.memory_space<hbm>>
    %dma_wait3A_1891 = arith.constant 0 : i32
    %dma_wait3A_1892 = tpu.memref_slice %arg12[%add3A_930, %dma_wait3A_1891] : memref<16384x128xf32, #tpu.memory_space<hbm>> -> memref<128x128xf32, #tpu.memory_space<hbm>>
    tpu.wait_dma2 semaphore(%arg36 : memref<!tpu.dma_semaphore, #tpu.memory_space<semaphore_mem>>) src(%arg28 : memref<128x128xf32, #tpu.memory_space<vmem>>) dst(%dma_wait3A_1892 : memref<128x128xf32, #tpu.memory_space<hbm>>)
    return
  }
}

module attributes {stable_mosaic.version = 14 : i64} {
  func.func @_tables_body(%arg0: memref<2x128xf32, #tpu.memory_space<vmem>>, %arg1: memref<8x128xf32, #tpu.memory_space<vmem>>, %arg2: memref<16x256xf32, #tpu.memory_space<vmem>>, %arg3: memref<16x256xf32, #tpu.memory_space<vmem>>, %arg4: memref<256x1xf32, #tpu.memory_space<vmem>>, %arg5: memref<256x1xf32, #tpu.memory_space<vmem>>, %arg6: memref<1x1xf32, #tpu.memory_space<vmem>>, %arg7: memref<1x1xf32, #tpu.memory_space<vmem>>, %arg8: memref<4096x128xf32, #tpu.memory_space<vmem>>, %arg9: memref<4096x128xf32, #tpu.memory_space<vmem>>, %arg10: memref<32x128xf32, #tpu.memory_space<vmem>>, %arg11: memref<32x128xf32, #tpu.memory_space<vmem>>) attributes {dimension_semantics = [], scalar_prefetch = 0 : i64, scratch_operands = 0 : i64, tpu.core_type = #tpu.core_type<tc>} {
    %iota3A = tpu.iota {dimensions = array<i32: 0>} : vector<4096x1xi32>
    %jit3A = arith.constant 2048 : i32
    %div3A = vector.broadcast %jit3A : i32 to vector<4096x1xi32>
    %div3A_0 = arith.divsi %iota3A, %div3A : vector<4096x1xi32>
    %sign3A = arith.constant 0 : i32
    %sign3A_1 = vector.broadcast %sign3A : i32 to vector<4096x1xi32>
    %sign3A_2 = arith.cmpi sgt, %iota3A, %sign3A_1 : vector<4096x1xi32>
    %sign3A_3 = arith.extui %sign3A_2 : vector<4096x1xi1> to vector<4096x1xi32>
    %sign3A_4 = arith.constant 0 : i32
    %sign3A_5 = vector.broadcast %sign3A_4 : i32 to vector<4096x1xi32>
    %sign3A_6 = arith.cmpi slt, %iota3A, %sign3A_5 : vector<4096x1xi32>
    %sign3A_7 = arith.extui %sign3A_6 : vector<4096x1xi1> to vector<4096x1xi32>
    %sign3A_8 = arith.subi %sign3A_3, %sign3A_7 : vector<4096x1xi32>
    %sign3A_9 = arith.constant 0 : i32
    %sign3A_10 = arith.cmpi sgt, %jit3A, %sign3A_9 : i32
    %sign3A_11 = arith.extui %sign3A_10 : i1 to i32
    %sign3A_12 = arith.constant 0 : i32
    %sign3A_13 = arith.cmpi slt, %jit3A, %sign3A_12 : i32
    %sign3A_14 = arith.extui %sign3A_13 : i1 to i32
    %sign3A_15 = arith.subi %sign3A_11, %sign3A_14 : i32
    %ne3A = vector.broadcast %sign3A_15 : i32 to vector<4096x1xi32>
    %ne3A_16 = arith.cmpi ne, %sign3A_8, %ne3A : vector<4096x1xi32>
    %rem3A = vector.broadcast %jit3A : i32 to vector<4096x1xi32>
    %rem3A_17 = arith.remsi %iota3A, %rem3A : vector<4096x1xi32>
    %ne3A_18 = arith.constant 0 : i32
    %ne3A_19 = vector.broadcast %ne3A_18 : i32 to vector<4096x1xi32>
    %ne3A_20 = arith.cmpi ne, %rem3A_17, %ne3A_19 : vector<4096x1xi32>
    %and3A = arith.andi %ne3A_16, %ne3A_20 : vector<4096x1xi1>
    %sub3A = arith.constant 1 : i32
    %sub3A_21 = vector.broadcast %sub3A : i32 to vector<4096x1xi32>
    %sub3A_22 = arith.subi %div3A_0, %sub3A_21 : vector<4096x1xi32>
    %select_n3A = arith.select %and3A, %sub3A_22, %div3A_0 : vector<4096x1xi1>, vector<4096x1xi32>
    %iota3A_23 = tpu.iota {dimensions = array<i32: 1>} : vector<4096x2xi32>
    %eq3A = vector.broadcast %select_n3A : vector<4096x1xi32> to vector<4096x2xi32>
    %eq3A_24 = arith.cmpi eq, %eq3A, %iota3A_23 : vector<4096x2xi32>
    %convert_element_type3A = arith.extui %eq3A_24 : vector<4096x2xi1> to vector<4096x2xi32>
    %convert_element_type3A_25 = arith.sitofp %convert_element_type3A : vector<4096x2xi32> to vector<4096x2xf32>
    %jit3A_26 = arith.constant 256 : i32
    %div3A_27 = vector.broadcast %jit3A_26 : i32 to vector<4096x1xi32>
    %div3A_28 = arith.divsi %iota3A, %div3A_27 : vector<4096x1xi32>
    %sign3A_29 = arith.constant 0 : i32
    %sign3A_30 = vector.broadcast %sign3A_29 : i32 to vector<4096x1xi32>
    %sign3A_31 = arith.cmpi sgt, %iota3A, %sign3A_30 : vector<4096x1xi32>
    %sign3A_32 = arith.extui %sign3A_31 : vector<4096x1xi1> to vector<4096x1xi32>
    %sign3A_33 = arith.constant 0 : i32
    %sign3A_34 = vector.broadcast %sign3A_33 : i32 to vector<4096x1xi32>
    %sign3A_35 = arith.cmpi slt, %iota3A, %sign3A_34 : vector<4096x1xi32>
    %sign3A_36 = arith.extui %sign3A_35 : vector<4096x1xi1> to vector<4096x1xi32>
    %sign3A_37 = arith.subi %sign3A_32, %sign3A_36 : vector<4096x1xi32>
    %sign3A_38 = arith.constant 0 : i32
    %sign3A_39 = arith.cmpi sgt, %jit3A_26, %sign3A_38 : i32
    %sign3A_40 = arith.extui %sign3A_39 : i1 to i32
    %sign3A_41 = arith.constant 0 : i32
    %sign3A_42 = arith.cmpi slt, %jit3A_26, %sign3A_41 : i32
    %sign3A_43 = arith.extui %sign3A_42 : i1 to i32
    %sign3A_44 = arith.subi %sign3A_40, %sign3A_43 : i32
    %ne3A_45 = vector.broadcast %sign3A_44 : i32 to vector<4096x1xi32>
    %ne3A_46 = arith.cmpi ne, %sign3A_37, %ne3A_45 : vector<4096x1xi32>
    %rem3A_47 = vector.broadcast %jit3A_26 : i32 to vector<4096x1xi32>
    %rem3A_48 = arith.remsi %iota3A, %rem3A_47 : vector<4096x1xi32>
    %ne3A_49 = arith.constant 0 : i32
    %ne3A_50 = vector.broadcast %ne3A_49 : i32 to vector<4096x1xi32>
    %ne3A_51 = arith.cmpi ne, %rem3A_48, %ne3A_50 : vector<4096x1xi32>
    %and3A_52 = arith.andi %ne3A_46, %ne3A_51 : vector<4096x1xi1>
    %sub3A_53 = arith.constant 1 : i32
    %sub3A_54 = vector.broadcast %sub3A_53 : i32 to vector<4096x1xi32>
    %sub3A_55 = arith.subi %div3A_28, %sub3A_54 : vector<4096x1xi32>
    %select_n3A_56 = arith.select %and3A_52, %sub3A_55, %div3A_28 : vector<4096x1xi1>, vector<4096x1xi32>
    %jit3A_57 = arith.constant 8 : i32
    %eq3A_58 = arith.constant 0 : i32
    %eq3A_59 = arith.cmpi eq, %jit3A_57, %eq3A_58 : i32
    %jit3A_60 = arith.constant 1 : i32
    %select_n3A_61 = arith.select %eq3A_59, %jit3A_60, %jit3A_57 : i32
    %rem3A_62 = vector.broadcast %select_n3A_61 : i32 to vector<4096x1xi32>
    %rem3A_63 = arith.remsi %select_n3A_56, %rem3A_62 : vector<4096x1xi32>
    %ne3A_64 = arith.constant 0 : i32
    %ne3A_65 = vector.broadcast %ne3A_64 : i32 to vector<4096x1xi32>
    %ne3A_66 = arith.cmpi ne, %rem3A_63, %ne3A_65 : vector<4096x1xi32>
    %lt3A = arith.constant 0 : i32
    %lt3A_67 = vector.broadcast %lt3A : i32 to vector<4096x1xi32>
    %lt3A_68 = arith.cmpi slt, %rem3A_63, %lt3A_67 : vector<4096x1xi32>
    %lt3A_69 = arith.constant 0 : i32
    %lt3A_70 = arith.cmpi slt, %select_n3A_61, %lt3A_69 : i32
    %ne3A_71 = vector.broadcast %lt3A_70 : i1 to vector<4096x1xi1>
    %ne3A_72 = vector.broadcast %ne3A_71 : vector<4096x1xi1> to vector<4096x1xi1>
    %ne3A_73 = arith.xori %lt3A_68, %ne3A_72 : vector<4096x1xi1>
    %and3A_74 = arith.andi %ne3A_73, %ne3A_66 : vector<4096x1xi1>
    %add3A = vector.broadcast %select_n3A_61 : i32 to vector<4096x1xi32>
    %add3A_75 = arith.addi %rem3A_63, %add3A : vector<4096x1xi32>
    %select_n3A_76 = arith.select %and3A_74, %add3A_75, %rem3A_63 : vector<4096x1xi1>, vector<4096x1xi32>
    %iota3A_77 = tpu.iota {dimensions = array<i32: 1>} : vector<4096x8xi32>
    %eq3A_78 = vector.broadcast %select_n3A_76 : vector<4096x1xi32> to vector<4096x8xi32>
    %eq3A_79 = arith.cmpi eq, %eq3A_78, %iota3A_77 : vector<4096x8xi32>
    %convert_element_type3A_80 = arith.extui %eq3A_79 : vector<4096x8xi1> to vector<4096x8xi32>
    %convert_element_type3A_81 = arith.sitofp %convert_element_type3A_80 : vector<4096x8xi32> to vector<4096x8xf32>
    %jit3A_82 = arith.constant 16 : i32
    %div3A_83 = vector.broadcast %jit3A_82 : i32 to vector<4096x1xi32>
    %div3A_84 = arith.divsi %iota3A, %div3A_83 : vector<4096x1xi32>
    %sign3A_85 = arith.constant 0 : i32
    %sign3A_86 = vector.broadcast %sign3A_85 : i32 to vector<4096x1xi32>
    %sign3A_87 = arith.cmpi sgt, %iota3A, %sign3A_86 : vector<4096x1xi32>
    %sign3A_88 = arith.extui %sign3A_87 : vector<4096x1xi1> to vector<4096x1xi32>
    %sign3A_89 = arith.constant 0 : i32
    %sign3A_90 = vector.broadcast %sign3A_89 : i32 to vector<4096x1xi32>
    %sign3A_91 = arith.cmpi slt, %iota3A, %sign3A_90 : vector<4096x1xi32>
    %sign3A_92 = arith.extui %sign3A_91 : vector<4096x1xi1> to vector<4096x1xi32>
    %sign3A_93 = arith.subi %sign3A_88, %sign3A_92 : vector<4096x1xi32>
    %sign3A_94 = arith.constant 0 : i32
    %sign3A_95 = arith.cmpi sgt, %jit3A_82, %sign3A_94 : i32
    %sign3A_96 = arith.extui %sign3A_95 : i1 to i32
    %sign3A_97 = arith.constant 0 : i32
    %sign3A_98 = arith.cmpi slt, %jit3A_82, %sign3A_97 : i32
    %sign3A_99 = arith.extui %sign3A_98 : i1 to i32
    %sign3A_100 = arith.subi %sign3A_96, %sign3A_99 : i32
    %ne3A_101 = vector.broadcast %sign3A_100 : i32 to vector<4096x1xi32>
    %ne3A_102 = arith.cmpi ne, %sign3A_93, %ne3A_101 : vector<4096x1xi32>
    %rem3A_103 = vector.broadcast %jit3A_82 : i32 to vector<4096x1xi32>
    %rem3A_104 = arith.remsi %iota3A, %rem3A_103 : vector<4096x1xi32>
    %ne3A_105 = arith.constant 0 : i32
    %ne3A_106 = vector.broadcast %ne3A_105 : i32 to vector<4096x1xi32>
    %ne3A_107 = arith.cmpi ne, %rem3A_104, %ne3A_106 : vector<4096x1xi32>
    %and3A_108 = arith.andi %ne3A_102, %ne3A_107 : vector<4096x1xi1>
    %sub3A_109 = arith.constant 1 : i32
    %sub3A_110 = vector.broadcast %sub3A_109 : i32 to vector<4096x1xi32>
    %sub3A_111 = arith.subi %div3A_84, %sub3A_110 : vector<4096x1xi32>
    %select_n3A_112 = arith.select %and3A_108, %sub3A_111, %div3A_84 : vector<4096x1xi1>, vector<4096x1xi32>
    %jit3A_113 = arith.constant 16 : i32
    %eq3A_114 = arith.constant 0 : i32
    %eq3A_115 = arith.cmpi eq, %jit3A_113, %eq3A_114 : i32
    %jit3A_116 = arith.constant 1 : i32
    %select_n3A_117 = arith.select %eq3A_115, %jit3A_116, %jit3A_113 : i32
    %rem3A_118 = vector.broadcast %select_n3A_117 : i32 to vector<4096x1xi32>
    %rem3A_119 = arith.remsi %select_n3A_112, %rem3A_118 : vector<4096x1xi32>
    %ne3A_120 = arith.constant 0 : i32
    %ne3A_121 = vector.broadcast %ne3A_120 : i32 to vector<4096x1xi32>
    %ne3A_122 = arith.cmpi ne, %rem3A_119, %ne3A_121 : vector<4096x1xi32>
    %lt3A_123 = arith.constant 0 : i32
    %lt3A_124 = vector.broadcast %lt3A_123 : i32 to vector<4096x1xi32>
    %lt3A_125 = arith.cmpi slt, %rem3A_119, %lt3A_124 : vector<4096x1xi32>
    %lt3A_126 = arith.constant 0 : i32
    %lt3A_127 = arith.cmpi slt, %select_n3A_117, %lt3A_126 : i32
    %ne3A_128 = vector.broadcast %lt3A_127 : i1 to vector<4096x1xi1>
    %ne3A_129 = vector.broadcast %ne3A_128 : vector<4096x1xi1> to vector<4096x1xi1>
    %ne3A_130 = arith.xori %lt3A_125, %ne3A_129 : vector<4096x1xi1>
    %and3A_131 = arith.andi %ne3A_130, %ne3A_122 : vector<4096x1xi1>
    %add3A_132 = vector.broadcast %select_n3A_117 : i32 to vector<4096x1xi32>
    %add3A_133 = arith.addi %rem3A_119, %add3A_132 : vector<4096x1xi32>
    %select_n3A_134 = arith.select %and3A_131, %add3A_133, %rem3A_119 : vector<4096x1xi1>, vector<4096x1xi32>
    %iota3A_135 = tpu.iota {dimensions = array<i32: 1>} : vector<4096x16xi32>
    %eq3A_136 = vector.broadcast %select_n3A_134 : vector<4096x1xi32> to vector<4096x16xi32>
    %eq3A_137 = arith.cmpi eq, %eq3A_136, %iota3A_135 : vector<4096x16xi32>
    %convert_element_type3A_138 = arith.extui %eq3A_137 : vector<4096x16xi1> to vector<4096x16xi32>
    %convert_element_type3A_139 = arith.sitofp %convert_element_type3A_138 : vector<4096x16xi32> to vector<4096x16xf32>
    %jit3A_140 = arith.constant 16 : i32
    %eq3A_141 = arith.constant 0 : i32
    %eq3A_142 = arith.cmpi eq, %jit3A_140, %eq3A_141 : i32
    %jit3A_143 = arith.constant 1 : i32
    %select_n3A_144 = arith.select %eq3A_142, %jit3A_143, %jit3A_140 : i32
    %rem3A_145 = vector.broadcast %select_n3A_144 : i32 to vector<4096x1xi32>
    %rem3A_146 = arith.remsi %iota3A, %rem3A_145 : vector<4096x1xi32>
    %ne3A_147 = arith.constant 0 : i32
    %ne3A_148 = vector.broadcast %ne3A_147 : i32 to vector<4096x1xi32>
    %ne3A_149 = arith.cmpi ne, %rem3A_146, %ne3A_148 : vector<4096x1xi32>
    %lt3A_150 = arith.constant 0 : i32
    %lt3A_151 = vector.broadcast %lt3A_150 : i32 to vector<4096x1xi32>
    %lt3A_152 = arith.cmpi slt, %rem3A_146, %lt3A_151 : vector<4096x1xi32>
    %lt3A_153 = arith.constant 0 : i32
    %lt3A_154 = arith.cmpi slt, %select_n3A_144, %lt3A_153 : i32
    %ne3A_155 = vector.broadcast %lt3A_154 : i1 to vector<4096x1xi1>
    %ne3A_156 = vector.broadcast %ne3A_155 : vector<4096x1xi1> to vector<4096x1xi1>
    %ne3A_157 = arith.xori %lt3A_152, %ne3A_156 : vector<4096x1xi1>
    %and3A_158 = arith.andi %ne3A_157, %ne3A_149 : vector<4096x1xi1>
    %add3A_159 = vector.broadcast %select_n3A_144 : i32 to vector<4096x1xi32>
    %add3A_160 = arith.addi %rem3A_146, %add3A_159 : vector<4096x1xi32>
    %select_n3A_161 = arith.select %and3A_158, %add3A_160, %rem3A_146 : vector<4096x1xi1>, vector<4096x1xi32>
    %iota3A_162 = tpu.iota {dimensions = array<i32: 1>} : vector<4096x16xi32>
    %eq3A_163 = vector.broadcast %select_n3A_161 : vector<4096x1xi32> to vector<4096x16xi32>
    %eq3A_164 = arith.cmpi eq, %eq3A_163, %iota3A_162 : vector<4096x16xi32>
    %convert_element_type3A_165 = arith.extui %eq3A_164 : vector<4096x16xi1> to vector<4096x16xi32>
    %convert_element_type3A_166 = arith.sitofp %convert_element_type3A_165 : vector<4096x16xi32> to vector<4096x16xf32>
    %get3A = arith.constant 0 : index
    %get3A_167 = arith.constant 0 : index
    %get3A_168 = vector.load %arg2[%get3A, %get3A_167] : memref<16x256xf32, #tpu.memory_space<vmem>>, vector<16x256xf32>
    %get3A_169 = arith.constant 0 : index
    %get3A_170 = arith.constant 0 : index
    %get3A_171 = vector.load %arg3[%get3A_169, %get3A_170] : memref<16x256xf32, #tpu.memory_space<vmem>>, vector<16x256xf32>
    %get3A_172 = arith.constant 0 : index
    %get3A_173 = arith.constant 0 : index
    %get3A_174 = vector.load %arg0[%get3A_172, %get3A_173] : memref<2x128xf32, #tpu.memory_space<vmem>>, vector<2x128xf32>
    %dot_general3A = arith.constant dense<0.000000e+00> : vector<4096x128xf32>
    %dot_general3A_175 = tpu.matmul %convert_element_type3A_25, %get3A_174, %dot_general3A {dimension_numbers = #tpu.dot_dimension_numbers<[1], [0], [0], [1], [0, 0, 1, 1], [], []>, precision = #tpu.contract_precision<fp32>, transpose_lhs_hint = false} : vector<4096x2xf32>, vector<2x128xf32>, vector<4096x128xf32> -> vector<4096x128xf32>
    %slice3A = vector.extract_strided_slice %get3A_168 {offsets = [0, 0], sizes = [16, 128], strides = [1, 1]} : vector<16x256xf32> to vector<16x128xf32>
    %dot_general3A_176 = arith.constant dense<0.000000e+00> : vector<4096x128xf32>
    %dot_general3A_177 = tpu.matmul %convert_element_type3A_139, %slice3A, %dot_general3A_176 {dimension_numbers = #tpu.dot_dimension_numbers<[1], [0], [0], [1], [0, 0, 1, 1], [], []>, precision = #tpu.contract_precision<fp32>, transpose_lhs_hint = false} : vector<4096x16xf32>, vector<16x128xf32>, vector<4096x128xf32> -> vector<4096x128xf32>
    %add3A_178 = arith.addf %dot_general3A_175, %dot_general3A_177 : vector<4096x128xf32>
    %slice3A_179 = vector.extract_strided_slice %get3A_171 {offsets = [0, 0], sizes = [16, 128], strides = [1, 1]} : vector<16x256xf32> to vector<16x128xf32>
    %dot_general3A_180 = arith.constant dense<0.000000e+00> : vector<4096x128xf32>
    %dot_general3A_181 = tpu.matmul %convert_element_type3A_166, %slice3A_179, %dot_general3A_180 {dimension_numbers = #tpu.dot_dimension_numbers<[1], [0], [0], [1], [0, 0, 1, 1], [], []>, precision = #tpu.contract_precision<fp32>, transpose_lhs_hint = false} : vector<4096x16xf32>, vector<16x128xf32>, vector<4096x128xf32> -> vector<4096x128xf32>
    %add3A_182 = arith.addf %add3A_178, %dot_general3A_181 : vector<4096x128xf32>
    %get3A_183 = arith.constant 0 : index
    %get3A_184 = arith.constant 0 : index
    %get3A_185 = vector.load %arg1[%get3A_183, %get3A_184] : memref<8x128xf32, #tpu.memory_space<vmem>>, vector<8x128xf32>
    %dot_general3A_186 = arith.constant dense<0.000000e+00> : vector<4096x128xf32>
    %dot_general3A_187 = tpu.matmul %convert_element_type3A_81, %get3A_185, %dot_general3A_186 {dimension_numbers = #tpu.dot_dimension_numbers<[1], [0], [0], [1], [0, 0, 1, 1], [], []>, precision = #tpu.contract_precision<fp32>, transpose_lhs_hint = false} : vector<4096x8xf32>, vector<8x128xf32>, vector<4096x128xf32> -> vector<4096x128xf32>
    %slice3A_188 = vector.extract_strided_slice %get3A_168 {offsets = [0, 128], sizes = [16, 128], strides = [1, 1]} : vector<16x256xf32> to vector<16x128xf32>
    %dot_general3A_189 = arith.constant dense<0.000000e+00> : vector<4096x128xf32>
    %dot_general3A_190 = tpu.matmul %convert_element_type3A_139, %slice3A_188, %dot_general3A_189 {dimension_numbers = #tpu.dot_dimension_numbers<[1], [0], [0], [1], [0, 0, 1, 1], [], []>, precision = #tpu.contract_precision<fp32>, transpose_lhs_hint = false} : vector<4096x16xf32>, vector<16x128xf32>, vector<4096x128xf32> -> vector<4096x128xf32>
    %add3A_191 = arith.addf %dot_general3A_187, %dot_general3A_190 : vector<4096x128xf32>
    %slice3A_192 = vector.extract_strided_slice %get3A_171 {offsets = [0, 128], sizes = [16, 128], strides = [1, 1]} : vector<16x256xf32> to vector<16x128xf32>
    %dot_general3A_193 = arith.constant dense<0.000000e+00> : vector<4096x128xf32>
    %dot_general3A_194 = tpu.matmul %convert_element_type3A_166, %slice3A_192, %dot_general3A_193 {dimension_numbers = #tpu.dot_dimension_numbers<[1], [0], [0], [1], [0, 0, 1, 1], [], []>, precision = #tpu.contract_precision<fp32>, transpose_lhs_hint = false} : vector<4096x16xf32>, vector<16x128xf32>, vector<4096x128xf32> -> vector<4096x128xf32>
    %add3A_195 = arith.addf %add3A_191, %dot_general3A_194 : vector<4096x128xf32>
    %swap3A = arith.constant 0 : index
    %swap3A_196 = arith.constant 0 : index
    %swap3A_197 = vector.load %arg8[%swap3A, %swap3A_196] : memref<4096x128xf32, #tpu.memory_space<vmem>>, vector<4096x128xf32>
    tpu.vector_store %arg8[%swap3A, %swap3A_196], %add3A_182 {strides = array<i32>} : memref<4096x128xf32, #tpu.memory_space<vmem>>, vector<4096x128xf32>,
    %swap3A_198 = arith.constant 0 : index
    %swap3A_199 = arith.constant 0 : index
    %swap3A_200 = vector.load %arg9[%swap3A_198, %swap3A_199] : memref<4096x128xf32, #tpu.memory_space<vmem>>, vector<4096x128xf32>
    tpu.vector_store %arg9[%swap3A_198, %swap3A_199], %add3A_195 {strides = array<i32>} : memref<4096x128xf32, #tpu.memory_space<vmem>>, vector<4096x128xf32>,
    %get3A_201 = arith.constant 0 : index
    %get3A_202 = arith.constant 0 : index
    %get3A_203 = vector.load %arg4[%get3A_201, %get3A_202] : memref<256x1xf32, #tpu.memory_space<vmem>>, vector<256x1xf32>
    %get3A_204 = arith.constant 0 : index
    %get3A_205 = arith.constant 0 : index
    %get3A_206 = vector.load %arg5[%get3A_204, %get3A_205] : memref<256x1xf32, #tpu.memory_space<vmem>>, vector<256x1xf32>
    %slice3A_207 = vector.extract_strided_slice %get3A_203 {offsets = [0, 0], sizes = [128, 1], strides = [1, 1]} : vector<256x1xf32> to vector<128x1xf32>
    %dot_general3A_208 = arith.constant dense<0.000000e+00> : vector<4096x1xf32>
    %dot_general3A_209 = tpu.matmul %add3A_182, %slice3A_207, %dot_general3A_208 {dimension_numbers = #tpu.dot_dimension_numbers<[1], [0], [0], [1], [0, 0, 1, 1], [], []>, precision = #tpu.contract_precision<fp32>, transpose_lhs_hint = false} : vector<4096x128xf32>, vector<128x1xf32>, vector<4096x1xf32> -> vector<4096x1xf32>
    %slice3A_210 = vector.extract_strided_slice %get3A_203 {offsets = [128, 0], sizes = [128, 1], strides = [1, 1]} : vector<256x1xf32> to vector<128x1xf32>
    %dot_general3A_211 = arith.constant dense<0.000000e+00> : vector<4096x1xf32>
    %dot_general3A_212 = tpu.matmul %add3A_195, %slice3A_210, %dot_general3A_211 {dimension_numbers = #tpu.dot_dimension_numbers<[1], [0], [0], [1], [0, 0, 1, 1], [], []>, precision = #tpu.contract_precision<fp32>, transpose_lhs_hint = false} : vector<4096x128xf32>, vector<128x1xf32>, vector<4096x1xf32> -> vector<4096x1xf32>
    %add3A_213 = arith.addf %dot_general3A_209, %dot_general3A_212 : vector<4096x1xf32>
    %get3A_214 = arith.constant 0 : index
    %get3A_215 = arith.constant 0 : index
    %get3A_216 = vector.load %arg6[%get3A_214, %get3A_215] : memref<1x1xf32, #tpu.memory_space<vmem>>, vector<1x1xf32>
    %add3A_217 = vector.broadcast %get3A_216 : vector<1x1xf32> to vector<4096x1xf32>
    %add3A_218 = arith.addf %add3A_213, %add3A_217 : vector<4096x1xf32>
    %slice3A_219 = vector.extract_strided_slice %get3A_206 {offsets = [0, 0], sizes = [128, 1], strides = [1, 1]} : vector<256x1xf32> to vector<128x1xf32>
    %dot_general3A_220 = arith.constant dense<0.000000e+00> : vector<4096x1xf32>
    %dot_general3A_221 = tpu.matmul %add3A_182, %slice3A_219, %dot_general3A_220 {dimension_numbers = #tpu.dot_dimension_numbers<[1], [0], [0], [1], [0, 0, 1, 1], [], []>, precision = #tpu.contract_precision<fp32>, transpose_lhs_hint = false} : vector<4096x128xf32>, vector<128x1xf32>, vector<4096x1xf32> -> vector<4096x1xf32>
    %slice3A_222 = vector.extract_strided_slice %get3A_206 {offsets = [128, 0], sizes = [128, 1], strides = [1, 1]} : vector<256x1xf32> to vector<128x1xf32>
    %dot_general3A_223 = arith.constant dense<0.000000e+00> : vector<4096x1xf32>
    %dot_general3A_224 = tpu.matmul %add3A_195, %slice3A_222, %dot_general3A_223 {dimension_numbers = #tpu.dot_dimension_numbers<[1], [0], [0], [1], [0, 0, 1, 1], [], []>, precision = #tpu.contract_precision<fp32>, transpose_lhs_hint = false} : vector<4096x128xf32>, vector<128x1xf32>, vector<4096x1xf32> -> vector<4096x1xf32>
    %add3A_225 = arith.addf %dot_general3A_221, %dot_general3A_224 : vector<4096x1xf32>
    %get3A_226 = arith.constant 0 : index
    %get3A_227 = arith.constant 0 : index
    %get3A_228 = vector.load %arg7[%get3A_226, %get3A_227] : memref<1x1xf32, #tpu.memory_space<vmem>>, vector<1x1xf32>
    %add3A_229 = vector.broadcast %get3A_228 : vector<1x1xf32> to vector<4096x1xf32>
    %add3A_230 = arith.addf %add3A_225, %add3A_229 : vector<4096x1xf32>
    %reshape3A = vector.shape_cast %add3A_218 : vector<4096x1xf32> to vector<32x128xf32>
    %swap3A_231 = arith.constant 0 : index
    %swap3A_232 = arith.constant 0 : index
    %swap3A_233 = vector.load %arg10[%swap3A_231, %swap3A_232] : memref<32x128xf32, #tpu.memory_space<vmem>>, vector<32x128xf32>
    tpu.vector_store %arg10[%swap3A_231, %swap3A_232], %reshape3A {strides = array<i32>} : memref<32x128xf32, #tpu.memory_space<vmem>>, vector<32x128xf32>,
    %reshape3A_234 = vector.shape_cast %add3A_230 : vector<4096x1xf32> to vector<32x128xf32>
    %swap3A_235 = arith.constant 0 : index
    %swap3A_236 = arith.constant 0 : index
    %swap3A_237 = vector.load %arg11[%swap3A_235, %swap3A_236] : memref<32x128xf32, #tpu.memory_space<vmem>>, vector<32x128xf32>
    tpu.vector_store %arg11[%swap3A_235, %swap3A_236], %reshape3A_234 {strides = array<i32>} : memref<32x128xf32, #tpu.memory_space<vmem>>, vector<32x128xf32>,
    return
  }
}

</mosaic_0001>

<sc_bundles>
// kernel: kernel.4.cloned.1.call-start
scs
__scs_entry_jumppad:
0x0: {  	(pc) =	sbr.rel $0x88, $3  }
0x1: {  	(tag) =	ssettag $0x0;
	lr =	simm.s32 $0x1  }
0x2: {  	[smem:$0x3F94] =	sst lr;
	_ =	strace $0xD0000000  }
0x3: {  	_ = 	snop  }
0x4: {  	_ = 	snop  }
0x5: {  	_ = 	snop  }
0x6: {  	_ = 	snop  }
0x7: {  	_ = 	snop  }
__scs_overlays_trampoline_lowered:
0x8: {  	[smem:$0x3FA3] =	sst s0  }
0x9: {  	[smem:$0x3FA4] =	sst s1  }
0xa: {  	[smem:$0x3FA5] =	sst s2  }
0xb: {  	[smem:$0x3FA6] =	sst s3  }
0xc: {  	[smem:$0x3FA7] =	sst s4  }
0xd: {  	[smem:$0x3FA8] =	sst s5  }
0xe: {  	[smem:$0x3FA9] =	sst s6  }
0xf: {  	[smem:$0x3FAA] =	sst s7  }
0x10: {  	[smem:$0x3FAB] =	sst s8  }
0x11: {  	[smem:$0x3FAC] =	sst s9;
	s0 =	simm.s32 @!p0 $0x0  }
0x12: {  	s1 =	sld [smem:$0x3F92];
	s0 =	simm.s32 @p0 $0x1  }
0x13: {  	[smem:$0x3FAD] =	sst s0;
	s0 =	simm.s32 @!p1 $0x0  }
0x14: {  	s2 =	sld [smem:$0x3F91];
	s0 =	simm.s32 @p1 $0x1  }
0x15: {  	[smem:$0x3FAE] =	sst s0;
	s0 =	simm.s32 @!p2 $0x0  }
0x16: {  	s3 =	sld [smem:$0x3FDB];
	s0 =	simm.s32 @p2 $0x1  }
0x17: {  	s4 =	simm.s32 $0x1BF5;
	[smem:$0x3FB0] =	sst s0  }
0x18: {  	s0 =	sld [smem:$0x3F93];
	_ =	swait.ge [sflag:s4], $0x0  }
0x19: {  	s7 =	sld [smem:$0x3F94]  }
0x1a: {  	s8 =	sadd.s32 $0xFFFFE003, lr  }
0x1b: {  	s9 =	sadd.s32 $0xFFFFFEF7, lr;
	s5 =	simm.s32 $0xFFFFFFFF;
	p2 =	slt.u32 s8, $0xFFFFF086  }
0x1c: {  	p1 =	slt.u32 s9, $0xF7A;
	s5 =	simm.s32 @!p2 $0x0  }
0x1d: {  	s5 =	simm.s32 @p1 $0x1;
	p0 =	seq.s32 s7, s2  }
0x1e: {  	s7 =	smul.u32 @!p0 $0xF7A, s2;
	p2 =	seq.s32 @!p0 s5, $0x0  }
0x1f: {  	s9 =	smul.u32 $0xF7A, s1;
	s8 =	simm.s32 @!p0 $0x1BF5;
	p2 =	por !p2, p0  }
0x20: {  	[sflag:s8] =	ssyncset.s32 @!p0 $0xFFFFF086;
	s6 =	sadd.s32 @!p0 s3, s7;
	s7 =	simm.s32 @!p0 $0x108  }
0x21: {  	s3 =	sadd.s32 s3, s9;
	s6 =	sadd.s32 @!p0 $0x88, s6;
	s7 =	simm.s32 @p2 $0x1082  }
0x22: {  	[simem:s7], [sflag:s8] =	dma.local @!p0 [hbm:s6], $0xF7A  }
0x23: {  	s9 =	sor.u32 $0xD0000000, s2;
	s6 =	simm.s32 $0x108;
	_ =	swait.ge @!p0 [sflag:s8], $0x0  }
0x24: {  	s3 =	sadd.s32 $0x88, s3;
	s6 =	simm.s32 @!p1 $0x1082;
	[sflag:s4] =	ssyncset.s32 $0xFFFFF086  }
0x25: {  	[simem:s6], [sflag:s4] =	dma.local [hbm:s3], $0xF7A  }
0x26: {  	[smem:$0x3F94] =	sst s1;
	(tag) =	ssettag s2;
	_ =	strace s9  }
0x27: {  	s1 =	sld [smem:$0x3FA4]  }
0x28: {  	s2 =	sld [smem:$0x3FA5]  }
0x29: {  	s4 =	sld [smem:$0x3FA7]  }
0x2a: {  	p0 =	seq.s32 s5, $0x0;
	s5 =	sld [smem:$0x3FA8]  }
0x2b: {  	s6 =	sld [smem:$0x3FA9]  }
0x2c: {  	s7 =	sld [smem:$0x3FAA]  }
0x2d: {  	s3 =	simm.s32 $0x108;
	s8 =	sld [smem:$0x3FAB]  }
0x2e: {  	s3 =	simm.s32 @!p0 $0x1082;
	s9 =	sld [smem:$0x3FAC]  }
0x2f: {  	lr =	sadd.s32 s0, s3;
	s0 =	sld [smem:$0x3FA3]  }
0x30: {  	s3 =	sld [smem:$0x3FA6]  }
0x31: {  	[smem:$0x3FAF] =	sst s10  }
0x32: {  	s10 =	sld [smem:$0x3FAD];
	_ =	sdelay $0x3  }
0x33: {  	p0 =	seq.s32 s10, $0x1;
	s10 =	sld [smem:$0x3FAF];
	_ =	sdelay $0x3  }
0x34: {  	[smem:$0x3FAF] =	sst s10  }
0x35: {  	s10 =	sld [smem:$0x3FAE];
	_ =	sdelay $0x3  }
0x36: {  	p1 =	seq.s32 s10, $0x1;
	s10 =	sld [smem:$0x3FAF];
	_ =	sdelay $0x3  }
0x37: {  	[smem:$0x3FAF] =	sst s10  }
0x38: {  	s10 =	sld [smem:$0x3FB0]  }
0x39: {  	_ = 	snop;
	(pc) =	sbr.ind lr, $3  }
0x3a: {  	_ = 	snop  }
0x3b: {  	_ = 	snop  }
0x3c: {  	p2 =	seq.s32 s10, $0x1;
	s10 =	sld [smem:$0x3FAF]  }
0x3d: {  	_ =	shalt  }
0x3e: {  	_ =	shalt  }
0x3f: {  	_ =	shalt  }
0x40: {  	_ =	shalt  }
0x41: {  	_ =	shalt  }
0x42: {  	_ =	shalt  }
0x43: {  	_ =	shalt  }
0x44: {  	_ =	shalt  }
0x45: {  	_ =	shalt  }
0x46: {  	_ =	shalt  }
0x47: {  	_ =	shalt  }
0x48: {  	_ =	shalt  }
0x49: {  	_ =	shalt  }
0x4a: {  	_ =	shalt  }
0x4b: {  	_ =	shalt  }
0x4c: {  	_ =	shalt  }
0x4d: {  	_ =	shalt  }
0x4e: {  	_ =	shalt  }
0x4f: {  	_ =	shalt  }
0x50: {  	_ =	shalt  }
0x51: {  	_ =	shalt  }
0x52: {  	_ =	shalt  }
0x53: {  	_ =	shalt  }
0x54: {  	_ =	shalt  }
0x55: {  	_ =	shalt  }
0x56: {  	_ =	shalt  }
0x57: {  	_ =	shalt  }
0x58: {  	_ =	shalt  }
0x59: {  	_ =	shalt  }
0x5a: {  	_ =	shalt  }
0x5b: {  	_ =	shalt  }
0x5c: {  	_ =	shalt  }
0x5d: {  	_ =	shalt  }
0x5e: {  	_ =	shalt  }
0x5f: {  	_ =	shalt  }
0x60: {  	_ =	shalt  }
0x61: {  	_ =	shalt  }
0x62: {  	_ =	shalt  }
0x63: {  	_ =	shalt  }
0x64: {  	_ =	shalt  }
0x65: {  	_ =	shalt  }
0x66: {  	_ =	shalt  }
0x67: {  	_ =	shalt  }
0x68: {  	_ =	shalt  }
0x69: {  	_ =	shalt  }
0x6a: {  	_ =	shalt  }
0x6b: {  	_ =	shalt  }
0x6c: {  	_ =	shalt  }
0x6d: {  	_ =	shalt  }
0x6e: {  	_ =	shalt  }
0x6f: {  	_ =	shalt  }
0x70: {  	_ =	shalt  }
0x71: {  	_ =	shalt  }
0x72: {  	_ =	shalt  }
0x73: {  	_ =	shalt  }
0x74: {  	_ =	shalt  }
0x75: {  	_ =	shalt  }
0x76: {  	_ =	shalt  }
0x77: {  	_ =	shalt  }
0x78: {  	_ =	shalt  }
0x79: {  	_ =	shalt  }
0x7a: {  	_ =	shalt  }
0x7b: {  	_ =	shalt  }
0x7c: {  	_ =	shalt  }
0x7d: {  	_ =	shalt  }
0x7e: {  	_ =	shalt  }
0x7f: {  	_ =	shalt  }
0x80: {  	_ =	shalt  }
0x81: {  	_ =	shalt  }
0x82: {  	_ =	shalt  }
0x83: {  	_ =	shalt  }
0x84: {  	_ =	shalt  }
0x85: {  	_ =	shalt  }
0x86: {  	_ =	shalt  }
0x87: {  	_ =	shalt  }
.Lfunc_end0:
.L_simem_size_0:
called_computation_lowered:
.L_overlay_start_0:
0x88: {  	s2 =	sld [smem:$0x3FD9]  }
0x89: {  	s3 =	sld [smem:$0x3FFE];
	_ =	sdelay $0x1  }
0x8a: {  	s1 =	srdreg.scid  }
0x8b: {  	s0 =	sand.u32 $0x1, s1  }
0x8c: {  	s14 =	sshll.u32 s0, $0xA;
	s2 =	sadd.s32 s3, s2  }
0x8d: {  	s2 =	sadd.s32 s2, s14  }
0x8e: {  	[smem:$0x3FBB] =	sst s2  }
0x8f: {  	_ = 	snop  }
0x90: {  	s2 =	sld [smem:$0x3FC9]  }
0x91: {  	s15 =	sld [smem:$0x3FC8]  }
0x92: {  	s4 =	sld [smem:$0x3FD0]  }
0x93: {  	s5 =	sld [smem:$0x3FC7]  }
0x94: {  	s6 =	sld [smem:$0x3FC6]  }
0x95: {  	s8 =	simm.s32 $0xA;
	s9 =	simm.s32 $0x10;
	s7 =	sld [smem:$0x3FC5]  }
0x96: {  	[smem:s9], [sflag:s8] =	dma.local [hbm:s4], $0x1  }
0x97: {  	_ =	swait.eq [sflag:s8], $0x1  }
0x98: {  	s16 =	sld [smem:$0x10];
	[sflag:s8] =	ssyncset.done $0x0  }
0x99: {  	s17 =	sld [smem:$0x11];
	[sflag:s8] =	ssyncadd.s32 $0xFFFFFFFF  }
0x9a: {  	s18 =	sld [smem:$0x12];
	(tm) =	ssettm $0x1  }
0x9b: {  	s10 =	sld [smem:$0x3FFB];
	_ =	sdelay $0x3  }
0x9c: {  	_ =	strace s10  }
0x9d: {  	s10 =	sld [smem:$0x3FFC];
	_ =	sdelay $0x3  }
0x9e: {  	_ =	strace s10  }
0x9f: {  	s10 =	sld [smem:$0x3FFD];
	_ =	sdelay $0x3  }
0xa0: {  	_ =	strace s10  }
0xa1: {  	_ =	strace $0x8FFFFFFF  }
0xa2: {  	s19 =	sld [smem:$0x3FDB];
	_ =	sdelay $0x1  }
0xa3: {  	s11 =	simm.s32 $_scs_section_size  }
0xa4: {  	s12 =	simm.s32 $_size__tile_overlayer_lowered;
	s13 =	simm.s32 $_tile_overlayer_lowered  }
0xa5: {  	s22 =	simm.s32 $0x1BFF;
	s21 =	sshll.u32 s13, $0x1;
	s10 =	sadd.s32 s11, s19  }
0xa6: {  	s20 =	sshll.u32 s12, $0x1;
	s14 =	simm.s32 $0x0;
	s12 =	sadd.s32 s21, s10  }
0xa7: {  	[timem:s14], [sflag:s22] =	dma.local [hbm:s12], s20  }
0xa8: {  	_ =	swait.ge [sflag:s22], s20  }
0xa9: {  	s11 =	ssub.s32 $0x0, s20;
	[sflag:s22] =	ssyncset.done $0x0  }
0xaa: {  	[sflag:s22] =	ssyncadd.s32 s11;
	_ =	sdelay $0x1  }
0xab: {  	s23 =	simm.s32 $0x1B8B  }
0xac: {  	_ =	swait.ge [sflag:s23], $0x1  }
0xad: {  	[sflag:s23] =	ssyncset.done $0x0  }
0xae: {  	s25 =	simm.s32 $0x1B8E;
	s24 =	sld [smem:$0x3FFE];
	[sflag:s23] =	ssyncadd.s32 $0xFFFFFFFF  }
0xaf: {  	s26 =	simm.s32 $execute0_lowered;
	[smem:$0x3FD2] =	sst s25  }
0xb0: {  	s12 =	sshll.u32 s26, $0x1;
	_ =	strace $0x80000046;
	[dreg:$0x1] =	wrdreg $0xFFFFFFFF  }
0xb1: {  	s28 =	simm.s32 $_size_execute0_lowered;
	s10 =	sadd.s32 s10, s12;
	[dreg:$0x0] =	wrdreg $0x0  }
0xb2: {  	s12 =	sshll.u32 s28, $0x1;
	[dreg:$0x2] =	wrdreg s10  }
0xb3: {  	[dreg:$0x3] =	wrdreg s12  }
0xb4: {  	[dreg:$0x4] =	wrdreg $0xC0  }
0xb5: {  	_ =	task [dreg:s14], $0x5FFFF  }
0xb6: {  	[dreg:$0x1] =	wrdreg $0xFFFFFFFF  }
0xb7: {  	[dreg:$0x0] =	wrdreg $0x60  }
0xb8: {  	[dreg:$0x2] =	wrdreg s16  }
0xb9: {  	[dreg:$0x3] =	wrdreg s24  }
0xba: {  	[dreg:$0x4] =	wrdreg s2  }
0xbb: {  	[dreg:$0x5] =	wrdreg s15  }
0xbc: {  	[dreg:$0x6] =	wrdreg s5  }
0xbd: {  	[dreg:$0x7] =	wrdreg s6  }
0xbe: {  	[dreg:$0x8] =	wrdreg s7  }
0xbf: {  	[dreg:$0x9] =	wrdreg s17  }
0xc0: {  	[dreg:$0xa] =	wrdreg s18  }
0xc1: {  	[dreg:$0xb] =	wrdreg $0x9  }
0xc2: {  	_ =	task.clear_ibuf [dreg:s14], $0xCFFFF;
	_ =	strace $0x90000046  }
0xc3: {  	s29 =	simm.s32 $0x9;
	_ =	strace $0x80000048  }
0xc4: {  	_ =	swait.ge [sflag:s29], $0x1  }
0xc5: {  	[sflag:s29] =	ssyncadd.s32 $0xFFFFFFFF  }
0xc6: {  	_ =	strace $0x90000048  }
0xc7: {  	_ =	sfence  }
0xc8: {  	s30 =	sld [smem:$0x0];
	_ =	sdelay $0x2  }
0xc9: {  	s31 =	sshll.u32 s1, $0xD;
	s1 =	sshrl.u32 s1, $0x2  }
0xca: {  	s3 =	sand.u32 $0x4000, s31;
	s1 =	sadd.s32 s1, s30  }
0xcb: {  	s0 =	sor.u32 s3, s0;
	s1 =	sshll.u32 s1, $0x11  }
0xcc: {  	s0 =	sor.u32 s1, s0  }
0xcd: {  	s0 =	sadd.s32 $0x8F2B, s0  }
0xce: {  	[sflag:s0] =	ssyncadd.remote.s32 $0x1  }
0xcf: {  	_ =	sfence.sel $0xFFFF  }
0xd0: {  	[dreg:$0x0] =	wrdreg $0xFFFFFFFF;
	(pc) =	sbr.abs _section_cstart, $3  }
0xd1: {  	[dreg:$0x1] =	wrdreg $0xFFFFFFFF  }
0xd2: {  	_ =	task.clear_ibuf [dreg:s14], $0x2FFFF;
	_ =	strace $0x9FFFFFFF  }
0xd3: {  	(tm) =	ssettm $0x7FFFFFFF  }
tec
execute0_lowered:
.L_overlay_start_1:
0x0: {  	(tag) =	ssettag $0x1  }
0x1: {  	s0 =	rddreg [dreg:$0x0]  }
0x2: {  	s1 =	rddreg [dreg:$0x1]  }
0x3: {  	s4 =	rddreg [dreg:$0x2]  }
0x4: {  	s5 =	rddreg [dreg:$0x3]  }
0x5: {  	s6 =	rddreg [dreg:$0x4]  }
0x6: {  	s7 =	rddreg [dreg:$0x5]  }
0x7: {  	s8 =	rddreg [dreg:$0x6]  }
0x8: {  	s9 =	rddreg [dreg:$0x7]  }
0x9: {  	s10 =	rddreg [dreg:$0x8];
	s11 =	srdreg.scid;
	s3 =	simm.s32 $0x0  }
0xa: {  	s2 =	stileid.u32;
	s28 =	simm.s32 $0x8;
	s29 =	simm.s32 $0x180  }
0xb: {  	s30 =	simm.s32 $0x2C00;
	s31 =	simm.s32 $0x9;
	s11 =	sand.u32 $0x1, s11  }
0xc: {  	[smem:$0x7FF] =	sst s3;
	s12 =	sshll.u32 s2, $0xA;
	s13 =	sshll.u32 s11, $0x9  }
0xd: {  	s14 =	sadd.s32 $0x11A00, s1;
	s20 =	sadd.s32 $0x11C00, s1;
	s12 =	sor.u32 s13, s12  }
0xe: {  	_ =	strace $0x80000047;
	[dreg:$0xa] =	wrdreg s14;
	s14 =	sshrl.u32 s12, $0x3  }
0xf: {  	s23 =	sadd.s32 $0x11E00, s1;
	[dreg:$0xb] =	wrdreg s20;
	s4 =	sadd.s32 s4, s14  }
0x10: {  	s2 =	sadd.s32 $0x51E00, s1;
	s21 =	sadd.s32 s5, s14;
	[dreg:$0xc] =	wrdreg s4  }
0x11: {  	s26 =	sshll.u32 s12, $0x4;
	s22 =	sadd.s32 s6, s14;
	[dreg:$0xd] =	wrdreg s21  }
0x12: {  	s24 =	sadd.s32 s7, s14;
	s25 =	sadd.s32 s8, s14;
	[dreg:$0xe] =	wrdreg s22  }
0x13: {  	s12 =	sadd.s32 s23, s26;
	s13 =	sadd.s32 s2, s26;
	[dreg:$0xf] =	wrdreg s24  }
0x14: {  	s15 =	sor.u32 $0x800, s26;
	s18 =	sor.u32 $0x1000, s26;
	[dreg:$0x10] =	wrdreg s25  }
0x15: {  	s6 =	sor.u32 $0x1800, s26;
	s5 =	sadd.s32 s10, s14;
	[dreg:$0x11] =	wrdreg s12  }
0x16: {  	s10 =	simm.s32 $0x800;
	[dreg:$0x12] =	wrdreg s13;
	s16 =	sadd.s32 s23, s15  }
0x17: {  	s17 =	sadd.s32 s2, s15;
	s19 =	sadd.s32 s23, s18;
	s20 =	sadd.s32 s2, s18  }
0x18: {  	s21 =	sadd.s32 s23, s6;
	s22 =	ssub.s32 $0x2, s11;
	[dreg:$0x13] =	wrdreg s16  }
0x19: {  	s23 =	sadd.s32 s2, s6;
	s25 =	sadd.s32 s9, s14;
	[dreg:$0x14] =	wrdreg s17  }
0x1a: {  	s4 =	sadd.s32 $0x1A00, s1;
	s9 =	simm.s32 $0x600;
	[dreg:$0x15] =	wrdreg s19  }
0x1b: {  	s11 =	simm.s32 $0xA00;
	s12 =	simm.s32 $0xC00;
	[dreg:$0x16] =	wrdreg s20  }
0x1c: {  	s13 =	simm.s32 $0x1C00;
	s14 =	simm.s32 $0x1;
	[dreg:$0x17] =	wrdreg s21  }
0x1d: {  	s15 =	simm.s32 $0x80;
	s18 =	simm.s32 $0x7000;
	[dreg:$0x18] =	wrdreg s23  }
0x1e: {  	s1 =	simm.s32 $0x2E00;
	s24 =	sshrl.u32 s22, $0x1;
	[dreg:$0x19] =	wrdreg s25  }
0x1f: {  	s16 =	simm.s32 $0x3000;
	s17 =	simm.s32 $0xB000;
	s19 =	simm.s32 $0xF000  }
0x20: {  	s20 =	simm.s32 $0x3;
	s21 =	simm.s32 $0x5;
	s23 =	simm.s32 $0x100  }
0x21: {  	s25 =	simm.s32 $0x4;
	s26 =	ssub.s32 s22, s24;
	s22 =	simm.s32 $0x7  }
0x22: {  	s24 =	simm.s32 $0x2;
	s6 =	smax.u32 s26, $0x1;
	s26 =	simm.s32 $0x6  }
.LBB2_1:
0x23: {  	s2 =	rddreg [dreg:$0xc];
	s8 =	simm.s32 $0x200  }
0x24: {  	[tilespmem:s8], [sflag:$0x1] =	stream.linear.gather [hbm4b:s2+s3], $0x200, $0x38;
	[tilespmem:$0x13000] =	vst v63  }
0x25: {  	s7 =	rddreg [dreg:$0xd];
	s8 =	simm.s32 $0x400  }
0x26: {  	[tilespmem:s8], [sflag:$0x1] =	stream.linear.gather [hbm4b:s7+s3], $0x200, $0x38;
	[tilespmem:$0x13000] =	vst v63  }
0x27: {  	s2 =	rddreg [dreg:$0xe]  }
0x28: {  	[tilespmem:s9], [sflag:$0x1] =	stream.linear.gather [hbm4b:s2+s3], $0x200, $0x38;
	[tilespmem:$0x13000] =	vst v63  }
0x29: {  	s7 =	rddreg [dreg:$0xf]  }
0x2a: {  	[tilespmem:s10], [sflag:$0x1] =	stream.linear.gather [hbm4b:s7+s3], $0x200, $0x38;
	[tilespmem:$0x13000] =	vst v63  }
0x2b: {  	s8 =	rddreg [dreg:$0x10]  }
0x2c: {  	[tilespmem:s11], [sflag:$0x3] =	stream.linear.gather [hbm4b:s8+s3], $0x200, $0x38;
	[tilespmem:$0x13000] =	vst v63  }
0x2d: {  	s7 =	rddreg [dreg:$0xa]  }
0x2e: {  	[tilespmem:s12], [sflag:$0x3] =	stream.linear.gather [hbm4b:s7+s3], $0x1000, $0x38;
	[tilespmem:$0x13000] =	vst v63  }
0x2f: {  	s8 =	rddreg [dreg:$0xb]  }
0x30: {  	[tilespmem:s13], [sflag:$0x3] =	stream.linear.gather [hbm4b:s8+s3], $0x1000, $0x38;
	[tilespmem:$0x13000] =	vst v63  }
0x31: {  	_ =	swait.ge [sflag:s14], $0x200  }
0x32: {  	[sflag:s14] =	ssyncset.done $0x0  }
0x33: {  	[sflag:s14] =	ssyncadd.s32 $0xFFFFFE00  }
0x34: {  	_ =	swait.ge [sflag:s14], $0x200  }
0x35: {  	[sflag:s14] =	ssyncset.done $0x0  }
0x36: {  	[sflag:s14] =	ssyncadd.s32 $0xFFFFFE00  }
0x37: {  	_ =	swait.ge [sflag:s14], $0x200  }
0x38: {  	[sflag:s14] =	ssyncset.done $0x0  }
0x39: {  	[sflag:s14] =	ssyncadd.s32 $0xFFFFFE00  }
0x3a: {  	_ =	swait.ge [sflag:s14], $0x200  }
0x3b: {  	[sflag:s14] =	ssyncset.done $0x0  }
0x3c: {  	[sflag:s14] =	ssyncadd.s32 $0xFFFFFE00  }
0x3d: {  	v0 =	vld [tilespmem:$0x200]  }
0x3e: {  	v1 =	vld [tilespmem:$0x400]  }
0x3f: {  	v2 =	vld [tilespmem:$0x600]  }
0x40: {  	v3 =	vld [tilespmem:$0x800]  }
0x41: {  	v4 =	vld [tilespmem:$0x210]  }
0x42: {  	v5 =	vld [tilespmem:$0x410]  }
0x43: {  	v6 =	vld [tilespmem:$0x610]  }
0x44: {  	v7 =	vld [tilespmem:$0x810]  }
0x45: {  	v8 =	vld [tilespmem:$0x220]  }
0x46: {  	v9 =	vld [tilespmem:$0x420]  }
0x47: {  	v10 =	vld [tilespmem:$0x620]  }
0x48: {  	v11 =	vld [tilespmem:$0x820]  }
0x49: {  	v12 =	vld [tilespmem:$0x230]  }
0x4a: {  	v13 =	vld [tilespmem:$0x430]  }
0x4b: {  	v16 =	vld [tilespmem:$0x240]  }
0x4c: {  	v17 =	vld [tilespmem:$0x440]  }
0x4d: {  	v39 =	vld [tilespmem:$0x250]  }
0x4e: {  	v46 =	vld [tilespmem:$0x260]  }
0x4f: {  	v49 =	vld [tilespmem:$0x460]  }
0x50: {  	v52 =	vld [tilespmem:$0x270]  }
0x51: {  	v14 =	vld [tilespmem:$0x630];
	v0 =	vshll.u32 v0, $0x7;
	v1 =	vshll.u32 v1, $0x4;
	v37 =	vshll.u32 v4, $0x7  }
0x52: {  	v18 =	vld [tilespmem:$0x640];
	v38 =	vshll.u32 v5, $0x4;
	v42 =	vshll.u32 v8, $0x7;
	v43 =	vshll.u32 v9, $0x4  }
0x53: {  	v40 =	vld [tilespmem:$0x450];
	v47 =	vshll.u32 v12, $0x7;
	v48 =	vshll.u32 v13, $0x4;
	v50 =	vshll.u32 v16, $0x7  }
0x54: {  	v15 =	vld [tilespmem:$0x830];
	v51 =	vshll.u32 v17, $0x4;
	v5 =	vshll.u32 v39, $0x7;
	v60 =	vshll.u32 v46, $0x7  }
0x55: {  	v19 =	vld [tilespmem:$0x840];
	v61 =	vshll.u32 v49, $0x4;
	v63 =	vshll.u32 v52, $0x7;
	v0 =	vadd.s32 v0, v1  }
0x56: {  	v41 =	vld [tilespmem:$0x650];
	v1 =	vadd.s32 v37, v38;
	v45 =	vadd.s32 v42, v43;
	v8 =	vadd.s32 v50, v51  }
0x57: {  	v53 =	vld [tilespmem:$0x470];
	v0 =	vadd.s32 v2, v0;
	v1 =	vadd.s32 v6, v1;
	v8 =	vadd.s32 v18, v8  }
0x58: {  	v54 =	vld [tilespmem:$0x660];
	v2 =	vshll.u32 v40, $0x4;
	v0 =	vshll.u32 v0, $0x4;
	v1 =	vshll.u32 v1, $0x4  }
0x59: {  	v44 =	vld [tilespmem:$0x850];
	v8 =	vshll.u32 v8, $0x4;
	v2 =	vadd.s32 v5, v2;
	v0 =	vadd.s32 v3, v0  }
0x5a: {  	v55 =	vld [tilespmem:$0x670];
	v1 =	vadd.s32 v7, v1;
	v3 =	vadd.s32 v10, v45;
	v7 =	vadd.s32 v47, v48  }
0x5b: {  	v58 =	vld [tilespmem:$0x860];
	v57 =	vadd.s32 v19, v8;
	v59 =	vadd.s32 v41, v2;
	v2 =	vadd.s32 v60, v61;
	[tilespmem:$0x0] =	vst v0  }
0x5c: {  	v62 =	vld [tilespmem:$0x870];
	v8 =	vshll.u32 v53, $0x4;
	v3 =	vshll.u32 v3, $0x4;
	v7 =	vadd.s32 v14, v7;
	[tilespmem:$0x10] =	vst v1  }
0x5d: {  	v10 =	vshll.u32 v59, $0x4;
	v12 =	vadd.s32 v54, v2;
	[tilespmem:$0x40] =	vst v57;
	v3 =	vadd.s32 v11, v3  }
0x5e: {  	v13 =	vadd.s32 v63, v8;
	v7 =	vshll.u32 v7, $0x4;
	v0 =	vadd.s32 v44, v10;
	[tilespmem:$0x20] =	vst v3  }
0x5f: {  	v1 =	vshll.u32 v12, $0x4;
	v2 =	vadd.s32 v55, v13;
	v56 =	vadd.s32 v15, v7;
	[tilespmem:$0x50] =	vst v0  }
0x60: {  	v14 =	vadd.s32 v58, v1;
	v15 =	vshll.u32 v2, $0x4;
	[tilespmem:$0x30] =	vst v56  }
0x61: {  	[tilespmem:$0x60] =	vst v14;
	v16 =	vadd.s32 v62, v15  }
0x62: {  	[tilespmem:$0x70] =	vst v16  }
0x63: {  	[tilespmem:s16], [sflag:$0x1] =	stream.indirect.gather [hbm4b:s0+s15], $0x80, s3, s15, $0xb8;
	[tilespmem:$0x13000] =	vst v63  }
0x64: {  	_ = 	snop  }
0x65: {  	[tilespmem:s17], [sflag:$0x3] =	stream.indirect.gather [hbm4b:s4+s15], $0x80, s3, s15, $0xb8;
	[tilespmem:$0x13000] =	vst v63  }
0x66: {  	v17 =	vld [tilespmem:$0x280]  }
0x67: {  	v18 =	vld [tilespmem:$0x480];
	_ =	sdelay $0x1  }
0x68: {  	v19 =	vld [tilespmem:$0x680];
	_ =	sdelay $0x1  }
0x69: {  	v20 =	vld [tilespmem:$0x880]  }
0x6a: {  	v0 =	vshll.u32 v17, $0x7;
	v1 =	vshll.u32 v18, $0x4  }
0x6b: {  	v0 =	vadd.s32 v0, v1  }
0x6c: {  	v0 =	vadd.s32 v19, v0  }
0x6d: {  	v0 =	vshll.u32 v0, $0x4  }
0x6e: {  	v21 =	vld [tilespmem:$0x290];
	v0 =	vadd.s32 v20, v0  }
0x6f: {  	v22 =	vld [tilespmem:$0x490];
	[tilespmem:$0x80] =	vst v0  }
0x70: {  	v23 =	vld [tilespmem:$0x690]  }
0x71: {  	v24 =	vld [tilespmem:$0x890]  }
0x72: {  	v25 =	vld [tilespmem:$0x2A0]  }
0x73: {  	v26 =	vld [tilespmem:$0x4A0]  }
0x74: {  	v27 =	vld [tilespmem:$0x6A0]  }
0x75: {  	v28 =	vld [tilespmem:$0x8A0]  }
0x76: {  	v29 =	vld [tilespmem:$0x2B0]  }
0x77: {  	v30 =	vld [tilespmem:$0x4B0]  }
0x78: {  	v31 =	vld [tilespmem:$0x6B0]  }
0x79: {  	v33 =	vld [tilespmem:$0x2C0]  }
0x7a: {  	v34 =	vld [tilespmem:$0x4C0]  }
0x7b: {  	v37 =	vld [tilespmem:$0x2D0]  }
0x7c: {  	v38 =	vld [tilespmem:$0x4D0]  }
0x7d: {  	v42 =	vld [tilespmem:$0x2E0]  }
0x7e: {  	v45 =	vld [tilespmem:$0x4E0]  }
0x7f: {  	v1 =	vshll.u32 v21, $0x7;
	v0 =	vshll.u32 v22, $0x4;
	v48 =	vld [tilespmem:$0x2F0]  }
0x80: {  	v0 =	vadd.s32 v1, v0;
	v49 =	vld [tilespmem:$0x4F0]  }
0x81: {  	v32 =	vld [tilespmem:$0x8B0];
	v0 =	vadd.s32 v23, v0;
	v4 =	vshll.u32 v25, $0x7;
	v5 =	vshll.u32 v26, $0x4  }
0x82: {  	v35 =	vld [tilespmem:$0x6C0];
	v43 =	vshll.u32 v29, $0x7;
	v44 =	vshll.u32 v30, $0x4;
	v46 =	vshll.u32 v33, $0x7  }
0x83: {  	v36 =	vld [tilespmem:$0x8C0];
	v47 =	vshll.u32 v34, $0x4;
	v51 =	vshll.u32 v37, $0x7;
	v1 =	vshll.u32 v38, $0x4  }
0x84: {  	v39 =	vld [tilespmem:$0x6D0];
	v55 =	vshll.u32 v42, $0x7;
	v56 =	vshll.u32 v45, $0x4;
	v58 =	vshll.u32 v48, $0x7  }
0x85: {  	v40 =	vld [tilespmem:$0x8D0];
	v59 =	vshll.u32 v49, $0x4;
	v0 =	vshll.u32 v0, $0x4;
	v41 =	vadd.s32 v4, v5  }
0x86: {  	v52 =	vld [tilespmem:$0x6F0];
	v5 =	vadd.s32 v43, v44;
	v6 =	vadd.s32 v46, v47;
	v1 =	vadd.s32 v51, v1  }
0x87: {  	v50 =	vld [tilespmem:$0x6E0];
	v2 =	vadd.s32 v58, v59;
	v0 =	vadd.s32 v24, v0;
	v3 =	vadd.s32 v27, v41  }
0x88: {  	v57 =	vld [tilespmem:$0x8F0];
	v5 =	vadd.s32 v31, v5;
	v6 =	vadd.s32 v35, v6;
	v3 =	vshll.u32 v3, $0x4  }
0x89: {  	v53 =	vld [tilespmem:$0x8E0];
	v54 =	vadd.s32 v39, v1;
	v5 =	vshll.u32 v5, $0x4;
	[tilespmem:$0x90] =	vst v0;
	v3 =	vadd.s32 v28, v3  }
0x8a: {  	v1 =	vadd.s32 v55, v56;
	v6 =	vshll.u32 v6, $0x4;
	v5 =	vadd.s32 v32, v5;
	[tilespmem:$0xA0] =	vst v3  }
0x8b: {  	v2 =	vadd.s32 v52, v2;
	v0 =	vshll.u32 v54, $0x4;
	v6 =	vadd.s32 v36, v6;
	[tilespmem:$0xB0] =	vst v5  }
0x8c: {  	v1 =	vadd.s32 v50, v1;
	v61 =	vshll.u32 v2, $0x4;
	v0 =	vadd.s32 v40, v0;
	[tilespmem:$0xC0] =	vst v6  }
0x8d: {  	v1 =	vshll.u32 v1, $0x4;
	v62 =	vadd.s32 v57, v61;
	[tilespmem:$0xD0] =	vst v0  }
0x8e: {  	v60 =	vadd.s32 v53, v1;
	[tilespmem:$0xF0] =	vst v62  }
0x8f: {  	[tilespmem:$0xE0] =	vst v60  }
0x90: {  	[tilespmem:s18], [sflag:$0x2] =	stream.indirect.gather [hbm4b:s0+s15], $0x80, s15, s15, $0xb8;
	[tilespmem:$0x13000] =	vst v63  }
0x91: {  	_ = 	snop  }
0x92: {  	[tilespmem:s19], [sflag:$0x4] =	stream.indirect.gather [hbm4b:s4+s15], $0x80, s15, s15, $0xb8;
	[tilespmem:$0x13000] =	vst v63  }
0x93: {  	_ =	swait.ge [sflag:s14], $0x4000  }
0x94: {  	[sflag:s14] =	ssyncset.done $0x0  }
0x95: {  	s8 =	rddreg [dreg:$0x11];
	[sflag:s14] =	ssyncadd.s32 $0xFFFFC000  }
0x96: {  	[hbm4b:s8+s3] =	stream.linear.scatter [tilespmem:s16], [sflag:$0x5], $0x4000, $0x38;
	[tilespmem:$0x13000] =	vst v63  }
0x97: {  	_ =	swait.ge [sflag:s20], $0x4000  }
0x98: {  	[sflag:s20] =	ssyncset.done $0x0  }
0x99: {  	s7 =	rddreg [dreg:$0x12];
	[sflag:s20] =	ssyncadd.s32 $0xFFFFC000  }
0x9a: {  	[hbm4b:s7+s3] =	stream.linear.scatter [tilespmem:s17], [sflag:$0x7], $0x4000, $0x38;
	[tilespmem:$0x13000] =	vst v63  }
0x9b: {  	v63 =	vld [tilespmem:$0x300]  }
0x9c: {  	v21 =	vld [tilespmem:$0x500]  }
0x9d: {  	v22 =	vld [tilespmem:$0x700]  }
0x9e: {  	v23 =	vld [tilespmem:$0x900]  }
0x9f: {  	v24 =	vld [tilespmem:$0x310]  }
0xa0: {  	v25 =	vld [tilespmem:$0x510]  }
0xa1: {  	v26 =	vld [tilespmem:$0x710]  }
0xa2: {  	v27 =	vld [tilespmem:$0x910]  }
0xa3: {  	v28 =	vld [tilespmem:$0x320]  }
0xa4: {  	v29 =	vld [tilespmem:$0x520]  }
0xa5: {  	v32 =	vld [tilespmem:$0x330]  }
0xa6: {  	v33 =	vld [tilespmem:$0x530]  }
0xa7: {  	v36 =	vld [tilespmem:$0x340]  }
0xa8: {  	v37 =	vld [tilespmem:$0x540]  }
0xa9: {  	v42 =	vld [tilespmem:$0x350]  }
0xaa: {  	v43 =	vld [tilespmem:$0x550]  }
0xab: {  	v49 =	vld [tilespmem:$0x360]  }
0xac: {  	v52 =	vld [tilespmem:$0x560]  }
0xad: {  	v55 =	vld [tilespmem:$0x370]  }
0xae: {  	v56 =	vld [tilespmem:$0x570];
	v0 =	vshll.u32 v63, $0x7  }
0xaf: {  	v30 =	vld [tilespmem:$0x720];
	v1 =	vshll.u32 v21, $0x4;
	v40 =	vshll.u32 v24, $0x7;
	v41 =	vshll.u32 v25, $0x4  }
0xb0: {  	v31 =	vld [tilespmem:$0x920];
	v45 =	vshll.u32 v28, $0x7;
	v46 =	vshll.u32 v29, $0x4;
	v50 =	vshll.u32 v32, $0x7  }
0xb1: {  	v34 =	vld [tilespmem:$0x730];
	v51 =	vshll.u32 v33, $0x4;
	v53 =	vshll.u32 v36, $0x7;
	v54 =	vshll.u32 v37, $0x4  }
0xb2: {  	v35 =	vld [tilespmem:$0x930];
	v5 =	vshll.u32 v42, $0x7;
	v2 =	vshll.u32 v43, $0x4;
	v63 =	vshll.u32 v49, $0x7  }
0xb3: {  	v38 =	vld [tilespmem:$0x740];
	v15 =	vshll.u32 v52, $0x4;
	v17 =	vshll.u32 v55, $0x7;
	v18 =	vshll.u32 v56, $0x4  }
0xb4: {  	v44 =	vld [tilespmem:$0x750];
	v0 =	vadd.s32 v0, v1;
	v1 =	vadd.s32 v40, v41;
	v48 =	vadd.s32 v45, v46  }
0xb5: {  	v39 =	vld [tilespmem:$0x940];
	v7 =	vadd.s32 v50, v51;
	v8 =	vadd.s32 v53, v54;
	v2 =	vadd.s32 v5, v2  }
0xb6: {  	v57 =	vld [tilespmem:$0x760];
	v21 =	vadd.s32 v17, v18;
	v0 =	vadd.s32 v22, v0;
	v1 =	vadd.s32 v26, v1  }
0xb7: {  	v58 =	vld [tilespmem:$0x770];
	v3 =	vadd.s32 v30, v48;
	v7 =	vadd.s32 v34, v7;
	v0 =	vshll.u32 v0, $0x4  }
0xb8: {  	v47 =	vld [tilespmem:$0x950];
	v8 =	vadd.s32 v38, v8;
	v1 =	vshll.u32 v1, $0x4;
	v0 =	vadd.s32 v23, v0  }
0xb9: {  	v16 =	vld [tilespmem:$0x970];
	v62 =	vadd.s32 v44, v2;
	v3 =	vshll.u32 v3, $0x4;
	v1 =	vadd.s32 v27, v1;
	[tilespmem:$0x100] =	vst v0  }
0xba: {  	v61 =	vld [tilespmem:$0x960];
	v2 =	vadd.s32 v63, v15;
	v7 =	vshll.u32 v7, $0x4;
	v3 =	vadd.s32 v31, v3;
	[tilespmem:$0x110] =	vst v1  }
0xbb: {  	v8 =	vshll.u32 v8, $0x4;
	v19 =	vshll.u32 v62, $0x4;
	v59 =	vadd.s32 v35, v7;
	[tilespmem:$0x120] =	vst v3  }
0xbc: {  	v20 =	vadd.s32 v57, v2;
	v2 =	vadd.s32 v58, v21;
	v60 =	vadd.s32 v39, v8;
	[tilespmem:$0x130] =	vst v59  }
0xbd: {  	v23 =	vshll.u32 v2, $0x4;
	[tilespmem:$0x140] =	vst v60;
	v0 =	vadd.s32 v47, v19  }
0xbe: {  	v1 =	vshll.u32 v20, $0x4;
	v24 =	vadd.s32 v16, v23;
	[tilespmem:$0x150] =	vst v0  }
0xbf: {  	v22 =	vadd.s32 v61, v1;
	[tilespmem:$0x170] =	vst v24  }
0xc0: {  	[tilespmem:$0x160] =	vst v22  }
0xc1: {  	_ =	swait.ge [sflag:s21], $0x4000  }
0xc2: {  	[sflag:s21] =	ssyncset.done $0x0  }
0xc3: {  	[sflag:s21] =	ssyncadd.s32 $0xFFFFC000  }
0xc4: {  	_ =	swait.ge [sflag:s22], $0x4000  }
0xc5: {  	[sflag:s22] =	ssyncset.done $0x0  }
0xc6: {  	[sflag:s22] =	ssyncadd.s32 $0xFFFFC000  }
0xc7: {  	[tilespmem:s16], [sflag:$0x1] =	stream.indirect.gather [hbm4b:s0+s15], $0x80, s23, s15, $0xb8;
	[tilespmem:$0x13000] =	vst v63  }
0xc8: {  	_ = 	snop  }
0xc9: {  	[tilespmem:s17], [sflag:$0x3] =	stream.indirect.gather [hbm4b:s4+s15], $0x80, s23, s15, $0xb8;
	[tilespmem:$0x13000] =	vst v63  }
0xca: {  	_ =	swait.ge [sflag:s24], $0x4000  }
0xcb: {  	[sflag:s24] =	ssyncset.done $0x0  }
0xcc: {  	s8 =	rddreg [dreg:$0x13];
	[sflag:s24] =	ssyncadd.s32 $0xFFFFC000  }
0xcd: {  	[hbm4b:s8+s3] =	stream.linear.scatter [tilespmem:s18], [sflag:$0x6], $0x4000, $0x38;
	[tilespmem:$0x13000] =	vst v63  }
0xce: {  	_ =	swait.ge [sflag:s25], $0x4000  }
0xcf: {  	[sflag:s25] =	ssyncset.done $0x0  }
0xd0: {  	s7 =	rddreg [dreg:$0x14];
	[sflag:s25] =	ssyncadd.s32 $0xFFFFC000  }
0xd1: {  	[hbm4b:s7+s3] =	stream.linear.scatter [tilespmem:s19], [sflag:$0x8], $0x4000, $0x38;
	[tilespmem:$0x13000] =	vst v63  }
0xd2: {  	v25 =	vld [tilespmem:$0x380]  }
0xd3: {  	v26 =	vld [tilespmem:$0x580]  }
0xd4: {  	v27 =	vld [tilespmem:$0x780]  }
0xd5: {  	v28 =	vld [tilespmem:$0x980]  }
0xd6: {  	v29 =	vld [tilespmem:$0x390]  }
0xd7: {  	v30 =	vld [tilespmem:$0x590]  }
0xd8: {  	v31 =	vld [tilespmem:$0x790]  }
0xd9: {  	v32 =	vld [tilespmem:$0x990]  }
0xda: {  	v33 =	vld [tilespmem:$0x3A0]  }
0xdb: {  	v34 =	vld [tilespmem:$0x5A0]  }
0xdc: {  	v37 =	vld [tilespmem:$0x3B0]  }
0xdd: {  	v38 =	vld [tilespmem:$0x5B0]  }
0xde: {  	v41 =	vld [tilespmem:$0x3C0]  }
0xdf: {  	v42 =	vld [tilespmem:$0x5C0]  }
0xe0: {  	v47 =	vld [tilespmem:$0x3D0]  }
0xe1: {  	v48 =	vld [tilespmem:$0x5D0]  }
0xe2: {  	v54 =	vld [tilespmem:$0x3E0]  }
0xe3: {  	v57 =	vld [tilespmem:$0x5E0]  }
0xe4: {  	v60 =	vld [tilespmem:$0x3F0]  }
0xe5: {  	v61 =	vld [tilespmem:$0x5F0];
	v0 =	vshll.u32 v25, $0x7;
	v1 =	vshll.u32 v26, $0x4  }
0xe6: {  	v35 =	vld [tilespmem:$0x7A0];
	v45 =	vshll.u32 v29, $0x7;
	v46 =	vshll.u32 v30, $0x4;
	v50 =	vshll.u32 v33, $0x7  }
0xe7: {  	v36 =	vld [tilespmem:$0x9A0];
	v51 =	vshll.u32 v34, $0x4;
	v55 =	vshll.u32 v37, $0x7;
	v56 =	vshll.u32 v38, $0x4  }
0xe8: {  	v39 =	vld [tilespmem:$0x7B0];
	v58 =	vshll.u32 v41, $0x7;
	v59 =	vshll.u32 v42, $0x4;
	v5 =	vshll.u32 v47, $0x7  }
0xe9: {  	v43 =	vld [tilespmem:$0x7C0];
	v2 =	vshll.u32 v48, $0x4;
	v19 =	vshll.u32 v54, $0x7;
	v20 =	vshll.u32 v57, $0x4  }
0xea: {  	v49 =	vld [tilespmem:$0x7D0];
	v22 =	vshll.u32 v60, $0x7;
	v23 =	vshll.u32 v61, $0x4;
	v0 =	vadd.s32 v0, v1  }
0xeb: {  	v40 =	vld [tilespmem:$0x9B0];
	v1 =	vadd.s32 v45, v46;
	v53 =	vadd.s32 v50, v51;
	v7 =	vadd.s32 v55, v56  }
0xec: {  	v62 =	vld [tilespmem:$0x7E0];
	v8 =	vadd.s32 v58, v59;
	v2 =	vadd.s32 v5, v2;
	v25 =	vadd.s32 v22, v23  }
0xed: {  	v63 =	vld [tilespmem:$0x7F0];
	v0 =	vadd.s32 v27, v0;
	v1 =	vadd.s32 v31, v1;
	v3 =	vadd.s32 v35, v53  }
0xee: {  	v44 =	vld [tilespmem:$0x9C0];
	v7 =	vadd.s32 v39, v7;
	v8 =	vadd.s32 v43, v8;
	v0 =	vshll.u32 v0, $0x4  }
0xef: {  	v21 =	vld [tilespmem:$0x9F0];
	v18 =	vadd.s32 v49, v2;
	v1 =	vshll.u32 v1, $0x4;
	v0 =	vadd.s32 v28, v0  }
0xf0: {  	v52 =	vld [tilespmem:$0x9D0];
	v2 =	vadd.s32 v19, v20;
	v3 =	vshll.u32 v3, $0x4;
	v1 =	vadd.s32 v32, v1;
	[tilespmem:$0x180] =	vst v0  }
0xf1: {  	v17 =	vld [tilespmem:$0x9E0];
	v7 =	vshll.u32 v7, $0x4;
	v8 =	vshll.u32 v8, $0x4;
	v3 =	vadd.s32 v36, v3;
	[tilespmem:$0x190] =	vst v1  }
0xf2: {  	v24 =	vadd.s32 v62, v2;
	v2 =	vadd.s32 v63, v25;
	v15 =	vadd.s32 v40, v7;
	[tilespmem:$0x1A0] =	vst v3  }
0xf3: {  	v16 =	vadd.s32 v44, v8;
	v26 =	vshll.u32 v2, $0x4;
	[tilespmem:$0x1B0] =	vst v15  }
0xf4: {  	v1 =	vshll.u32 v18, $0x4;
	[tilespmem:$0x1C0] =	vst v16;
	v27 =	vadd.s32 v21, v26  }
0xf5: {  	v0 =	vshll.u32 v24, $0x4;
	v1 =	vadd.s32 v52, v1;
	[tilespmem:$0x1F0] =	vst v27  }
0xf6: {  	v0 =	vadd.s32 v17, v0;
	[tilespmem:$0x1D0] =	vst v1  }
0xf7: {  	[tilespmem:$0x1E0] =	vst v0  }
0xf8: {  	_ =	swait.ge [sflag:s26], $0x4000  }
0xf9: {  	[sflag:s26] =	ssyncset.done $0x0  }
0xfa: {  	[sflag:s26] =	ssyncadd.s32 $0xFFFFC000  }
0xfb: {  	_ =	swait.ge [sflag:s28], $0x4000  }
0xfc: {  	[sflag:s28] =	ssyncset.done $0x0  }
0xfd: {  	[sflag:s28] =	ssyncadd.s32 $0xFFFFC000  }
0xfe: {  	[tilespmem:s18], [sflag:$0x2] =	stream.indirect.gather [hbm4b:s0+s15], $0x80, s29, s15, $0xb8;
	[tilespmem:$0x13000] =	vst v63  }
0xff: {  	_ = 	snop  }
0x100: {  	[tilespmem:s19], [sflag:$0x4] =	stream.indirect.gather [hbm4b:s4+s15], $0x80, s29, s15, $0xb8;
	[tilespmem:$0x13000] =	vst v63  }
0x101: {  	_ =	swait.ge [sflag:s14], $0x4000  }
0x102: {  	[sflag:s14] =	ssyncset.done $0x0  }
0x103: {  	s8 =	rddreg [dreg:$0x15];
	[sflag:s14] =	ssyncadd.s32 $0xFFFFC000  }
0x104: {  	[hbm4b:s8+s3] =	stream.linear.scatter [tilespmem:s16], [sflag:$0x5], $0x4000, $0x38;
	[tilespmem:$0x13000] =	vst v63  }
0x105: {  	_ =	swait.ge [sflag:s20], $0x4000  }
0x106: {  	[sflag:s20] =	ssyncset.done $0x0  }
0x107: {  	s7 =	rddreg [dreg:$0x16];
	[sflag:s20] =	ssyncadd.s32 $0xFFFFC000  }
0x108: {  	[hbm4b:s7+s3] =	stream.linear.scatter [tilespmem:s17], [sflag:$0x7], $0x4000, $0x38;
	[tilespmem:$0x13000] =	vst v63  }
0x109: {  	_ =	swait.ge [sflag:s24], $0x4000  }
0x10a: {  	[sflag:s24] =	ssyncset.done $0x0  }
0x10b: {  	s8 =	rddreg [dreg:$0x17];
	[sflag:s24] =	ssyncadd.s32 $0xFFFFC000  }
0x10c: {  	[hbm4b:s8+s3] =	stream.linear.scatter [tilespmem:s18], [sflag:$0x6], $0x4000, $0x38;
	[tilespmem:$0x13000] =	vst v63  }
0x10d: {  	_ =	swait.ge [sflag:s25], $0x4000  }
0x10e: {  	[sflag:s25] =	ssyncset.done $0x0  }
0x10f: {  	s7 =	rddreg [dreg:$0x18];
	[sflag:s25] =	ssyncadd.s32 $0xFFFFC000  }
0x110: {  	[hbm4b:s7+s3] =	stream.linear.scatter [tilespmem:s19], [sflag:$0x8], $0x4000, $0x38;
	[tilespmem:$0x13000] =	vst v63  }
0x111: {  	_ =	swait.ge [sflag:s20], $0x200  }
0x112: {  	[sflag:s20] =	ssyncset.done $0x0  }
0x113: {  	[sflag:s20] =	ssyncadd.s32 $0xFFFFFE00  }
0x114: {  	_ =	swait.ge [sflag:s20], $0x1000  }
0x115: {  	[sflag:s20] =	ssyncset.done $0x0  }
0x116: {  	[sflag:s20] =	ssyncadd.s32 $0xFFFFF000  }
0x117: {  	_ =	swait.ge [sflag:s20], $0x1000  }
0x118: {  	[sflag:s20] =	ssyncset.done $0x0  }
0x119: {  	[sflag:s20] =	ssyncadd.s32 $0xFFFFF000  }
0x11a: {  	v28 =	vld [tilespmem:$0x0];
	_ =	sdelay $0x6  }
0x11b: {  	v30 =	vld [tilespmem:$0xA00]  }
0x11c: {  	v29 =	vld.idx.msk [tilespmem:v28+s12+$0x0], $0xffff;
	_ =	sdelay $0x4  }
0x11d: {  	v1 =	vadd.f32 v30, v29;
	_ =	sdelay $0x1  }
0x11e: {  	[tilespmem:$0x2C00] =	vst v1  }
0x11f: {  	v0 =	vld.idx.msk [tilespmem:v28+s13+$0x0], $0xffff;
	_ =	sdelay $0x4  }
0x120: {  	v0 =	vsub.f32 $0.0e+00, v0;
	_ =	sdelay $0x1  }
0x121: {  	v0 =	vmul.f32 $1.442695020e+00, v0;
	_ =	sdelay $0x1  }
0x122: {  	(erf) = vpow2.f32 v0;
	_ =	sdelay $0x8  }
0x123: {  	v0 =	vpop (erf)  }
0x124: {  	v0 =	vadd.f32 $1.000000000e+00, v0;
	_ =	sdelay $0x1  }
0x125: {  	(erf) = vrcp.f32 v0;
	_ =	sdelay $0x2  }
0x126: {  	v31 =	vld [tilespmem:$0x10];
	_ =	sdelay $0x5  }
0x127: {  	v32 =	vpop (erf)  }
0x128: {  	v33 =	vld [tilespmem:$0xA10];
	[tilespmem:$0x2E00] =	vst v32  }
0x129: {  	v1 =	vld.idx.msk [tilespmem:v31+s12+$0x0], $0xffff;
	_ =	sdelay $0x4  }
0x12a: {  	v1 =	vadd.f32 v33, v1;
	_ =	sdelay $0x1  }
0x12b: {  	[tilespmem:$0x2C10] =	vst v1  }
0x12c: {  	v0 =	vld.idx.msk [tilespmem:v31+s13+$0x0], $0xffff;
	_ =	sdelay $0x4  }
0x12d: {  	v0 =	vsub.f32 $0.0e+00, v0;
	_ =	sdelay $0x1  }
0x12e: {  	v0 =	vmul.f32 $1.442695020e+00, v0;
	_ =	sdelay $0x1  }
0x12f: {  	(erf) = vpow2.f32 v0;
	_ =	sdelay $0x8  }
0x130: {  	v0 =	vpop (erf)  }
0x131: {  	v0 =	vadd.f32 $1.000000000e+00, v0;
	_ =	sdelay $0x1  }
0x132: {  	(erf) = vrcp.f32 v0;
	_ =	sdelay $0x2  }
0x133: {  	v34 =	vld [tilespmem:$0x20];
	_ =	sdelay $0x5  }
0x134: {  	v35 =	vpop (erf)  }
0x135: {  	v36 =	vld [tilespmem:$0xA20];
	[tilespmem:$0x2E10] =	vst v35  }
0x136: {  	v1 =	vld.idx.msk [tilespmem:v34+s12+$0x0], $0xffff;
	_ =	sdelay $0x4  }
0x137: {  	v1 =	vadd.f32 v36, v1;
	_ =	sdelay $0x1  }
0x138: {  	[tilespmem:$0x2C20] =	vst v1  }
0x139: {  	v0 =	vld.idx.msk [tilespmem:v34+s13+$0x0], $0xffff;
	_ =	sdelay $0x4  }
0x13a: {  	v0 =	vsub.f32 $0.0e+00, v0;
	_ =	sdelay $0x1  }
0x13b: {  	v0 =	vmul.f32 $1.442695020e+00, v0;
	_ =	sdelay $0x1  }
0x13c: {  	(erf) = vpow2.f32 v0;
	_ =	sdelay $0x8  }
0x13d: {  	v0 =	vpop (erf)  }
0x13e: {  	v0 =	vadd.f32 $1.000000000e+00, v0;
	_ =	sdelay $0x1  }
0x13f: {  	(erf) = vrcp.f32 v0;
	_ =	sdelay $0x2  }
0x140: {  	v37 =	vld [tilespmem:$0x30];
	_ =	sdelay $0x5  }
0x141: {  	v38 =	vpop (erf)  }
0x142: {  	v39 =	vld [tilespmem:$0xA30];
	[tilespmem:$0x2E20] =	vst v38  }
0x143: {  	v1 =	vld.idx.msk [tilespmem:v37+s12+$0x0], $0xffff;
	_ =	sdelay $0x4  }
0x144: {  	v1 =	vadd.f32 v39, v1;
	_ =	sdelay $0x1  }
0x145: {  	[tilespmem:$0x2C30] =	vst v1  }
0x146: {  	v0 =	vld.idx.msk [tilespmem:v37+s13+$0x0], $0xffff;
	_ =	sdelay $0x4  }
0x147: {  	v0 =	vsub.f32 $0.0e+00, v0;
	_ =	sdelay $0x1  }
0x148: {  	v0 =	vmul.f32 $1.442695020e+00, v0;
	_ =	sdelay $0x1  }
0x149: {  	(erf) = vpow2.f32 v0;
	_ =	sdelay $0x8  }
0x14a: {  	v0 =	vpop (erf)  }
0x14b: {  	v0 =	vadd.f32 $1.000000000e+00, v0;
	_ =	sdelay $0x1  }
0x14c: {  	(erf) = vrcp.f32 v0;
	_ =	sdelay $0x2  }
0x14d: {  	v40 =	vld [tilespmem:$0x40];
	_ =	sdelay $0x5  }
0x14e: {  	v41 =	vpop (erf)  }
0x14f: {  	v42 =	vld [tilespmem:$0xA40];
	[tilespmem:$0x2E30] =	vst v41  }
0x150: {  	v1 =	vld.idx.msk [tilespmem:v40+s12+$0x0], $0xffff;
	_ =	sdelay $0x4  }
0x151: {  	v1 =	vadd.f32 v42, v1;
	_ =	sdelay $0x1  }
0x152: {  	[tilespmem:$0x2C40] =	vst v1  }
0x153: {  	v0 =	vld.idx.msk [tilespmem:v40+s13+$0x0], $0xffff;
	_ =	sdelay $0x4  }
0x154: {  	v0 =	vsub.f32 $0.0e+00, v0;
	_ =	sdelay $0x1  }
0x155: {  	v0 =	vmul.f32 $1.442695020e+00, v0;
	_ =	sdelay $0x1  }
0x156: {  	(erf) = vpow2.f32 v0;
	_ =	sdelay $0x8  }
0x157: {  	v0 =	vpop (erf)  }
0x158: {  	v0 =	vadd.f32 $1.000000000e+00, v0;
	_ =	sdelay $0x1  }
0x159: {  	(erf) = vrcp.f32 v0;
	_ =	sdelay $0x2  }
0x15a: {  	v43 =	vld [tilespmem:$0x50];
	_ =	sdelay $0x5  }
0x15b: {  	v44 =	vpop (erf)  }
0x15c: {  	v45 =	vld [tilespmem:$0xA50];
	[tilespmem:$0x2E40] =	vst v44  }
0x15d: {  	v1 =	vld.idx.msk [tilespmem:v43+s12+$0x0], $0xffff;
	_ =	sdelay $0x4  }
0x15e: {  	v1 =	vadd.f32 v45, v1;
	_ =	sdelay $0x1  }
0x15f: {  	[tilespmem:$0x2C50] =	vst v1  }
0x160: {  	v0 =	vld.idx.msk [tilespmem:v43+s13+$0x0], $0xffff;
	_ =	sdelay $0x4  }
0x161: {  	v0 =	vsub.f32 $0.0e+00, v0;
	_ =	sdelay $0x1  }
0x162: {  	v0 =	vmul.f32 $1.442695020e+00, v0;
	_ =	sdelay $0x1  }
0x163: {  	(erf) = vpow2.f32 v0;
	_ =	sdelay $0x8  }
0x164: {  	v0 =	vpop (erf)  }
0x165: {  	v0 =	vadd.f32 $1.000000000e+00, v0;
	_ =	sdelay $0x1  }
0x166: {  	(erf) = vrcp.f32 v0;
	_ =	sdelay $0x2  }
0x167: {  	v46 =	vld [tilespmem:$0x60];
	_ =	sdelay $0x5  }
0x168: {  	v47 =	vpop (erf)  }
0x169: {  	v48 =	vld [tilespmem:$0xA60];
	[tilespmem:$0x2E50] =	vst v47  }
0x16a: {  	v1 =	vld.idx.msk [tilespmem:v46+s12+$0x0], $0xffff;
	_ =	sdelay $0x4  }
0x16b: {  	v1 =	vadd.f32 v48, v1;
	_ =	sdelay $0x1  }
0x16c: {  	[tilespmem:$0x2C60] =	vst v1  }
0x16d: {  	v0 =	vld.idx.msk [tilespmem:v46+s13+$0x0], $0xffff;
	_ =	sdelay $0x4  }
0x16e: {  	v0 =	vsub.f32 $0.0e+00, v0;
	_ =	sdelay $0x1  }
0x16f: {  	v0 =	vmul.f32 $1.442695020e+00, v0;
	_ =	sdelay $0x1  }
0x170: {  	(erf) = vpow2.f32 v0;
	_ =	sdelay $0x8  }
0x171: {  	v0 =	vpop (erf)  }
0x172: {  	v0 =	vadd.f32 $1.000000000e+00, v0;
	_ =	sdelay $0x1  }
0x173: {  	(erf) = vrcp.f32 v0;
	_ =	sdelay $0x2  }
0x174: {  	v49 =	vld [tilespmem:$0x70];
	_ =	sdelay $0x5  }
0x175: {  	v50 =	vpop (erf)  }
0x176: {  	v51 =	vld [tilespmem:$0xA70];
	[tilespmem:$0x2E60] =	vst v50  }
0x177: {  	v1 =	vld.idx.msk [tilespmem:v49+s12+$0x0], $0xffff;
	_ =	sdelay $0x4  }
0x178: {  	v1 =	vadd.f32 v51, v1;
	_ =	sdelay $0x1  }
0x179: {  	[tilespmem:$0x2C70] =	vst v1  }
0x17a: {  	v0 =	vld.idx.msk [tilespmem:v49+s13+$0x0], $0xffff;
	_ =	sdelay $0x4  }
0x17b: {  	v0 =	vsub.f32 $0.0e+00, v0;
	_ =	sdelay $0x1  }
0x17c: {  	v0 =	vmul.f32 $1.442695020e+00, v0;
	_ =	sdelay $0x1  }
0x17d: {  	(erf) = vpow2.f32 v0;
	_ =	sdelay $0x8  }
0x17e: {  	v0 =	vpop (erf)  }
0x17f: {  	v0 =	vadd.f32 $1.000000000e+00, v0;
	_ =	sdelay $0x1  }
0x180: {  	(erf) = vrcp.f32 v0;
	_ =	sdelay $0x2  }
0x181: {  	v52 =	vld [tilespmem:$0x80];
	_ =	sdelay $0x5  }
0x182: {  	v53 =	vpop (erf)  }
0x183: {  	v54 =	vld [tilespmem:$0xA80];
	[tilespmem:$0x2E70] =	vst v53  }
0x184: {  	v1 =	vld.idx.msk [tilespmem:v52+s12+$0x0], $0xffff;
	_ =	sdelay $0x4  }
0x185: {  	v1 =	vadd.f32 v54, v1;
	_ =	sdelay $0x1  }
0x186: {  	[tilespmem:$0x2C80] =	vst v1  }
0x187: {  	v0 =	vld.idx.msk [tilespmem:v52+s13+$0x0], $0xffff;
	_ =	sdelay $0x4  }
0x188: {  	v0 =	vsub.f32 $0.0e+00, v0;
	_ =	sdelay $0x1  }
0x189: {  	v0 =	vmul.f32 $1.442695020e+00, v0;
	_ =	sdelay $0x1  }
0x18a: {  	(erf) = vpow2.f32 v0;
	_ =	sdelay $0x8  }
0x18b: {  	v0 =	vpop (erf)  }
0x18c: {  	v0 =	vadd.f32 $1.000000000e+00, v0;
	_ =	sdelay $0x1  }
0x18d: {  	(erf) = vrcp.f32 v0;
	_ =	sdelay $0x2  }
0x18e: {  	v55 =	vld [tilespmem:$0x90];
	_ =	sdelay $0x5  }
0x18f: {  	v56 =	vpop (erf)  }
0x190: {  	v57 =	vld [tilespmem:$0xA90];
	[tilespmem:$0x2E80] =	vst v56  }
0x191: {  	v1 =	vld.idx.msk [tilespmem:v55+s12+$0x0], $0xffff;
	_ =	sdelay $0x4  }
0x192: {  	v1 =	vadd.f32 v57, v1;
	_ =	sdelay $0x1  }
0x193: {  	[tilespmem:$0x2C90] =	vst v1  }
0x194: {  	v0 =	vld.idx.msk [tilespmem:v55+s13+$0x0], $0xffff;
	_ =	sdelay $0x4  }
0x195: {  	v0 =	vsub.f32 $0.0e+00, v0;
	_ =	sdelay $0x1  }
0x196: {  	v0 =	vmul.f32 $1.442695020e+00, v0;
	_ =	sdelay $0x1  }
0x197: {  	(erf) = vpow2.f32 v0;
	_ =	sdelay $0x8  }
0x198: {  	v0 =	vpop (erf)  }
0x199: {  	v0 =	vadd.f32 $1.000000000e+00, v0;
	_ =	sdelay $0x1  }
0x19a: {  	(erf) = vrcp.f32 v0;
	_ =	sdelay $0x2  }
0x19b: {  	v58 =	vld [tilespmem:$0xA0];
	_ =	sdelay $0x5  }
0x19c: {  	v59 =	vpop (erf)  }
0x19d: {  	v60 =	vld [tilespmem:$0xAA0];
	[tilespmem:$0x2E90] =	vst v59  }
0x19e: {  	v1 =	vld.idx.msk [tilespmem:v58+s12+$0x0], $0xffff;
	_ =	sdelay $0x4  }
0x19f: {  	v1 =	vadd.f32 v60, v1;
	_ =	sdelay $0x1  }
0x1a0: {  	[tilespmem:$0x2CA0] =	vst v1  }
0x1a1: {  	v0 =	vld.idx.msk [tilespmem:v58+s13+$0x0], $0xffff;
	_ =	sdelay $0x4  }
0x1a2: {  	v0 =	vsub.f32 $0.0e+00, v0;
	_ =	sdelay $0x1  }
0x1a3: {  	v0 =	vmul.f32 $1.442695020e+00, v0;
	_ =	sdelay $0x1  }
0x1a4: {  	(erf) = vpow2.f32 v0;
	_ =	sdelay $0x8  }
0x1a5: {  	v0 =	vpop (erf)  }
0x1a6: {  	v0 =	vadd.f32 $1.000000000e+00, v0;
	_ =	sdelay $0x1  }
0x1a7: {  	(erf) = vrcp.f32 v0;
	_ =	sdelay $0x2  }
0x1a8: {  	v61 =	vld [tilespmem:$0xB0];
	_ =	sdelay $0x5  }
0x1a9: {  	v62 =	vpop (erf)  }
0x1aa: {  	v63 =	vld [tilespmem:$0xAB0];
	[tilespmem:$0x2EA0] =	vst v62  }
0x1ab: {  	v1 =	vld.idx.msk [tilespmem:v61+s12+$0x0], $0xffff;
	_ =	sdelay $0x4  }
0x1ac: {  	v1 =	vadd.f32 v63, v1;
	_ =	sdelay $0x1  }
0x1ad: {  	[tilespmem:$0x2CB0] =	vst v1  }
0x1ae: {  	v0 =	vld.idx.msk [tilespmem:v61+s13+$0x0], $0xffff;
	_ =	sdelay $0x4  }
0x1af: {  	v0 =	vsub.f32 $0.0e+00, v0;
	_ =	sdelay $0x1  }
0x1b0: {  	v0 =	vmul.f32 $1.442695020e+00, v0;
	_ =	sdelay $0x1  }
0x1b1: {  	(erf) = vpow2.f32 v0;
	_ =	sdelay $0x8  }
0x1b2: {  	v0 =	vpop (erf)  }
0x1b3: {  	v0 =	vadd.f32 $1.000000000e+00, v0;
	_ =	sdelay $0x1  }
0x1b4: {  	(erf) = vrcp.f32 v0;
	_ =	sdelay $0x2  }
0x1b5: {  	v4 =	vld [tilespmem:$0xC0];
	_ =	sdelay $0x5  }
0x1b6: {  	v5 =	vpop (erf)  }
0x1b7: {  	v6 =	vld [tilespmem:$0xAC0];
	[tilespmem:$0x2EB0] =	vst v5  }
0x1b8: {  	v1 =	vld.idx.msk [tilespmem:v4+s12+$0x0], $0xffff;
	_ =	sdelay $0x4  }
0x1b9: {  	v1 =	vadd.f32 v6, v1;
	_ =	sdelay $0x1  }
0x1ba: {  	[tilespmem:$0x2CC0] =	vst v1  }
0x1bb: {  	v0 =	vld.idx.msk [tilespmem:v4+s13+$0x0], $0xffff;
	_ =	sdelay $0x4  }
0x1bc: {  	v0 =	vsub.f32 $0.0e+00, v0;
	_ =	sdelay $0x1  }
0x1bd: {  	v0 =	vmul.f32 $1.442695020e+00, v0;
	_ =	sdelay $0x1  }
0x1be: {  	(erf) = vpow2.f32 v0;
	_ =	sdelay $0x8  }
0x1bf: {  	v0 =	vpop (erf)  }
0x1c0: {  	v0 =	vadd.f32 $1.000000000e+00, v0;
	_ =	sdelay $0x1  }
0x1c1: {  	(erf) = vrcp.f32 v0;
	_ =	sdelay $0x2  }
0x1c2: {  	v7 =	vld [tilespmem:$0xD0];
	_ =	sdelay $0x5  }
0x1c3: {  	v8 =	vpop (erf)  }
0x1c4: {  	v9 =	vld [tilespmem:$0xAD0];
	[tilespmem:$0x2EC0] =	vst v8  }
0x1c5: {  	v1 =	vld.idx.msk [tilespmem:v7+s12+$0x0], $0xffff;
	_ =	sdelay $0x4  }
0x1c6: {  	v1 =	vadd.f32 v9, v1;
	_ =	sdelay $0x1  }
0x1c7: {  	[tilespmem:$0x2CD0] =	vst v1  }
0x1c8: {  	v0 =	vld.idx.msk [tilespmem:v7+s13+$0x0], $0xffff;
	_ =	sdelay $0x4  }
0x1c9: {  	v0 =	vsub.f32 $0.0e+00, v0;
	_ =	sdelay $0x1  }
0x1ca: {  	v0 =	vmul.f32 $1.442695020e+00, v0;
	_ =	sdelay $0x1  }
0x1cb: {  	(erf) = vpow2.f32 v0;
	_ =	sdelay $0x8  }
0x1cc: {  	v0 =	vpop (erf)  }
0x1cd: {  	v0 =	vadd.f32 $1.000000000e+00, v0;
	_ =	sdelay $0x1  }
0x1ce: {  	(erf) = vrcp.f32 v0;
	_ =	sdelay $0x2  }
0x1cf: {  	v10 =	vld [tilespmem:$0xE0];
	_ =	sdelay $0x5  }
0x1d0: {  	v11 =	vpop (erf)  }
0x1d1: {  	v12 =	vld [tilespmem:$0xAE0];
	[tilespmem:$0x2ED0] =	vst v11  }
0x1d2: {  	v1 =	vld.idx.msk [tilespmem:v10+s12+$0x0], $0xffff;
	_ =	sdelay $0x4  }
0x1d3: {  	v1 =	vadd.f32 v12, v1;
	_ =	sdelay $0x1  }
0x1d4: {  	[tilespmem:$0x2CE0] =	vst v1  }
0x1d5: {  	v0 =	vld.idx.msk [tilespmem:v10+s13+$0x0], $0xffff;
	_ =	sdelay $0x4  }
0x1d6: {  	v0 =	vsub.f32 $0.0e+00, v0;
	_ =	sdelay $0x1  }
0x1d7: {  	v0 =	vmul.f32 $1.442695020e+00, v0;
	_ =	sdelay $0x1  }
0x1d8: {  	(erf) = vpow2.f32 v0;
	_ =	sdelay $0x8  }
0x1d9: {  	v0 =	vpop (erf)  }
0x1da: {  	v0 =	vadd.f32 $1.000000000e+00, v0;
	_ =	sdelay $0x1  }
0x1db: {  	(erf) = vrcp.f32 v0;
	_ =	sdelay $0x2  }
0x1dc: {  	v13 =	vld [tilespmem:$0xF0];
	_ =	sdelay $0x5  }
0x1dd: {  	v14 =	vpop (erf)  }
0x1de: {  	v15 =	vld [tilespmem:$0xAF0];
	[tilespmem:$0x2EE0] =	vst v14  }
0x1df: {  	v1 =	vld.idx.msk [tilespmem:v13+s12+$0x0], $0xffff;
	_ =	sdelay $0x4  }
0x1e0: {  	v1 =	vadd.f32 v15, v1;
	_ =	sdelay $0x1  }
0x1e1: {  	[tilespmem:$0x2CF0] =	vst v1  }
0x1e2: {  	v0 =	vld.idx.msk [tilespmem:v13+s13+$0x0], $0xffff;
	_ =	sdelay $0x4  }
0x1e3: {  	v0 =	vsub.f32 $0.0e+00, v0;
	_ =	sdelay $0x1  }
0x1e4: {  	v0 =	vmul.f32 $1.442695020e+00, v0;
	_ =	sdelay $0x1  }
0x1e5: {  	(erf) = vpow2.f32 v0;
	_ =	sdelay $0x8  }
0x1e6: {  	v0 =	vpop (erf)  }
0x1e7: {  	v0 =	vadd.f32 $1.000000000e+00, v0;
	_ =	sdelay $0x1  }
0x1e8: {  	(erf) = vrcp.f32 v0;
	_ =	sdelay $0x2  }
0x1e9: {  	v16 =	vld [tilespmem:$0x100];
	_ =	sdelay $0x5  }
0x1ea: {  	v17 =	vpop (erf)  }
0x1eb: {  	v18 =	vld [tilespmem:$0xB00];
	[tilespmem:$0x2EF0] =	vst v17  }
0x1ec: {  	v1 =	vld.idx.msk [tilespmem:v16+s12+$0x0], $0xffff;
	_ =	sdelay $0x4  }
0x1ed: {  	v1 =	vadd.f32 v18, v1;
	_ =	sdelay $0x1  }
0x1ee: {  	[tilespmem:$0x2D00] =	vst v1  }
0x1ef: {  	v0 =	vld.idx.msk [tilespmem:v16+s13+$0x0], $0xffff;
	_ =	sdelay $0x4  }
0x1f0: {  	v0 =	vsub.f32 $0.0e+00, v0;
	_ =	sdelay $0x1  }
0x1f1: {  	v0 =	vmul.f32 $1.442695020e+00, v0;
	_ =	sdelay $0x1  }
0x1f2: {  	(erf) = vpow2.f32 v0;
	_ =	sdelay $0x8  }
0x1f3: {  	v0 =	vpop (erf)  }
0x1f4: {  	v0 =	vadd.f32 $1.000000000e+00, v0;
	_ =	sdelay $0x1  }
0x1f5: {  	(erf) = vrcp.f32 v0;
	_ =	sdelay $0x2  }
0x1f6: {  	v19 =	vld [tilespmem:$0x110];
	_ =	sdelay $0x5  }
0x1f7: {  	v20 =	vpop (erf)  }
0x1f8: {  	v21 =	vld [tilespmem:$0xB10];
	[tilespmem:$0x2F00] =	vst v20  }
0x1f9: {  	v1 =	vld.idx.msk [tilespmem:v19+s12+$0x0], $0xffff;
	_ =	sdelay $0x4  }
0x1fa: {  	v1 =	vadd.f32 v21, v1;
	_ =	sdelay $0x1  }
0x1fb: {  	[tilespmem:$0x2D10] =	vst v1  }
0x1fc: {  	v0 =	vld.idx.msk [tilespmem:v19+s13+$0x0], $0xffff;
	_ =	sdelay $0x4  }
0x1fd: {  	v0 =	vsub.f32 $0.0e+00, v0;
	_ =	sdelay $0x1  }
0x1fe: {  	v0 =	vmul.f32 $1.442695020e+00, v0;
	_ =	sdelay $0x1  }
0x1ff: {  	(erf) = vpow2.f32 v0;
	_ =	sdelay $0x8  }
0x200: {  	v0 =	vpop (erf)  }
0x201: {  	v0 =	vadd.f32 $1.000000000e+00, v0;
	_ =	sdelay $0x1  }
0x202: {  	(erf) = vrcp.f32 v0;
	_ =	sdelay $0x2  }
0x203: {  	v22 =	vld [tilespmem:$0x120];
	_ =	sdelay $0x5  }
0x204: {  	v23 =	vpop (erf)  }
0x205: {  	v24 =	vld [tilespmem:$0xB20];
	[tilespmem:$0x2F10] =	vst v23  }
0x206: {  	v1 =	vld.idx.msk [tilespmem:v22+s12+$0x0], $0xffff;
	_ =	sdelay $0x4  }
0x207: {  	v1 =	vadd.f32 v24, v1;
	_ =	sdelay $0x1  }
0x208: {  	[tilespmem:$0x2D20] =	vst v1  }
0x209: {  	v0 =	vld.idx.msk [tilespmem:v22+s13+$0x0], $0xffff;
	_ =	sdelay $0x4  }
0x20a: {  	v0 =	vsub.f32 $0.0e+00, v0;
	_ =	sdelay $0x1  }
0x20b: {  	v0 =	vmul.f32 $1.442695020e+00, v0;
	_ =	sdelay $0x1  }
0x20c: {  	(erf) = vpow2.f32 v0;
	_ =	sdelay $0x8  }
0x20d: {  	v0 =	vpop (erf)  }
0x20e: {  	v0 =	vadd.f32 $1.000000000e+00, v0;
	_ =	sdelay $0x1  }
0x20f: {  	(erf) = vrcp.f32 v0;
	_ =	sdelay $0x2  }
0x210: {  	v25 =	vld [tilespmem:$0x130];
	_ =	sdelay $0x5  }
0x211: {  	v26 =	vpop (erf)  }
0x212: {  	v27 =	vld [tilespmem:$0xB30];
	[tilespmem:$0x2F20] =	vst v26  }
0x213: {  	v1 =	vld.idx.msk [tilespmem:v25+s12+$0x0], $0xffff;
	_ =	sdelay $0x4  }
0x214: {  	v1 =	vadd.f32 v27, v1;
	_ =	sdelay $0x1  }
0x215: {  	[tilespmem:$0x2D30] =	vst v1  }
0x216: {  	v0 =	vld.idx.msk [tilespmem:v25+s13+$0x0], $0xffff;
	_ =	sdelay $0x4  }
0x217: {  	v0 =	vsub.f32 $0.0e+00, v0;
	_ =	sdelay $0x1  }
0x218: {  	v0 =	vmul.f32 $1.442695020e+00, v0;
	_ =	sdelay $0x1  }
0x219: {  	(erf) = vpow2.f32 v0;
	_ =	sdelay $0x8  }
0x21a: {  	v0 =	vpop (erf)  }
0x21b: {  	v0 =	vadd.f32 $1.000000000e+00, v0;
	_ =	sdelay $0x1  }
0x21c: {  	(erf) = vrcp.f32 v0;
	_ =	sdelay $0x2  }
0x21d: {  	v28 =	vld [tilespmem:$0x140];
	_ =	sdelay $0x5  }
0x21e: {  	v29 =	vpop (erf)  }
0x21f: {  	v30 =	vld [tilespmem:$0xB40];
	[tilespmem:$0x2F30] =	vst v29  }
0x220: {  	v1 =	vld.idx.msk [tilespmem:v28+s12+$0x0], $0xffff;
	_ =	sdelay $0x4  }
0x221: {  	v1 =	vadd.f32 v30, v1;
	_ =	sdelay $0x1  }
0x222: {  	[tilespmem:$0x2D40] =	vst v1  }
0x223: {  	v0 =	vld.idx.msk [tilespmem:v28+s13+$0x0], $0xffff;
	_ =	sdelay $0x4  }
0x224: {  	v0 =	vsub.f32 $0.0e+00, v0;
	_ =	sdelay $0x1  }
0x225: {  	v0 =	vmul.f32 $1.442695020e+00, v0;
	_ =	sdelay $0x1  }
0x226: {  	(erf) = vpow2.f32 v0;
	_ =	sdelay $0x8  }
0x227: {  	v0 =	vpop (erf)  }
0x228: {  	v0 =	vadd.f32 $1.000000000e+00, v0;
	_ =	sdelay $0x1  }
0x229: {  	(erf) = vrcp.f32 v0;
	_ =	sdelay $0x2  }
0x22a: {  	v31 =	vld [tilespmem:$0x150];
	_ =	sdelay $0x5  }
0x22b: {  	v32 =	vpop (erf)  }
0x22c: {  	v33 =	vld [tilespmem:$0xB50];
	[tilespmem:$0x2F40] =	vst v32  }
0x22d: {  	v1 =	vld.idx.msk [tilespmem:v31+s12+$0x0], $0xffff;
	_ =	sdelay $0x4  }
0x22e: {  	v1 =	vadd.f32 v33, v1;
	_ =	sdelay $0x1  }
0x22f: {  	[tilespmem:$0x2D50] =	vst v1  }
0x230: {  	v0 =	vld.idx.msk [tilespmem:v31+s13+$0x0], $0xffff;
	_ =	sdelay $0x4  }
0x231: {  	v0 =	vsub.f32 $0.0e+00, v0;
	_ =	sdelay $0x1  }
0x232: {  	v0 =	vmul.f32 $1.442695020e+00, v0;
	_ =	sdelay $0x1  }
0x233: {  	(erf) = vpow2.f32 v0;
	_ =	sdelay $0x8  }
0x234: {  	v0 =	vpop (erf)  }
0x235: {  	v0 =	vadd.f32 $1.000000000e+00, v0;
	_ =	sdelay $0x1  }
0x236: {  	(erf) = vrcp.f32 v0;
	_ =	sdelay $0x2  }
0x237: {  	v34 =	vld [tilespmem:$0x160];
	_ =	sdelay $0x5  }
0x238: {  	v35 =	vpop (erf)  }
0x239: {  	v36 =	vld [tilespmem:$0xB60];
	[tilespmem:$0x2F50] =	vst v35  }
0x23a: {  	v1 =	vld.idx.msk [tilespmem:v34+s12+$0x0], $0xffff;
	_ =	sdelay $0x4  }
0x23b: {  	v1 =	vadd.f32 v36, v1;
	_ =	sdelay $0x1  }
0x23c: {  	[tilespmem:$0x2D60] =	vst v1  }
0x23d: {  	v0 =	vld.idx.msk [tilespmem:v34+s13+$0x0], $0xffff;
	_ =	sdelay $0x4  }
0x23e: {  	v0 =	vsub.f32 $0.0e+00, v0;
	_ =	sdelay $0x1  }
0x23f: {  	v0 =	vmul.f32 $1.442695020e+00, v0;
	_ =	sdelay $0x1  }
0x240: {  	(erf) = vpow2.f32 v0;
	_ =	sdelay $0x8  }
0x241: {  	v0 =	vpop (erf)  }
0x242: {  	v0 =	vadd.f32 $1.000000000e+00, v0;
	_ =	sdelay $0x1  }
0x243: {  	(erf) = vrcp.f32 v0;
	_ =	sdelay $0x2  }
0x244: {  	v37 =	vld [tilespmem:$0x170];
	_ =	sdelay $0x5  }
0x245: {  	v38 =	vpop (erf)  }
0x246: {  	v39 =	vld [tilespmem:$0xB70];
	[tilespmem:$0x2F60] =	vst v38  }
0x247: {  	v1 =	vld.idx.msk [tilespmem:v37+s12+$0x0], $0xffff;
	_ =	sdelay $0x4  }
0x248: {  	v1 =	vadd.f32 v39, v1;
	_ =	sdelay $0x1  }
0x249: {  	[tilespmem:$0x2D70] =	vst v1  }
0x24a: {  	v0 =	vld.idx.msk [tilespmem:v37+s13+$0x0], $0xffff;
	_ =	sdelay $0x4  }
0x24b: {  	v0 =	vsub.f32 $0.0e+00, v0;
	_ =	sdelay $0x1  }
0x24c: {  	v0 =	vmul.f32 $1.442695020e+00, v0;
	_ =	sdelay $0x1  }
0x24d: {  	(erf) = vpow2.f32 v0;
	_ =	sdelay $0x8  }
0x24e: {  	v0 =	vpop (erf)  }
0x24f: {  	v0 =	vadd.f32 $1.000000000e+00, v0;
	_ =	sdelay $0x1  }
0x250: {  	(erf) = vrcp.f32 v0;
	_ =	sdelay $0x2  }
0x251: {  	v40 =	vld [tilespmem:$0x180];
	_ =	sdelay $0x5  }
0x252: {  	v41 =	vpop (erf)  }
0x253: {  	v42 =	vld [tilespmem:$0xB80];
	[tilespmem:$0x2F70] =	vst v41  }
0x254: {  	v1 =	vld.idx.msk [tilespmem:v40+s12+$0x0], $0xffff;
	_ =	sdelay $0x4  }
0x255: {  	v1 =	vadd.f32 v42, v1;
	_ =	sdelay $0x1  }
0x256: {  	[tilespmem:$0x2D80] =	vst v1  }
0x257: {  	v0 =	vld.idx.msk [tilespmem:v40+s13+$0x0], $0xffff;
	_ =	sdelay $0x4  }
0x258: {  	v0 =	vsub.f32 $0.0e+00, v0;
	_ =	sdelay $0x1  }
0x259: {  	v0 =	vmul.f32 $1.442695020e+00, v0;
	_ =	sdelay $0x1  }
0x25a: {  	(erf) = vpow2.f32 v0;
	_ =	sdelay $0x8  }
0x25b: {  	v0 =	vpop (erf)  }
0x25c: {  	v0 =	vadd.f32 $1.000000000e+00, v0;
	_ =	sdelay $0x1  }
0x25d: {  	(erf) = vrcp.f32 v0;
	_ =	sdelay $0x2  }
0x25e: {  	v43 =	vld [tilespmem:$0x190];
	_ =	sdelay $0x5  }
0x25f: {  	v44 =	vpop (erf)  }
0x260: {  	v45 =	vld [tilespmem:$0xB90];
	[tilespmem:$0x2F80] =	vst v44  }
0x261: {  	v1 =	vld.idx.msk [tilespmem:v43+s12+$0x0], $0xffff;
	_ =	sdelay $0x4  }
0x262: {  	v1 =	vadd.f32 v45, v1;
	_ =	sdelay $0x1  }
0x263: {  	[tilespmem:$0x2D90] =	vst v1  }
0x264: {  	v0 =	vld.idx.msk [tilespmem:v43+s13+$0x0], $0xffff;
	_ =	sdelay $0x4  }
0x265: {  	v0 =	vsub.f32 $0.0e+00, v0;
	_ =	sdelay $0x1  }
0x266: {  	v0 =	vmul.f32 $1.442695020e+00, v0;
	_ =	sdelay $0x1  }
0x267: {  	(erf) = vpow2.f32 v0;
	_ =	sdelay $0x8  }
0x268: {  	v0 =	vpop (erf)  }
0x269: {  	v0 =	vadd.f32 $1.000000000e+00, v0;
	_ =	sdelay $0x1  }
0x26a: {  	(erf) = vrcp.f32 v0;
	_ =	sdelay $0x2  }
0x26b: {  	v46 =	vld [tilespmem:$0x1A0];
	_ =	sdelay $0x5  }
0x26c: {  	v47 =	vpop (erf)  }
0x26d: {  	v48 =	vld [tilespmem:$0xBA0];
	[tilespmem:$0x2F90] =	vst v47  }
0x26e: {  	v1 =	vld.idx.msk [tilespmem:v46+s12+$0x0], $0xffff;
	_ =	sdelay $0x4  }
0x26f: {  	v1 =	vadd.f32 v48, v1;
	_ =	sdelay $0x1  }
0x270: {  	[tilespmem:$0x2DA0] =	vst v1  }
0x271: {  	v0 =	vld.idx.msk [tilespmem:v46+s13+$0x0], $0xffff;
	_ =	sdelay $0x4  }
0x272: {  	v0 =	vsub.f32 $0.0e+00, v0;
	_ =	sdelay $0x1  }
0x273: {  	v0 =	vmul.f32 $1.442695020e+00, v0;
	_ =	sdelay $0x1  }
0x274: {  	(erf) = vpow2.f32 v0;
	_ =	sdelay $0x8  }
0x275: {  	v0 =	vpop (erf)  }
0x276: {  	v0 =	vadd.f32 $1.000000000e+00, v0;
	_ =	sdelay $0x1  }
0x277: {  	(erf) = vrcp.f32 v0;
	_ =	sdelay $0x2  }
0x278: {  	v49 =	vld [tilespmem:$0x1B0];
	_ =	sdelay $0x5  }
0x279: {  	v50 =	vpop (erf)  }
0x27a: {  	v51 =	vld [tilespmem:$0xBB0];
	[tilespmem:$0x2FA0] =	vst v50  }
0x27b: {  	v1 =	vld.idx.msk [tilespmem:v49+s12+$0x0], $0xffff;
	_ =	sdelay $0x4  }
0x27c: {  	v1 =	vadd.f32 v51, v1;
	_ =	sdelay $0x1  }
0x27d: {  	[tilespmem:$0x2DB0] =	vst v1  }
0x27e: {  	v0 =	vld.idx.msk [tilespmem:v49+s13+$0x0], $0xffff;
	_ =	sdelay $0x4  }
0x27f: {  	v0 =	vsub.f32 $0.0e+00, v0;
	_ =	sdelay $0x1  }
0x280: {  	v0 =	vmul.f32 $1.442695020e+00, v0;
	_ =	sdelay $0x1  }
0x281: {  	(erf) = vpow2.f32 v0;
	_ =	sdelay $0x8  }
0x282: {  	v0 =	vpop (erf)  }
0x283: {  	v0 =	vadd.f32 $1.000000000e+00, v0;
	_ =	sdelay $0x1  }
0x284: {  	(erf) = vrcp.f32 v0;
	_ =	sdelay $0x2  }
0x285: {  	v52 =	vld [tilespmem:$0x1C0];
	_ =	sdelay $0x5  }
0x286: {  	v53 =	vpop (erf)  }
0x287: {  	v54 =	vld [tilespmem:$0xBC0];
	[tilespmem:$0x2FB0] =	vst v53  }
0x288: {  	v1 =	vld.idx.msk [tilespmem:v52+s12+$0x0], $0xffff;
	_ =	sdelay $0x4  }
0x289: {  	v1 =	vadd.f32 v54, v1;
	_ =	sdelay $0x1  }
0x28a: {  	[tilespmem:$0x2DC0] =	vst v1  }
0x28b: {  	v0 =	vld.idx.msk [tilespmem:v52+s13+$0x0], $0xffff;
	_ =	sdelay $0x4  }
0x28c: {  	v0 =	vsub.f32 $0.0e+00, v0;
	_ =	sdelay $0x1  }
0x28d: {  	v0 =	vmul.f32 $1.442695020e+00, v0;
	_ =	sdelay $0x1  }
0x28e: {  	(erf) = vpow2.f32 v0;
	_ =	sdelay $0x8  }
0x28f: {  	v0 =	vpop (erf)  }
0x290: {  	v0 =	vadd.f32 $1.000000000e+00, v0;
	_ =	sdelay $0x1  }
0x291: {  	(erf) = vrcp.f32 v0;
	_ =	sdelay $0x2  }
0x292: {  	v55 =	vld [tilespmem:$0x1D0];
	_ =	sdelay $0x5  }
0x293: {  	v56 =	vpop (erf)  }
0x294: {  	v57 =	vld [tilespmem:$0xBD0];
	[tilespmem:$0x2FC0] =	vst v56  }
0x295: {  	v1 =	vld.idx.msk [tilespmem:v55+s12+$0x0], $0xffff;
	_ =	sdelay $0x4  }
0x296: {  	v1 =	vadd.f32 v57, v1;
	_ =	sdelay $0x1  }
0x297: {  	[tilespmem:$0x2DD0] =	vst v1  }
0x298: {  	v0 =	vld.idx.msk [tilespmem:v55+s13+$0x0], $0xffff;
	_ =	sdelay $0x4  }
0x299: {  	v0 =	vsub.f32 $0.0e+00, v0;
	_ =	sdelay $0x1  }
0x29a: {  	v0 =	vmul.f32 $1.442695020e+00, v0;
	_ =	sdelay $0x1  }
0x29b: {  	(erf) = vpow2.f32 v0;
	_ =	sdelay $0x8  }
0x29c: {  	v0 =	vpop (erf)  }
0x29d: {  	v0 =	vadd.f32 $1.000000000e+00, v0;
	_ =	sdelay $0x1  }
0x29e: {  	(erf) = vrcp.f32 v0;
	_ =	sdelay $0x2  }
0x29f: {  	v58 =	vld [tilespmem:$0x1E0];
	_ =	sdelay $0x5  }
0x2a0: {  	v59 =	vpop (erf)  }
0x2a1: {  	v60 =	vld [tilespmem:$0xBE0];
	[tilespmem:$0x2FD0] =	vst v59  }
0x2a2: {  	v1 =	vld.idx.msk [tilespmem:v58+s12+$0x0], $0xffff;
	_ =	sdelay $0x4  }
0x2a3: {  	v1 =	vadd.f32 v60, v1;
	_ =	sdelay $0x1  }
0x2a4: {  	[tilespmem:$0x2DE0] =	vst v1  }
0x2a5: {  	v0 =	vld.idx.msk [tilespmem:v58+s13+$0x0], $0xffff;
	_ =	sdelay $0x4  }
0x2a6: {  	v0 =	vsub.f32 $0.0e+00, v0;
	_ =	sdelay $0x1  }
0x2a7: {  	v0 =	vmul.f32 $1.442695020e+00, v0;
	_ =	sdelay $0x1  }
0x2a8: {  	(erf) = vpow2.f32 v0;
	_ =	sdelay $0x8  }
0x2a9: {  	v0 =	vpop (erf)  }
0x2aa: {  	v0 =	vadd.f32 $1.000000000e+00, v0;
	_ =	sdelay $0x1  }
0x2ab: {  	(erf) = vrcp.f32 v0;
	_ =	sdelay $0x2  }
0x2ac: {  	v61 =	vld [tilespmem:$0x1F0];
	_ =	sdelay $0x5  }
0x2ad: {  	v62 =	vpop (erf)  }
0x2ae: {  	v63 =	vld [tilespmem:$0xBF0];
	[tilespmem:$0x2FE0] =	vst v62  }
0x2af: {  	v1 =	vld.idx.msk [tilespmem:v61+s12+$0x0], $0xffff;
	_ =	sdelay $0x4  }
0x2b0: {  	v1 =	vadd.f32 v63, v1;
	_ =	sdelay $0x1  }
0x2b1: {  	[tilespmem:$0x2DF0] =	vst v1  }
0x2b2: {  	v0 =	vld.idx.msk [tilespmem:v61+s13+$0x0], $0xffff;
	_ =	sdelay $0x4  }
0x2b3: {  	v0 =	vsub.f32 $0.0e+00, v0;
	_ =	sdelay $0x1  }
0x2b4: {  	v0 =	vmul.f32 $1.442695020e+00, v0;
	_ =	sdelay $0x1  }
0x2b5: {  	(erf) = vpow2.f32 v0;
	_ =	sdelay $0x8  }
0x2b6: {  	v0 =	vpop (erf)  }
0x2b7: {  	v0 =	vadd.f32 $1.000000000e+00, v0;
	_ =	sdelay $0x1  }
0x2b8: {  	(erf) = vrcp.f32 v0;
	_ =	sdelay $0x8  }
0x2b9: {  	v0 =	vpop (erf)  }
0x2ba: {  	s8 =	rddreg [dreg:$0x19];
	[tilespmem:$0x2FF0] =	vst v0  }
0x2bb: {  	[hbm4b:s8+s3] =	stream.linear.scatter [tilespmem:s30], [sflag:$0x9], $0x200, $0x38;
	[tilespmem:$0x13000] =	vst v63  }
0x2bc: {  	_ =	swait.ge [sflag:s31], $0x200  }
0x2bd: {  	[sflag:s31] =	ssyncset.done $0x0  }
0x2be: {  	[sflag:s31] =	ssyncadd.s32 $0xFFFFFE00  }
0x2bf: {  	[hbm4b:s5+s3] =	stream.linear.scatter [tilespmem:s1], [sflag:$0x9], $0x200, $0x38;
	[tilespmem:$0x13000] =	vst v63  }
0x2c0: {  	_ =	swait.ge [sflag:s31], $0x200  }
0x2c1: {  	[sflag:s31] =	ssyncset.done $0x0  }
0x2c2: {  	[sflag:s31] =	ssyncadd.s32 $0xFFFFFE00  }
0x2c3: {  	_ =	swait.ge [sflag:s21], $0x4000  }
0x2c4: {  	[sflag:s21] =	ssyncset.done $0x0  }
0x2c5: {  	[sflag:s21] =	ssyncadd.s32 $0xFFFFC000  }
0x2c6: {  	_ =	swait.ge [sflag:s26], $0x4000  }
0x2c7: {  	[sflag:s26] =	ssyncset.done $0x0  }
0x2c8: {  	[sflag:s26] =	ssyncadd.s32 $0xFFFFC000  }
0x2c9: {  	p0 =	sne.s32 s6, $0x1;
	_ =	swait.ge [sflag:s22], $0x4000  }
.Ltmp0:
0x2ca: {  	[sflag:s22] =	ssyncset.done $0x0;
	(pc) =	sbr.rel @p0 .LBB2_1-.Ltmp0, $4  }
0x2cb: {  	[sflag:s22] =	ssyncadd.s32 $0xFFFFC000  }
0x2cc: {  	_ =	swait.ge [sflag:s28], $0x4000  }
0x2cd: {  	[sflag:s28] =	ssyncset.done $0x0  }
0x2ce: {  	s6 =	sadd.s32 $0xFFFFFFFF, s6;
	[sflag:s28] =	ssyncadd.s32 $0xFFFFC000  }
0x2cf: {  	_ =	sfence.sel $0x180000  }
0x2d0: {  	[bflag:$0x0] =	sbarrier.arrive $0xFFFF  }
0x2d1: {  	_ =	strace $0x90000047  }
0x2d2: {  	s0 =	stileid.u32;
	[bflag:$0x2] =	sbarrier.arrive $0xFFFF  }
0x2d3: {  	p0 =	sne.s32 s0, $0x0;
	s0 =	rddreg [dreg:$0x9]  }
0x2d4: {  	s0 =	sadd.s32 @!p0 $0x100000, s0  }
0x2d5: {  	[sflag:s0] =	ssyncadd.tile.s32 @!p0 $0x1;
	_ =	shalt  }
.Lfunc_end2:
_tile_overlayer_lowered:
.L_overlay_start_2:
0x2d6: {  	(tag) =	ssettag $0x2  }
0x2d7: {  	s0 =	rddreg [dreg:$0x0];
	s2 =	stileid.u32  }
0x2d8: {  	s1 =	rddreg [dreg:$0x1];
	p0 =	sne.s32 s2, $0x0  }
0x2d9: {  	s3 =	rddreg [dreg:$0x2];
	[bflag:$0x3] =	sbarrier.arrive $0xFFFF;
	s2 =	simm.s32 @!p0 $0x1C09  }
0x2da: {  	[timem:s3], [sflag:s2] =	dma.local @!p0 [hbm:s0], s1  }
0x2db: {  	s0 =	simm.s32 @!p0 $0x9  }
0x2dc: {  	_ =	swait.ge @!p0 [sflag:s0], s1  }
0x2dd: {  	s1 =	ssub.s32 @!p0 $0x0, s1;
	[sflag:s0] =	ssyncset.done @!p0 $0x0  }
0x2de: {  	[sflag:s0] =	ssyncadd.s32 @!p0 s1  }
0x2df: {  	[bflag:$0x3] =	sbarrier.arrive $0xFFFF  }
0x2e0: {  	_ =	shalt  }

</sc_bundles>
